<compile_context>
chip_gen: v7x
topology: tpu7x:2x2x1
jax: 0.10.2.dev20260603
libtpu: 0.0.44.dev20260713+nightly
codegen_flags: <defaults>
</compile_context>

<pallas_src>
import functools

import jax
import jax.numpy as jnp
from jax import lax
from jax.experimental import pallas as pl
from jax.experimental.pallas import tpu as pltpu
from jax.experimental.pallas import tpu_sc as plsc

N = 10000
F_IN = 128
D = 32
G = 64
C = 10
E = 320000

NC = 2
NS = 16
NW = NC * NS
CH = 128
K = (E + NW * CH - 1) // (NW * CH)
E_PAD = NW * K * CH
N_PAD = ((N + NS * 8) // (NS * 8)) * (NS * 8)
RPT = N_PAD // NS


def _sc_agg_body(W, h_hbm, src_hbm, dst_hbm, out_hbm,
                 src_v, dst_v, rows_v, zero_v, acc_sh, sem):
    c = lax.axis_index("c")
    s = lax.axis_index("s")
    wid = c * NS + s

    zero = jnp.zeros((16,), jnp.float32)
    for i in range(8):
        for q in range(W // 16):
            zero_v[i, pl.ds(q * 16, 16)] = zero
    row0 = s * RPT

    def zero_chunk(k, _):
        pltpu.sync_copy(zero_v, acc_sh.at[pl.ds(row0 + k * 8, 8)])
        return 0

    lax.fori_loop(0, RPT // 8, zero_chunk, 0)
    plsc.subcore_barrier()

    base = wid * (K * CH)

    def edge_chunk(j, _):
        off = base + j * CH
        ca = pltpu.async_copy(src_hbm.at[pl.ds(off, CH)], src_v, sem)
        cb = pltpu.async_copy(dst_hbm.at[pl.ds(off, CH)], dst_v, sem)
        ca.wait()
        cb.wait()
        pltpu.async_copy(h_hbm.at[src_v], rows_v, sem).wait()
        pltpu.sync_copy(rows_v, acc_sh.at[dst_v], add=True)
        return 0

    lax.fori_loop(0, K, edge_chunk, 0)
    plsc.subcore_barrier()

    pltpu.sync_copy(acc_sh.at[pl.ds(row0, RPT)],
                    out_hbm.at[c, pl.ds(row0, RPT)])


@functools.cache
def _sc_agg(W):
    return pl.kernel(
        functools.partial(_sc_agg_body, W),
        out_type=jax.ShapeDtypeStruct((NC, N_PAD, W), jnp.float32),
        mesh=plsc.VectorSubcoreMesh(core_axis_name="c", subcore_axis_name="s",
                                    num_cores=NC, num_subcores=NS),
        compiler_params=pltpu.CompilerParams(use_tc_tiling_on_sc=False),
        scratch_types=[
            pltpu.VMEM((CH,), jnp.int32),
            pltpu.VMEM((CH,), jnp.int32),
            pltpu.VMEM((CH, W), jnp.float32),
            pltpu.VMEM((8, W), jnp.float32),
            pltpu.VMEM_SHARED((N_PAD, W), jnp.float32),
            pltpu.SemaphoreType.DMA,
        ],
    )


def _layer_head(h, agg_ref, wa, ba, wb, bb, g, be):
    W = h.shape[1]
    z = h + agg_ref[0:N, :] + agg_ref[N_PAD:N_PAD + N, :]
    z = jnp.maximum(jnp.dot(z, wa[...], preferred_element_type=jnp.float32)
                    + ba[...], 0.0)
    z = jnp.dot(z, wb[...], preferred_element_type=jnp.float32) + bb[...]
    h2 = jnp.maximum(z, 0.0)
    m = jnp.mean(h2, axis=0, keepdims=True)
    v = jnp.mean((h2 - m) * (h2 - m), axis=0, keepdims=True)
    return (h2 - m) / jnp.sqrt(v + 1e-5) * g[...] + be[...]


def _mid_body(h_ref, agg_ref, wa, ba, wb, bb, g, be, o_ref):
    o_ref[...] = _layer_head(h_ref[...], agg_ref, wa, ba, wb, bb, g, be)


def _final_body(h_ref, agg_ref, wa, ba, wb, bb, g, be, batch_ref,
                fc1w, fc1b, fc2w, fc2b, o_ref):
    hn = _layer_head(h_ref[...], agg_ref, wa, ba, wb, bb, g, be)
    seg = lax.broadcasted_iota(jnp.int32, (G, N), 0)
    onehot = (seg == batch_ref[...]).astype(jnp.float32)
    pooled = jnp.dot(onehot, hn, preferred_element_type=jnp.float32,
                     precision=lax.Precision.HIGHEST)
    p = jnp.maximum(
        jnp.dot(pooled, fc1w[...], preferred_element_type=jnp.float32)
        + fc1b[...], 0.0)
    o = jnp.dot(p, fc2w[...], preferred_element_type=jnp.float32) + fc2b[...]
    o = o - jnp.max(o, axis=-1, keepdims=True)
    o_ref[...] = o - jnp.log(jnp.sum(jnp.exp(o), axis=-1, keepdims=True))


def _tc_call(body, out_shape):
    return pl.pallas_call(body, out_shape=jax.ShapeDtypeStruct(out_shape,
                                                               jnp.float32))


def kernel(x, params, edge_index, batch):
    pad = E_PAD - E
    perm = jnp.argsort(edge_index[1], stable=True)
    src_p = jnp.concatenate([edge_index[0][perm],
                             jnp.zeros((pad,), jnp.int32)])
    dst_p = jnp.concatenate([edge_index[1][perm],
                             jnp.full((pad,), N, jnp.int32)])

    def row(v):
        return v.reshape(1, -1)

    h = x
    for i in range(5):
        W = h.shape[1]
        agg = _sc_agg(W)(h, src_p, dst_p).reshape(NC * N_PAD, W)
        wa, ba = params[f"w{i}a"], params[f"b{i}a"]
        wb, bb = params[f"w{i}b"], params[f"b{i}b"]
        g, be = params[f"g{i}"], params[f"be{i}"]
        if i < 4:
            h = _tc_call(_mid_body, (N, D))(
                h, agg, wa, row(ba), wb, row(bb), row(g), row(be))
        else:
            out = _tc_call(_final_body, (G, C))(
                h, agg, wa, row(ba), wb, row(bb), row(g), row(be),
                row(batch), params["fc1_w"], row(params["fc1_b"]),
                params["fc2_w"], row(params["fc2_b"]))
    return out

# --- scband reference (transcript-rebuilt; emitter-appended) ---
"""Pipeline reference for scband-net-6648609374696 (READ-ONLY COPY).

The authoritative reference and input builder live on the scoring server;
editing this copy changes nothing except your own understanding.
"""

import jax, jax.numpy as jnp
import numpy as np

N = 10000
E = 320000
F_IN = 128
D = 32
C = 10
G = 64


def setup_inputs(seed: int = 0) -> dict:
    key = jax.random.key(seed)
    ks = jax.random.split(key, 64)
    x = jax.random.normal(ks[0], (N, F_IN), dtype=jnp.float32)
    edge_index = jax.random.randint(ks[1], (2, E), 0, N, dtype=jnp.int32)
    batch = jnp.sort(jax.random.randint(ks[2], (N,), 0, G, dtype=jnp.int32))
    params = {}
    dims = [F_IN, D, D, D, D]
    ki = 3
    for i in range(5):
        params[f'w{i}a'] = jax.random.normal(ks[ki], (dims[i], D), dtype=jnp.float32) * (1.0 / np.sqrt(dims[i])); ki += 1
        params[f'b{i}a'] = jnp.zeros((D,), dtype=jnp.float32)
        params[f'w{i}b'] = jax.random.normal(ks[ki], (D, D), dtype=jnp.float32) * (1.0 / np.sqrt(D)); ki += 1
        params[f'b{i}b'] = jnp.zeros((D,), dtype=jnp.float32)
        params[f'g{i}'] = jnp.ones((D,), dtype=jnp.float32)
        params[f'be{i}'] = jnp.zeros((D,), dtype=jnp.float32)
    params['fc1_w'] = jax.random.normal(ks[ki], (D, D), dtype=jnp.float32) * (1.0 / np.sqrt(D)); ki += 1
    params['fc1_b'] = jnp.zeros((D,), dtype=jnp.float32)
    params['fc2_w'] = jax.random.normal(ks[ki], (D, C), dtype=jnp.float32) * (1.0 / np.sqrt(D)); ki += 1
    params['fc2_b'] = jnp.zeros((C,), dtype=jnp.float32)
    return {'x': x, 'params': params, 'edge_index': edge_index, 'batch': batch}


def _gin_conv(h, edge_index, wa, ba, wb, bb):
    # GINConv with eps=0: nn((1+eps)*x + sum_{j in N(i)} x_j)
    src = edge_index[0]
    dst = edge_index[1]
    agg = jnp.zeros_like(h).at[dst].add(h[src])
    z = h + agg
    z = jnp.maximum(z @ wa + ba, 0.0)
    z = z @ wb + bb
    return z


def _bn(h, gamma, beta):
    # BatchNorm1d in training mode: batch statistics (biased var), eps=1e-5
    m = h.mean(axis=0)
    v = h.var(axis=0)
    return (h - m) / jnp.sqrt(v + 1e-5) * gamma + beta


def reference(x, params, edge_index, batch):
    h = x
    for i in range(5):
        h = _gin_conv(h, edge_index, params[f'w{i}a'], params[f'b{i}a'], params[f'w{i}b'], params[f'b{i}b'])
        h = jnp.maximum(h, 0.0)
        h = _bn(h, params[f'g{i}'], params[f'be{i}'])
    pooled = jax.ops.segment_sum(h, batch, num_segments=G)
    h = jnp.maximum(pooled @ params['fc1_w'] + params['fc1_b'], 0.0)
    # dropout is identity in eval mode
    h = h @ params['fc2_w'] + params['fc2_b']
    return jax.nn.log_softmax(h, axis=-1)

if __name__ == "__main__":
    import jax
    _d = setup_inputs()
    print(jax.jit(kernel)(*tuple(_d.values())))

</pallas_src>

<mosaic_0001>
#map = affine_map<(d0, d1) -> (0, 0)>
#map1 = affine_map<(d0, d1) -> (0)>
#map2 = affine_map<(d0, d1) -> (0, 0, 0)>
module attributes {stable_mosaic.version = 14 : i64} {
  func.func @_sc_agg_body(%arg0: i32, %arg1: i32, %arg2: memref<10000x128xf32, #tpu.memory_space<hbm>>, %arg3: memref<323584xi32, #tpu.memory_space<hbm>>, %arg4: memref<323584xi32, #tpu.memory_space<hbm>>, %arg5: memref<2x10112x128xf32, #tpu.memory_space<hbm>>, %arg6: memref<128xi32, #tpu.memory_space<vmem>>, %arg7: memref<128xi32, #tpu.memory_space<vmem>>, %arg8: memref<128x128xf32, #tpu.memory_space<vmem>>, %arg9: memref<8x128xf32, #tpu.memory_space<vmem>>, %arg10: memref<10112x128xf32, #tpu.memory_space<vmem_shared>>, %arg11: memref<!tpu.dma_semaphore, #tpu.memory_space<semaphore_mem>>) attributes {dimension_semantics = [#tpu.dimension_semantics<core_parallel>, #tpu.dimension_semantics<subcore_parallel>], iteration_bounds = array<i64: 2, 16>, scalar_prefetch = 0 : i64, scratch_operands = 6 : i64, tpu.core_type = #tpu.core_type<sc_vector_subcore>, window_params = [{transform_indices = #map}, {transform_indices = #map1}, {transform_indices = #map1}, {transform_indices = #map2}]} {
    %mul3A = arith.constant 16 : i32
    %mul3A_0 = arith.muli %arg0, %mul3A : i32
    %add3A = arith.addi %mul3A_0, %arg1 : i32
    %broadcast_in_dim3A = arith.constant 0.000000e+00 : f32
    %broadcast_in_dim3A_1 = vector.broadcast %broadcast_in_dim3A : f32 to vector<16xf32>
    %swap3A = arith.constant 0 : i32
    %swap3A_2 = arith.index_cast %swap3A : i32 to index
    %swap3A_3 = arith.constant 0 : index
    %swap3A_4 = tpu.vector_load %arg9[%swap3A_2, %swap3A_3] {strides = array<i32>} : memref<8x128xf32, #tpu.memory_space<vmem>>, vector<1x16xf32>,
    %swap3A_5 = vector.shape_cast %swap3A_4 : vector<1x16xf32> to vector<16xf32>
    %swap3A_6 = vector.shape_cast %broadcast_in_dim3A_1 : vector<16xf32> to vector<1x16xf32>
    tpu.vector_store %arg9[%swap3A_2, %swap3A_3], %swap3A_6 {strides = array<i32>} : memref<8x128xf32, #tpu.memory_space<vmem>>, vector<1x16xf32>,
    %swap3A_7 = arith.constant 0 : i32
    %swap3A_8 = arith.index_cast %swap3A_7 : i32 to index
    %swap3A_9 = arith.constant 16 : index
    %swap3A_10 = tpu.vector_load %arg9[%swap3A_8, %swap3A_9] {strides = array<i32>} : memref<8x128xf32, #tpu.memory_space<vmem>>, vector<1x16xf32>,
    %swap3A_11 = vector.shape_cast %swap3A_10 : vector<1x16xf32> to vector<16xf32>
    %swap3A_12 = vector.shape_cast %broadcast_in_dim3A_1 : vector<16xf32> to vector<1x16xf32>
    tpu.vector_store %arg9[%swap3A_8, %swap3A_9], %swap3A_12 {strides = array<i32>} : memref<8x128xf32, #tpu.memory_space<vmem>>, vector<1x16xf32>,
    %swap3A_13 = arith.constant 0 : i32
    %swap3A_14 = arith.index_cast %swap3A_13 : i32 to index
    %swap3A_15 = arith.constant 32 : index
    %swap3A_16 = tpu.vector_load %arg9[%swap3A_14, %swap3A_15] {strides = array<i32>} : memref<8x128xf32, #tpu.memory_space<vmem>>, vector<1x16xf32>,
    %swap3A_17 = vector.shape_cast %swap3A_16 : vector<1x16xf32> to vector<16xf32>
    %swap3A_18 = vector.shape_cast %broadcast_in_dim3A_1 : vector<16xf32> to vector<1x16xf32>
    tpu.vector_store %arg9[%swap3A_14, %swap3A_15], %swap3A_18 {strides = array<i32>} : memref<8x128xf32, #tpu.memory_space<vmem>>, vector<1x16xf32>,
    %swap3A_19 = arith.constant 0 : i32
    %swap3A_20 = arith.index_cast %swap3A_19 : i32 to index
    %swap3A_21 = arith.constant 48 : index
    %swap3A_22 = tpu.vector_load %arg9[%swap3A_20, %swap3A_21] {strides = array<i32>} : memref<8x128xf32, #tpu.memory_space<vmem>>, vector<1x16xf32>,
    %swap3A_23 = vector.shape_cast %swap3A_22 : vector<1x16xf32> to vector<16xf32>
    %swap3A_24 = vector.shape_cast %broadcast_in_dim3A_1 : vector<16xf32> to vector<1x16xf32>
    tpu.vector_store %arg9[%swap3A_20, %swap3A_21], %swap3A_24 {strides = array<i32>} : memref<8x128xf32, #tpu.memory_space<vmem>>, vector<1x16xf32>,
    %swap3A_25 = arith.constant 0 : i32
    %swap3A_26 = arith.index_cast %swap3A_25 : i32 to index
    %swap3A_27 = arith.constant 64 : index
    %swap3A_28 = tpu.vector_load %arg9[%swap3A_26, %swap3A_27] {strides = array<i32>} : memref<8x128xf32, #tpu.memory_space<vmem>>, vector<1x16xf32>,
    %swap3A_29 = vector.shape_cast %swap3A_28 : vector<1x16xf32> to vector<16xf32>
    %swap3A_30 = vector.shape_cast %broadcast_in_dim3A_1 : vector<16xf32> to vector<1x16xf32>
    tpu.vector_store %arg9[%swap3A_26, %swap3A_27], %swap3A_30 {strides = array<i32>} : memref<8x128xf32, #tpu.memory_space<vmem>>, vector<1x16xf32>,
    %swap3A_31 = arith.constant 0 : i32
    %swap3A_32 = arith.index_cast %swap3A_31 : i32 to index
    %swap3A_33 = arith.constant 80 : index
    %swap3A_34 = tpu.vector_load %arg9[%swap3A_32, %swap3A_33] {strides = array<i32>} : memref<8x128xf32, #tpu.memory_space<vmem>>, vector<1x16xf32>,
    %swap3A_35 = vector.shape_cast %swap3A_34 : vector<1x16xf32> to vector<16xf32>
    %swap3A_36 = vector.shape_cast %broadcast_in_dim3A_1 : vector<16xf32> to vector<1x16xf32>
    tpu.vector_store %arg9[%swap3A_32, %swap3A_33], %swap3A_36 {strides = array<i32>} : memref<8x128xf32, #tpu.memory_space<vmem>>, vector<1x16xf32>,
    %swap3A_37 = arith.constant 0 : i32
    %swap3A_38 = arith.index_cast %swap3A_37 : i32 to index
    %swap3A_39 = arith.constant 96 : index
    %swap3A_40 = tpu.vector_load %arg9[%swap3A_38, %swap3A_39] {strides = array<i32>} : memref<8x128xf32, #tpu.memory_space<vmem>>, vector<1x16xf32>,
    %swap3A_41 = vector.shape_cast %swap3A_40 : vector<1x16xf32> to vector<16xf32>
    %swap3A_42 = vector.shape_cast %broadcast_in_dim3A_1 : vector<16xf32> to vector<1x16xf32>
    tpu.vector_store %arg9[%swap3A_38, %swap3A_39], %swap3A_42 {strides = array<i32>} : memref<8x128xf32, #tpu.memory_space<vmem>>, vector<1x16xf32>,
    %swap3A_43 = arith.constant 0 : i32
    %swap3A_44 = arith.index_cast %swap3A_43 : i32 to index
    %swap3A_45 = arith.constant 112 : index
    %swap3A_46 = tpu.vector_load %arg9[%swap3A_44, %swap3A_45] {strides = array<i32>} : memref<8x128xf32, #tpu.memory_space<vmem>>, vector<1x16xf32>,
    %swap3A_47 = vector.shape_cast %swap3A_46 : vector<1x16xf32> to vector<16xf32>
    %swap3A_48 = vector.shape_cast %broadcast_in_dim3A_1 : vector<16xf32> to vector<1x16xf32>
    tpu.vector_store %arg9[%swap3A_44, %swap3A_45], %swap3A_48 {strides = array<i32>} : memref<8x128xf32, #tpu.memory_space<vmem>>, vector<1x16xf32>,
    %swap3A_49 = arith.constant 1 : i32
    %swap3A_50 = arith.index_cast %swap3A_49 : i32 to index
    %swap3A_51 = arith.constant 0 : index
    %swap3A_52 = tpu.vector_load %arg9[%swap3A_50, %swap3A_51] {strides = array<i32>} : memref<8x128xf32, #tpu.memory_space<vmem>>, vector<1x16xf32>,
    %swap3A_53 = vector.shape_cast %swap3A_52 : vector<1x16xf32> to vector<16xf32>
    %swap3A_54 = vector.shape_cast %broadcast_in_dim3A_1 : vector<16xf32> to vector<1x16xf32>
    tpu.vector_store %arg9[%swap3A_50, %swap3A_51], %swap3A_54 {strides = array<i32>} : memref<8x128xf32, #tpu.memory_space<vmem>>, vector<1x16xf32>,
    %swap3A_55 = arith.constant 1 : i32
    %swap3A_56 = arith.index_cast %swap3A_55 : i32 to index
    %swap3A_57 = arith.constant 16 : index
    %swap3A_58 = tpu.vector_load %arg9[%swap3A_56, %swap3A_57] {strides = array<i32>} : memref<8x128xf32, #tpu.memory_space<vmem>>, vector<1x16xf32>,
    %swap3A_59 = vector.shape_cast %swap3A_58 : vector<1x16xf32> to vector<16xf32>
    %swap3A_60 = vector.shape_cast %broadcast_in_dim3A_1 : vector<16xf32> to vector<1x16xf32>
    tpu.vector_store %arg9[%swap3A_56, %swap3A_57], %swap3A_60 {strides = array<i32>} : memref<8x128xf32, #tpu.memory_space<vmem>>, vector<1x16xf32>,
    %swap3A_61 = arith.constant 1 : i32
    %swap3A_62 = arith.index_cast %swap3A_61 : i32 to index
    %swap3A_63 = arith.constant 32 : index
    %swap3A_64 = tpu.vector_load %arg9[%swap3A_62, %swap3A_63] {strides = array<i32>} : memref<8x128xf32, #tpu.memory_space<vmem>>, vector<1x16xf32>,
    %swap3A_65 = vector.shape_cast %swap3A_64 : vector<1x16xf32> to vector<16xf32>
    %swap3A_66 = vector.shape_cast %broadcast_in_dim3A_1 : vector<16xf32> to vector<1x16xf32>
    tpu.vector_store %arg9[%swap3A_62, %swap3A_63], %swap3A_66 {strides = array<i32>} : memref<8x128xf32, #tpu.memory_space<vmem>>, vector<1x16xf32>,
    %swap3A_67 = arith.constant 1 : i32
    %swap3A_68 = arith.index_cast %swap3A_67 : i32 to index
    %swap3A_69 = arith.constant 48 : index
    %swap3A_70 = tpu.vector_load %arg9[%swap3A_68, %swap3A_69] {strides = array<i32>} : memref<8x128xf32, #tpu.memory_space<vmem>>, vector<1x16xf32>,
    %swap3A_71 = vector.shape_cast %swap3A_70 : vector<1x16xf32> to vector<16xf32>
    %swap3A_72 = vector.shape_cast %broadcast_in_dim3A_1 : vector<16xf32> to vector<1x16xf32>
    tpu.vector_store %arg9[%swap3A_68, %swap3A_69], %swap3A_72 {strides = array<i32>} : memref<8x128xf32, #tpu.memory_space<vmem>>, vector<1x16xf32>,
    %swap3A_73 = arith.constant 1 : i32
    %swap3A_74 = arith.index_cast %swap3A_73 : i32 to index
    %swap3A_75 = arith.constant 64 : index
    %swap3A_76 = tpu.vector_load %arg9[%swap3A_74, %swap3A_75] {strides = array<i32>} : memref<8x128xf32, #tpu.memory_space<vmem>>, vector<1x16xf32>,
    %swap3A_77 = vector.shape_cast %swap3A_76 : vector<1x16xf32> to vector<16xf32>
    %swap3A_78 = vector.shape_cast %broadcast_in_dim3A_1 : vector<16xf32> to vector<1x16xf32>
    tpu.vector_store %arg9[%swap3A_74, %swap3A_75], %swap3A_78 {strides = array<i32>} : memref<8x128xf32, #tpu.memory_space<vmem>>, vector<1x16xf32>,
    %swap3A_79 = arith.constant 1 : i32
    %swap3A_80 = arith.index_cast %swap3A_79 : i32 to index
    %swap3A_81 = arith.constant 80 : index
    %swap3A_82 = tpu.vector_load %arg9[%swap3A_80, %swap3A_81] {strides = array<i32>} : memref<8x128xf32, #tpu.memory_space<vmem>>, vector<1x16xf32>,
    %swap3A_83 = vector.shape_cast %swap3A_82 : vector<1x16xf32> to vector<16xf32>
    %swap3A_84 = vector.shape_cast %broadcast_in_dim3A_1 : vector<16xf32> to vector<1x16xf32>
    tpu.vector_store %arg9[%swap3A_80, %swap3A_81], %swap3A_84 {strides = array<i32>} : memref<8x128xf32, #tpu.memory_space<vmem>>, vector<1x16xf32>,
    %swap3A_85 = arith.constant 1 : i32
    %swap3A_86 = arith.index_cast %swap3A_85 : i32 to index
    %swap3A_87 = arith.constant 96 : index
    %swap3A_88 = tpu.vector_load %arg9[%swap3A_86, %swap3A_87] {strides = array<i32>} : memref<8x128xf32, #tpu.memory_space<vmem>>, vector<1x16xf32>,
    %swap3A_89 = vector.shape_cast %swap3A_88 : vector<1x16xf32> to vector<16xf32>
    %swap3A_90 = vector.shape_cast %broadcast_in_dim3A_1 : vector<16xf32> to vector<1x16xf32>
    tpu.vector_store %arg9[%swap3A_86, %swap3A_87], %swap3A_90 {strides = array<i32>} : memref<8x128xf32, #tpu.memory_space<vmem>>, vector<1x16xf32>,
    %swap3A_91 = arith.constant 1 : i32
    %swap3A_92 = arith.index_cast %swap3A_91 : i32 to index
    %swap3A_93 = arith.constant 112 : index
    %swap3A_94 = tpu.vector_load %arg9[%swap3A_92, %swap3A_93] {strides = array<i32>} : memref<8x128xf32, #tpu.memory_space<vmem>>, vector<1x16xf32>,
    %swap3A_95 = vector.shape_cast %swap3A_94 : vector<1x16xf32> to vector<16xf32>
    %swap3A_96 = vector.shape_cast %broadcast_in_dim3A_1 : vector<16xf32> to vector<1x16xf32>
    tpu.vector_store %arg9[%swap3A_92, %swap3A_93], %swap3A_96 {strides = array<i32>} : memref<8x128xf32, #tpu.memory_space<vmem>>, vector<1x16xf32>,
    %swap3A_97 = arith.constant 2 : i32
    %swap3A_98 = arith.index_cast %swap3A_97 : i32 to index
    %swap3A_99 = arith.constant 0 : index
    %swap3A_100 = tpu.vector_load %arg9[%swap3A_98, %swap3A_99] {strides = array<i32>} : memref<8x128xf32, #tpu.memory_space<vmem>>, vector<1x16xf32>,
    %swap3A_101 = vector.shape_cast %swap3A_100 : vector<1x16xf32> to vector<16xf32>
    %swap3A_102 = vector.shape_cast %broadcast_in_dim3A_1 : vector<16xf32> to vector<1x16xf32>
    tpu.vector_store %arg9[%swap3A_98, %swap3A_99], %swap3A_102 {strides = array<i32>} : memref<8x128xf32, #tpu.memory_space<vmem>>, vector<1x16xf32>,
    %swap3A_103 = arith.constant 2 : i32
    %swap3A_104 = arith.index_cast %swap3A_103 : i32 to index
    %swap3A_105 = arith.constant 16 : index
    %swap3A_106 = tpu.vector_load %arg9[%swap3A_104, %swap3A_105] {strides = array<i32>} : memref<8x128xf32, #tpu.memory_space<vmem>>, vector<1x16xf32>,
    %swap3A_107 = vector.shape_cast %swap3A_106 : vector<1x16xf32> to vector<16xf32>
    %swap3A_108 = vector.shape_cast %broadcast_in_dim3A_1 : vector<16xf32> to vector<1x16xf32>
    tpu.vector_store %arg9[%swap3A_104, %swap3A_105], %swap3A_108 {strides = array<i32>} : memref<8x128xf32, #tpu.memory_space<vmem>>, vector<1x16xf32>,
    %swap3A_109 = arith.constant 2 : i32
    %swap3A_110 = arith.index_cast %swap3A_109 : i32 to index
    %swap3A_111 = arith.constant 32 : index
    %swap3A_112 = tpu.vector_load %arg9[%swap3A_110, %swap3A_111] {strides = array<i32>} : memref<8x128xf32, #tpu.memory_space<vmem>>, vector<1x16xf32>,
    %swap3A_113 = vector.shape_cast %swap3A_112 : vector<1x16xf32> to vector<16xf32>
    %swap3A_114 = vector.shape_cast %broadcast_in_dim3A_1 : vector<16xf32> to vector<1x16xf32>
    tpu.vector_store %arg9[%swap3A_110, %swap3A_111], %swap3A_114 {strides = array<i32>} : memref<8x128xf32, #tpu.memory_space<vmem>>, vector<1x16xf32>,
    %swap3A_115 = arith.constant 2 : i32
    %swap3A_116 = arith.index_cast %swap3A_115 : i32 to index
    %swap3A_117 = arith.constant 48 : index
    %swap3A_118 = tpu.vector_load %arg9[%swap3A_116, %swap3A_117] {strides = array<i32>} : memref<8x128xf32, #tpu.memory_space<vmem>>, vector<1x16xf32>,
    %swap3A_119 = vector.shape_cast %swap3A_118 : vector<1x16xf32> to vector<16xf32>
    %swap3A_120 = vector.shape_cast %broadcast_in_dim3A_1 : vector<16xf32> to vector<1x16xf32>
    tpu.vector_store %arg9[%swap3A_116, %swap3A_117], %swap3A_120 {strides = array<i32>} : memref<8x128xf32, #tpu.memory_space<vmem>>, vector<1x16xf32>,
    %swap3A_121 = arith.constant 2 : i32
    %swap3A_122 = arith.index_cast %swap3A_121 : i32 to index
    %swap3A_123 = arith.constant 64 : index
    %swap3A_124 = tpu.vector_load %arg9[%swap3A_122, %swap3A_123] {strides = array<i32>} : memref<8x128xf32, #tpu.memory_space<vmem>>, vector<1x16xf32>,
    %swap3A_125 = vector.shape_cast %swap3A_124 : vector<1x16xf32> to vector<16xf32>
    %swap3A_126 = vector.shape_cast %broadcast_in_dim3A_1 : vector<16xf32> to vector<1x16xf32>
    tpu.vector_store %arg9[%swap3A_122, %swap3A_123], %swap3A_126 {strides = array<i32>} : memref<8x128xf32, #tpu.memory_space<vmem>>, vector<1x16xf32>,
    %swap3A_127 = arith.constant 2 : i32
    %swap3A_128 = arith.index_cast %swap3A_127 : i32 to index
    %swap3A_129 = arith.constant 80 : index
    %swap3A_130 = tpu.vector_load %arg9[%swap3A_128, %swap3A_129] {strides = array<i32>} : memref<8x128xf32, #tpu.memory_space<vmem>>, vector<1x16xf32>,
    %swap3A_131 = vector.shape_cast %swap3A_130 : vector<1x16xf32> to vector<16xf32>
    %swap3A_132 = vector.shape_cast %broadcast_in_dim3A_1 : vector<16xf32> to vector<1x16xf32>
    tpu.vector_store %arg9[%swap3A_128, %swap3A_129], %swap3A_132 {strides = array<i32>} : memref<8x128xf32, #tpu.memory_space<vmem>>, vector<1x16xf32>,
    %swap3A_133 = arith.constant 2 : i32
    %swap3A_134 = arith.index_cast %swap3A_133 : i32 to index
    %swap3A_135 = arith.constant 96 : index
    %swap3A_136 = tpu.vector_load %arg9[%swap3A_134, %swap3A_135] {strides = array<i32>} : memref<8x128xf32, #tpu.memory_space<vmem>>, vector<1x16xf32>,
    %swap3A_137 = vector.shape_cast %swap3A_136 : vector<1x16xf32> to vector<16xf32>
    %swap3A_138 = vector.shape_cast %broadcast_in_dim3A_1 : vector<16xf32> to vector<1x16xf32>
    tpu.vector_store %arg9[%swap3A_134, %swap3A_135], %swap3A_138 {strides = array<i32>} : memref<8x128xf32, #tpu.memory_space<vmem>>, vector<1x16xf32>,
    %swap3A_139 = arith.constant 2 : i32
    %swap3A_140 = arith.index_cast %swap3A_139 : i32 to index
    %swap3A_141 = arith.constant 112 : index
    %swap3A_142 = tpu.vector_load %arg9[%swap3A_140, %swap3A_141] {strides = array<i32>} : memref<8x128xf32, #tpu.memory_space<vmem>>, vector<1x16xf32>,
    %swap3A_143 = vector.shape_cast %swap3A_142 : vector<1x16xf32> to vector<16xf32>
    %swap3A_144 = vector.shape_cast %broadcast_in_dim3A_1 : vector<16xf32> to vector<1x16xf32>
    tpu.vector_store %arg9[%swap3A_140, %swap3A_141], %swap3A_144 {strides = array<i32>} : memref<8x128xf32, #tpu.memory_space<vmem>>, vector<1x16xf32>,
    %swap3A_145 = arith.constant 3 : i32
    %swap3A_146 = arith.index_cast %swap3A_145 : i32 to index
    %swap3A_147 = arith.constant 0 : index
    %swap3A_148 = tpu.vector_load %arg9[%swap3A_146, %swap3A_147] {strides = array<i32>} : memref<8x128xf32, #tpu.memory_space<vmem>>, vector<1x16xf32>,
    %swap3A_149 = vector.shape_cast %swap3A_148 : vector<1x16xf32> to vector<16xf32>
    %swap3A_150 = vector.shape_cast %broadcast_in_dim3A_1 : vector<16xf32> to vector<1x16xf32>
    tpu.vector_store %arg9[%swap3A_146, %swap3A_147], %swap3A_150 {strides = array<i32>} : memref<8x128xf32, #tpu.memory_space<vmem>>, vector<1x16xf32>,
    %swap3A_151 = arith.constant 3 : i32
    %swap3A_152 = arith.index_cast %swap3A_151 : i32 to index
    %swap3A_153 = arith.constant 16 : index
    %swap3A_154 = tpu.vector_load %arg9[%swap3A_152, %swap3A_153] {strides = array<i32>} : memref<8x128xf32, #tpu.memory_space<vmem>>, vector<1x16xf32>,
    %swap3A_155 = vector.shape_cast %swap3A_154 : vector<1x16xf32> to vector<16xf32>
    %swap3A_156 = vector.shape_cast %broadcast_in_dim3A_1 : vector<16xf32> to vector<1x16xf32>
    tpu.vector_store %arg9[%swap3A_152, %swap3A_153], %swap3A_156 {strides = array<i32>} : memref<8x128xf32, #tpu.memory_space<vmem>>, vector<1x16xf32>,
    %swap3A_157 = arith.constant 3 : i32
    %swap3A_158 = arith.index_cast %swap3A_157 : i32 to index
    %swap3A_159 = arith.constant 32 : index
    %swap3A_160 = tpu.vector_load %arg9[%swap3A_158, %swap3A_159] {strides = array<i32>} : memref<8x128xf32, #tpu.memory_space<vmem>>, vector<1x16xf32>,
    %swap3A_161 = vector.shape_cast %swap3A_160 : vector<1x16xf32> to vector<16xf32>
    %swap3A_162 = vector.shape_cast %broadcast_in_dim3A_1 : vector<16xf32> to vector<1x16xf32>
    tpu.vector_store %arg9[%swap3A_158, %swap3A_159], %swap3A_162 {strides = array<i32>} : memref<8x128xf32, #tpu.memory_space<vmem>>, vector<1x16xf32>,
    %swap3A_163 = arith.constant 3 : i32
    %swap3A_164 = arith.index_cast %swap3A_163 : i32 to index
    %swap3A_165 = arith.constant 48 : index
    %swap3A_166 = tpu.vector_load %arg9[%swap3A_164, %swap3A_165] {strides = array<i32>} : memref<8x128xf32, #tpu.memory_space<vmem>>, vector<1x16xf32>,
    %swap3A_167 = vector.shape_cast %swap3A_166 : vector<1x16xf32> to vector<16xf32>
    %swap3A_168 = vector.shape_cast %broadcast_in_dim3A_1 : vector<16xf32> to vector<1x16xf32>
    tpu.vector_store %arg9[%swap3A_164, %swap3A_165], %swap3A_168 {strides = array<i32>} : memref<8x128xf32, #tpu.memory_space<vmem>>, vector<1x16xf32>,
    %swap3A_169 = arith.constant 3 : i32
    %swap3A_170 = arith.index_cast %swap3A_169 : i32 to index
    %swap3A_171 = arith.constant 64 : index
    %swap3A_172 = tpu.vector_load %arg9[%swap3A_170, %swap3A_171] {strides = array<i32>} : memref<8x128xf32, #tpu.memory_space<vmem>>, vector<1x16xf32>,
    %swap3A_173 = vector.shape_cast %swap3A_172 : vector<1x16xf32> to vector<16xf32>
    %swap3A_174 = vector.shape_cast %broadcast_in_dim3A_1 : vector<16xf32> to vector<1x16xf32>
    tpu.vector_store %arg9[%swap3A_170, %swap3A_171], %swap3A_174 {strides = array<i32>} : memref<8x128xf32, #tpu.memory_space<vmem>>, vector<1x16xf32>,
    %swap3A_175 = arith.constant 3 : i32
    %swap3A_176 = arith.index_cast %swap3A_175 : i32 to index
    %swap3A_177 = arith.constant 80 : index
    %swap3A_178 = tpu.vector_load %arg9[%swap3A_176, %swap3A_177] {strides = array<i32>} : memref<8x128xf32, #tpu.memory_space<vmem>>, vector<1x16xf32>,
    %swap3A_179 = vector.shape_cast %swap3A_178 : vector<1x16xf32> to vector<16xf32>
    %swap3A_180 = vector.shape_cast %broadcast_in_dim3A_1 : vector<16xf32> to vector<1x16xf32>
    tpu.vector_store %arg9[%swap3A_176, %swap3A_177], %swap3A_180 {strides = array<i32>} : memref<8x128xf32, #tpu.memory_space<vmem>>, vector<1x16xf32>,
    %swap3A_181 = arith.constant 3 : i32
    %swap3A_182 = arith.index_cast %swap3A_181 : i32 to index
    %swap3A_183 = arith.constant 96 : index
    %swap3A_184 = tpu.vector_load %arg9[%swap3A_182, %swap3A_183] {strides = array<i32>} : memref<8x128xf32, #tpu.memory_space<vmem>>, vector<1x16xf32>,
    %swap3A_185 = vector.shape_cast %swap3A_184 : vector<1x16xf32> to vector<16xf32>
    %swap3A_186 = vector.shape_cast %broadcast_in_dim3A_1 : vector<16xf32> to vector<1x16xf32>
    tpu.vector_store %arg9[%swap3A_182, %swap3A_183], %swap3A_186 {strides = array<i32>} : memref<8x128xf32, #tpu.memory_space<vmem>>, vector<1x16xf32>,
    %swap3A_187 = arith.constant 3 : i32
    %swap3A_188 = arith.index_cast %swap3A_187 : i32 to index
    %swap3A_189 = arith.constant 112 : index
    %swap3A_190 = tpu.vector_load %arg9[%swap3A_188, %swap3A_189] {strides = array<i32>} : memref<8x128xf32, #tpu.memory_space<vmem>>, vector<1x16xf32>,
    %swap3A_191 = vector.shape_cast %swap3A_190 : vector<1x16xf32> to vector<16xf32>
    %swap3A_192 = vector.shape_cast %broadcast_in_dim3A_1 : vector<16xf32> to vector<1x16xf32>
    tpu.vector_store %arg9[%swap3A_188, %swap3A_189], %swap3A_192 {strides = array<i32>} : memref<8x128xf32, #tpu.memory_space<vmem>>, vector<1x16xf32>,
    %swap3A_193 = arith.constant 4 : i32
    %swap3A_194 = arith.index_cast %swap3A_193 : i32 to index
    %swap3A_195 = arith.constant 0 : index
    %swap3A_196 = tpu.vector_load %arg9[%swap3A_194, %swap3A_195] {strides = array<i32>} : memref<8x128xf32, #tpu.memory_space<vmem>>, vector<1x16xf32>,
    %swap3A_197 = vector.shape_cast %swap3A_196 : vector<1x16xf32> to vector<16xf32>
    %swap3A_198 = vector.shape_cast %broadcast_in_dim3A_1 : vector<16xf32> to vector<1x16xf32>
    tpu.vector_store %arg9[%swap3A_194, %swap3A_195], %swap3A_198 {strides = array<i32>} : memref<8x128xf32, #tpu.memory_space<vmem>>, vector<1x16xf32>,
    %swap3A_199 = arith.constant 4 : i32
    %swap3A_200 = arith.index_cast %swap3A_199 : i32 to index
    %swap3A_201 = arith.constant 16 : index
    %swap3A_202 = tpu.vector_load %arg9[%swap3A_200, %swap3A_201] {strides = array<i32>} : memref<8x128xf32, #tpu.memory_space<vmem>>, vector<1x16xf32>,
    %swap3A_203 = vector.shape_cast %swap3A_202 : vector<1x16xf32> to vector<16xf32>
    %swap3A_204 = vector.shape_cast %broadcast_in_dim3A_1 : vector<16xf32> to vector<1x16xf32>
    tpu.vector_store %arg9[%swap3A_200, %swap3A_201], %swap3A_204 {strides = array<i32>} : memref<8x128xf32, #tpu.memory_space<vmem>>, vector<1x16xf32>,
    %swap3A_205 = arith.constant 4 : i32
    %swap3A_206 = arith.index_cast %swap3A_205 : i32 to index
    %swap3A_207 = arith.constant 32 : index
    %swap3A_208 = tpu.vector_load %arg9[%swap3A_206, %swap3A_207] {strides = array<i32>} : memref<8x128xf32, #tpu.memory_space<vmem>>, vector<1x16xf32>,
    %swap3A_209 = vector.shape_cast %swap3A_208 : vector<1x16xf32> to vector<16xf32>
    %swap3A_210 = vector.shape_cast %broadcast_in_dim3A_1 : vector<16xf32> to vector<1x16xf32>
    tpu.vector_store %arg9[%swap3A_206, %swap3A_207], %swap3A_210 {strides = array<i32>} : memref<8x128xf32, #tpu.memory_space<vmem>>, vector<1x16xf32>,
    %swap3A_211 = arith.constant 4 : i32
    %swap3A_212 = arith.index_cast %swap3A_211 : i32 to index
    %swap3A_213 = arith.constant 48 : index
    %swap3A_214 = tpu.vector_load %arg9[%swap3A_212, %swap3A_213] {strides = array<i32>} : memref<8x128xf32, #tpu.memory_space<vmem>>, vector<1x16xf32>,
    %swap3A_215 = vector.shape_cast %swap3A_214 : vector<1x16xf32> to vector<16xf32>
    %swap3A_216 = vector.shape_cast %broadcast_in_dim3A_1 : vector<16xf32> to vector<1x16xf32>
    tpu.vector_store %arg9[%swap3A_212, %swap3A_213], %swap3A_216 {strides = array<i32>} : memref<8x128xf32, #tpu.memory_space<vmem>>, vector<1x16xf32>,
    %swap3A_217 = arith.constant 4 : i32
    %swap3A_218 = arith.index_cast %swap3A_217 : i32 to index
    %swap3A_219 = arith.constant 64 : index
    %swap3A_220 = tpu.vector_load %arg9[%swap3A_218, %swap3A_219] {strides = array<i32>} : memref<8x128xf32, #tpu.memory_space<vmem>>, vector<1x16xf32>,
    %swap3A_221 = vector.shape_cast %swap3A_220 : vector<1x16xf32> to vector<16xf32>
    %swap3A_222 = vector.shape_cast %broadcast_in_dim3A_1 : vector<16xf32> to vector<1x16xf32>
    tpu.vector_store %arg9[%swap3A_218, %swap3A_219], %swap3A_222 {strides = array<i32>} : memref<8x128xf32, #tpu.memory_space<vmem>>, vector<1x16xf32>,
    %swap3A_223 = arith.constant 4 : i32
    %swap3A_224 = arith.index_cast %swap3A_223 : i32 to index
    %swap3A_225 = arith.constant 80 : index
    %swap3A_226 = tpu.vector_load %arg9[%swap3A_224, %swap3A_225] {strides = array<i32>} : memref<8x128xf32, #tpu.memory_space<vmem>>, vector<1x16xf32>,
    %swap3A_227 = vector.shape_cast %swap3A_226 : vector<1x16xf32> to vector<16xf32>
    %swap3A_228 = vector.shape_cast %broadcast_in_dim3A_1 : vector<16xf32> to vector<1x16xf32>
    tpu.vector_store %arg9[%swap3A_224, %swap3A_225], %swap3A_228 {strides = array<i32>} : memref<8x128xf32, #tpu.memory_space<vmem>>, vector<1x16xf32>,
    %swap3A_229 = arith.constant 4 : i32
    %swap3A_230 = arith.index_cast %swap3A_229 : i32 to index
    %swap3A_231 = arith.constant 96 : index
    %swap3A_232 = tpu.vector_load %arg9[%swap3A_230, %swap3A_231] {strides = array<i32>} : memref<8x128xf32, #tpu.memory_space<vmem>>, vector<1x16xf32>,
    %swap3A_233 = vector.shape_cast %swap3A_232 : vector<1x16xf32> to vector<16xf32>
    %swap3A_234 = vector.shape_cast %broadcast_in_dim3A_1 : vector<16xf32> to vector<1x16xf32>
    tpu.vector_store %arg9[%swap3A_230, %swap3A_231], %swap3A_234 {strides = array<i32>} : memref<8x128xf32, #tpu.memory_space<vmem>>, vector<1x16xf32>,
    %swap3A_235 = arith.constant 4 : i32
    %swap3A_236 = arith.index_cast %swap3A_235 : i32 to index
    %swap3A_237 = arith.constant 112 : index
    %swap3A_238 = tpu.vector_load %arg9[%swap3A_236, %swap3A_237] {strides = array<i32>} : memref<8x128xf32, #tpu.memory_space<vmem>>, vector<1x16xf32>,
    %swap3A_239 = vector.shape_cast %swap3A_238 : vector<1x16xf32> to vector<16xf32>
    %swap3A_240 = vector.shape_cast %broadcast_in_dim3A_1 : vector<16xf32> to vector<1x16xf32>
    tpu.vector_store %arg9[%swap3A_236, %swap3A_237], %swap3A_240 {strides = array<i32>} : memref<8x128xf32, #tpu.memory_space<vmem>>, vector<1x16xf32>,
    %swap3A_241 = arith.constant 5 : i32
    %swap3A_242 = arith.index_cast %swap3A_241 : i32 to index
    %swap3A_243 = arith.constant 0 : index
    %swap3A_244 = tpu.vector_load %arg9[%swap3A_242, %swap3A_243] {strides = array<i32>} : memref<8x128xf32, #tpu.memory_space<vmem>>, vector<1x16xf32>,
    %swap3A_245 = vector.shape_cast %swap3A_244 : vector<1x16xf32> to vector<16xf32>
    %swap3A_246 = vector.shape_cast %broadcast_in_dim3A_1 : vector<16xf32> to vector<1x16xf32>
    tpu.vector_store %arg9[%swap3A_242, %swap3A_243], %swap3A_246 {strides = array<i32>} : memref<8x128xf32, #tpu.memory_space<vmem>>, vector<1x16xf32>,
    %swap3A_247 = arith.constant 5 : i32
    %swap3A_248 = arith.index_cast %swap3A_247 : i32 to index
    %swap3A_249 = arith.constant 16 : index
    %swap3A_250 = tpu.vector_load %arg9[%swap3A_248, %swap3A_249] {strides = array<i32>} : memref<8x128xf32, #tpu.memory_space<vmem>>, vector<1x16xf32>,
    %swap3A_251 = vector.shape_cast %swap3A_250 : vector<1x16xf32> to vector<16xf32>
    %swap3A_252 = vector.shape_cast %broadcast_in_dim3A_1 : vector<16xf32> to vector<1x16xf32>
    tpu.vector_store %arg9[%swap3A_248, %swap3A_249], %swap3A_252 {strides = array<i32>} : memref<8x128xf32, #tpu.memory_space<vmem>>, vector<1x16xf32>,
    %swap3A_253 = arith.constant 5 : i32
    %swap3A_254 = arith.index_cast %swap3A_253 : i32 to index
    %swap3A_255 = arith.constant 32 : index
    %swap3A_256 = tpu.vector_load %arg9[%swap3A_254, %swap3A_255] {strides = array<i32>} : memref<8x128xf32, #tpu.memory_space<vmem>>, vector<1x16xf32>,
    %swap3A_257 = vector.shape_cast %swap3A_256 : vector<1x16xf32> to vector<16xf32>
    %swap3A_258 = vector.shape_cast %broadcast_in_dim3A_1 : vector<16xf32> to vector<1x16xf32>
    tpu.vector_store %arg9[%swap3A_254, %swap3A_255], %swap3A_258 {strides = array<i32>} : memref<8x128xf32, #tpu.memory_space<vmem>>, vector<1x16xf32>,
    %swap3A_259 = arith.constant 5 : i32
    %swap3A_260 = arith.index_cast %swap3A_259 : i32 to index
    %swap3A_261 = arith.constant 48 : index
    %swap3A_262 = tpu.vector_load %arg9[%swap3A_260, %swap3A_261] {strides = array<i32>} : memref<8x128xf32, #tpu.memory_space<vmem>>, vector<1x16xf32>,
    %swap3A_263 = vector.shape_cast %swap3A_262 : vector<1x16xf32> to vector<16xf32>
    %swap3A_264 = vector.shape_cast %broadcast_in_dim3A_1 : vector<16xf32> to vector<1x16xf32>
    tpu.vector_store %arg9[%swap3A_260, %swap3A_261], %swap3A_264 {strides = array<i32>} : memref<8x128xf32, #tpu.memory_space<vmem>>, vector<1x16xf32>,
    %swap3A_265 = arith.constant 5 : i32
    %swap3A_266 = arith.index_cast %swap3A_265 : i32 to index
    %swap3A_267 = arith.constant 64 : index
    %swap3A_268 = tpu.vector_load %arg9[%swap3A_266, %swap3A_267] {strides = array<i32>} : memref<8x128xf32, #tpu.memory_space<vmem>>, vector<1x16xf32>,
    %swap3A_269 = vector.shape_cast %swap3A_268 : vector<1x16xf32> to vector<16xf32>
    %swap3A_270 = vector.shape_cast %broadcast_in_dim3A_1 : vector<16xf32> to vector<1x16xf32>
    tpu.vector_store %arg9[%swap3A_266, %swap3A_267], %swap3A_270 {strides = array<i32>} : memref<8x128xf32, #tpu.memory_space<vmem>>, vector<1x16xf32>,
    %swap3A_271 = arith.constant 5 : i32
    %swap3A_272 = arith.index_cast %swap3A_271 : i32 to index
    %swap3A_273 = arith.constant 80 : index
    %swap3A_274 = tpu.vector_load %arg9[%swap3A_272, %swap3A_273] {strides = array<i32>} : memref<8x128xf32, #tpu.memory_space<vmem>>, vector<1x16xf32>,
    %swap3A_275 = vector.shape_cast %swap3A_274 : vector<1x16xf32> to vector<16xf32>
    %swap3A_276 = vector.shape_cast %broadcast_in_dim3A_1 : vector<16xf32> to vector<1x16xf32>
    tpu.vector_store %arg9[%swap3A_272, %swap3A_273], %swap3A_276 {strides = array<i32>} : memref<8x128xf32, #tpu.memory_space<vmem>>, vector<1x16xf32>,
    %swap3A_277 = arith.constant 5 : i32
    %swap3A_278 = arith.index_cast %swap3A_277 : i32 to index
    %swap3A_279 = arith.constant 96 : index
    %swap3A_280 = tpu.vector_load %arg9[%swap3A_278, %swap3A_279] {strides = array<i32>} : memref<8x128xf32, #tpu.memory_space<vmem>>, vector<1x16xf32>,
    %swap3A_281 = vector.shape_cast %swap3A_280 : vector<1x16xf32> to vector<16xf32>
    %swap3A_282 = vector.shape_cast %broadcast_in_dim3A_1 : vector<16xf32> to vector<1x16xf32>
    tpu.vector_store %arg9[%swap3A_278, %swap3A_279], %swap3A_282 {strides = array<i32>} : memref<8x128xf32, #tpu.memory_space<vmem>>, vector<1x16xf32>,
    %swap3A_283 = arith.constant 5 : i32
    %swap3A_284 = arith.index_cast %swap3A_283 : i32 to index
    %swap3A_285 = arith.constant 112 : index
    %swap3A_286 = tpu.vector_load %arg9[%swap3A_284, %swap3A_285] {strides = array<i32>} : memref<8x128xf32, #tpu.memory_space<vmem>>, vector<1x16xf32>,
    %swap3A_287 = vector.shape_cast %swap3A_286 : vector<1x16xf32> to vector<16xf32>
    %swap3A_288 = vector.shape_cast %broadcast_in_dim3A_1 : vector<16xf32> to vector<1x16xf32>
    tpu.vector_store %arg9[%swap3A_284, %swap3A_285], %swap3A_288 {strides = array<i32>} : memref<8x128xf32, #tpu.memory_space<vmem>>, vector<1x16xf32>,
    %swap3A_289 = arith.constant 6 : i32
    %swap3A_290 = arith.index_cast %swap3A_289 : i32 to index
    %swap3A_291 = arith.constant 0 : index
    %swap3A_292 = tpu.vector_load %arg9[%swap3A_290, %swap3A_291] {strides = array<i32>} : memref<8x128xf32, #tpu.memory_space<vmem>>, vector<1x16xf32>,
    %swap3A_293 = vector.shape_cast %swap3A_292 : vector<1x16xf32> to vector<16xf32>
    %swap3A_294 = vector.shape_cast %broadcast_in_dim3A_1 : vector<16xf32> to vector<1x16xf32>
    tpu.vector_store %arg9[%swap3A_290, %swap3A_291], %swap3A_294 {strides = array<i32>} : memref<8x128xf32, #tpu.memory_space<vmem>>, vector<1x16xf32>,
    %swap3A_295 = arith.constant 6 : i32
    %swap3A_296 = arith.index_cast %swap3A_295 : i32 to index
    %swap3A_297 = arith.constant 16 : index
    %swap3A_298 = tpu.vector_load %arg9[%swap3A_296, %swap3A_297] {strides = array<i32>} : memref<8x128xf32, #tpu.memory_space<vmem>>, vector<1x16xf32>,
    %swap3A_299 = vector.shape_cast %swap3A_298 : vector<1x16xf32> to vector<16xf32>
    %swap3A_300 = vector.shape_cast %broadcast_in_dim3A_1 : vector<16xf32> to vector<1x16xf32>
    tpu.vector_store %arg9[%swap3A_296, %swap3A_297], %swap3A_300 {strides = array<i32>} : memref<8x128xf32, #tpu.memory_space<vmem>>, vector<1x16xf32>,
    %swap3A_301 = arith.constant 6 : i32
    %swap3A_302 = arith.index_cast %swap3A_301 : i32 to index
    %swap3A_303 = arith.constant 32 : index
    %swap3A_304 = tpu.vector_load %arg9[%swap3A_302, %swap3A_303] {strides = array<i32>} : memref<8x128xf32, #tpu.memory_space<vmem>>, vector<1x16xf32>,
    %swap3A_305 = vector.shape_cast %swap3A_304 : vector<1x16xf32> to vector<16xf32>
    %swap3A_306 = vector.shape_cast %broadcast_in_dim3A_1 : vector<16xf32> to vector<1x16xf32>
    tpu.vector_store %arg9[%swap3A_302, %swap3A_303], %swap3A_306 {strides = array<i32>} : memref<8x128xf32, #tpu.memory_space<vmem>>, vector<1x16xf32>,
    %swap3A_307 = arith.constant 6 : i32
    %swap3A_308 = arith.index_cast %swap3A_307 : i32 to index
    %swap3A_309 = arith.constant 48 : index
    %swap3A_310 = tpu.vector_load %arg9[%swap3A_308, %swap3A_309] {strides = array<i32>} : memref<8x128xf32, #tpu.memory_space<vmem>>, vector<1x16xf32>,
    %swap3A_311 = vector.shape_cast %swap3A_310 : vector<1x16xf32> to vector<16xf32>
    %swap3A_312 = vector.shape_cast %broadcast_in_dim3A_1 : vector<16xf32> to vector<1x16xf32>
    tpu.vector_store %arg9[%swap3A_308, %swap3A_309], %swap3A_312 {strides = array<i32>} : memref<8x128xf32, #tpu.memory_space<vmem>>, vector<1x16xf32>,
    %swap3A_313 = arith.constant 6 : i32
    %swap3A_314 = arith.index_cast %swap3A_313 : i32 to index
    %swap3A_315 = arith.constant 64 : index
    %swap3A_316 = tpu.vector_load %arg9[%swap3A_314, %swap3A_315] {strides = array<i32>} : memref<8x128xf32, #tpu.memory_space<vmem>>, vector<1x16xf32>,
    %swap3A_317 = vector.shape_cast %swap3A_316 : vector<1x16xf32> to vector<16xf32>
    %swap3A_318 = vector.shape_cast %broadcast_in_dim3A_1 : vector<16xf32> to vector<1x16xf32>
    tpu.vector_store %arg9[%swap3A_314, %swap3A_315], %swap3A_318 {strides = array<i32>} : memref<8x128xf32, #tpu.memory_space<vmem>>, vector<1x16xf32>,
    %swap3A_319 = arith.constant 6 : i32
    %swap3A_320 = arith.index_cast %swap3A_319 : i32 to index
    %swap3A_321 = arith.constant 80 : index
    %swap3A_322 = tpu.vector_load %arg9[%swap3A_320, %swap3A_321] {strides = array<i32>} : memref<8x128xf32, #tpu.memory_space<vmem>>, vector<1x16xf32>,
    %swap3A_323 = vector.shape_cast %swap3A_322 : vector<1x16xf32> to vector<16xf32>
    %swap3A_324 = vector.shape_cast %broadcast_in_dim3A_1 : vector<16xf32> to vector<1x16xf32>
    tpu.vector_store %arg9[%swap3A_320, %swap3A_321], %swap3A_324 {strides = array<i32>} : memref<8x128xf32, #tpu.memory_space<vmem>>, vector<1x16xf32>,
    %swap3A_325 = arith.constant 6 : i32
    %swap3A_326 = arith.index_cast %swap3A_325 : i32 to index
    %swap3A_327 = arith.constant 96 : index
    %swap3A_328 = tpu.vector_load %arg9[%swap3A_326, %swap3A_327] {strides = array<i32>} : memref<8x128xf32, #tpu.memory_space<vmem>>, vector<1x16xf32>,
    %swap3A_329 = vector.shape_cast %swap3A_328 : vector<1x16xf32> to vector<16xf32>
    %swap3A_330 = vector.shape_cast %broadcast_in_dim3A_1 : vector<16xf32> to vector<1x16xf32>
    tpu.vector_store %arg9[%swap3A_326, %swap3A_327], %swap3A_330 {strides = array<i32>} : memref<8x128xf32, #tpu.memory_space<vmem>>, vector<1x16xf32>,
    %swap3A_331 = arith.constant 6 : i32
    %swap3A_332 = arith.index_cast %swap3A_331 : i32 to index
    %swap3A_333 = arith.constant 112 : index
    %swap3A_334 = tpu.vector_load %arg9[%swap3A_332, %swap3A_333] {strides = array<i32>} : memref<8x128xf32, #tpu.memory_space<vmem>>, vector<1x16xf32>,
    %swap3A_335 = vector.shape_cast %swap3A_334 : vector<1x16xf32> to vector<16xf32>
    %swap3A_336 = vector.shape_cast %broadcast_in_dim3A_1 : vector<16xf32> to vector<1x16xf32>
    tpu.vector_store %arg9[%swap3A_332, %swap3A_333], %swap3A_336 {strides = array<i32>} : memref<8x128xf32, #tpu.memory_space<vmem>>, vector<1x16xf32>,
    %swap3A_337 = arith.constant 7 : i32
    %swap3A_338 = arith.index_cast %swap3A_337 : i32 to index
    %swap3A_339 = arith.constant 0 : index
    %swap3A_340 = tpu.vector_load %arg9[%swap3A_338, %swap3A_339] {strides = array<i32>} : memref<8x128xf32, #tpu.memory_space<vmem>>, vector<1x16xf32>,
    %swap3A_341 = vector.shape_cast %swap3A_340 : vector<1x16xf32> to vector<16xf32>
    %swap3A_342 = vector.shape_cast %broadcast_in_dim3A_1 : vector<16xf32> to vector<1x16xf32>
    tpu.vector_store %arg9[%swap3A_338, %swap3A_339], %swap3A_342 {strides = array<i32>} : memref<8x128xf32, #tpu.memory_space<vmem>>, vector<1x16xf32>,
    %swap3A_343 = arith.constant 7 : i32
    %swap3A_344 = arith.index_cast %swap3A_343 : i32 to index
    %swap3A_345 = arith.constant 16 : index
    %swap3A_346 = tpu.vector_load %arg9[%swap3A_344, %swap3A_345] {strides = array<i32>} : memref<8x128xf32, #tpu.memory_space<vmem>>, vector<1x16xf32>,
    %swap3A_347 = vector.shape_cast %swap3A_346 : vector<1x16xf32> to vector<16xf32>
    %swap3A_348 = vector.shape_cast %broadcast_in_dim3A_1 : vector<16xf32> to vector<1x16xf32>
    tpu.vector_store %arg9[%swap3A_344, %swap3A_345], %swap3A_348 {strides = array<i32>} : memref<8x128xf32, #tpu.memory_space<vmem>>, vector<1x16xf32>,
    %swap3A_349 = arith.constant 7 : i32
    %swap3A_350 = arith.index_cast %swap3A_349 : i32 to index
    %swap3A_351 = arith.constant 32 : index
    %swap3A_352 = tpu.vector_load %arg9[%swap3A_350, %swap3A_351] {strides = array<i32>} : memref<8x128xf32, #tpu.memory_space<vmem>>, vector<1x16xf32>,
    %swap3A_353 = vector.shape_cast %swap3A_352 : vector<1x16xf32> to vector<16xf32>
    %swap3A_354 = vector.shape_cast %broadcast_in_dim3A_1 : vector<16xf32> to vector<1x16xf32>
    tpu.vector_store %arg9[%swap3A_350, %swap3A_351], %swap3A_354 {strides = array<i32>} : memref<8x128xf32, #tpu.memory_space<vmem>>, vector<1x16xf32>,
    %swap3A_355 = arith.constant 7 : i32
    %swap3A_356 = arith.index_cast %swap3A_355 : i32 to index
    %swap3A_357 = arith.constant 48 : index
    %swap3A_358 = tpu.vector_load %arg9[%swap3A_356, %swap3A_357] {strides = array<i32>} : memref<8x128xf32, #tpu.memory_space<vmem>>, vector<1x16xf32>,
    %swap3A_359 = vector.shape_cast %swap3A_358 : vector<1x16xf32> to vector<16xf32>
    %swap3A_360 = vector.shape_cast %broadcast_in_dim3A_1 : vector<16xf32> to vector<1x16xf32>
    tpu.vector_store %arg9[%swap3A_356, %swap3A_357], %swap3A_360 {strides = array<i32>} : memref<8x128xf32, #tpu.memory_space<vmem>>, vector<1x16xf32>,
    %swap3A_361 = arith.constant 7 : i32
    %swap3A_362 = arith.index_cast %swap3A_361 : i32 to index
    %swap3A_363 = arith.constant 64 : index
    %swap3A_364 = tpu.vector_load %arg9[%swap3A_362, %swap3A_363] {strides = array<i32>} : memref<8x128xf32, #tpu.memory_space<vmem>>, vector<1x16xf32>,
    %swap3A_365 = vector.shape_cast %swap3A_364 : vector<1x16xf32> to vector<16xf32>
    %swap3A_366 = vector.shape_cast %broadcast_in_dim3A_1 : vector<16xf32> to vector<1x16xf32>
    tpu.vector_store %arg9[%swap3A_362, %swap3A_363], %swap3A_366 {strides = array<i32>} : memref<8x128xf32, #tpu.memory_space<vmem>>, vector<1x16xf32>,
    %swap3A_367 = arith.constant 7 : i32
    %swap3A_368 = arith.index_cast %swap3A_367 : i32 to index
    %swap3A_369 = arith.constant 80 : index
    %swap3A_370 = tpu.vector_load %arg9[%swap3A_368, %swap3A_369] {strides = array<i32>} : memref<8x128xf32, #tpu.memory_space<vmem>>, vector<1x16xf32>,
    %swap3A_371 = vector.shape_cast %swap3A_370 : vector<1x16xf32> to vector<16xf32>
    %swap3A_372 = vector.shape_cast %broadcast_in_dim3A_1 : vector<16xf32> to vector<1x16xf32>
    tpu.vector_store %arg9[%swap3A_368, %swap3A_369], %swap3A_372 {strides = array<i32>} : memref<8x128xf32, #tpu.memory_space<vmem>>, vector<1x16xf32>,
    %swap3A_373 = arith.constant 7 : i32
    %swap3A_374 = arith.index_cast %swap3A_373 : i32 to index
    %swap3A_375 = arith.constant 96 : index
    %swap3A_376 = tpu.vector_load %arg9[%swap3A_374, %swap3A_375] {strides = array<i32>} : memref<8x128xf32, #tpu.memory_space<vmem>>, vector<1x16xf32>,
    %swap3A_377 = vector.shape_cast %swap3A_376 : vector<1x16xf32> to vector<16xf32>
    %swap3A_378 = vector.shape_cast %broadcast_in_dim3A_1 : vector<16xf32> to vector<1x16xf32>
    tpu.vector_store %arg9[%swap3A_374, %swap3A_375], %swap3A_378 {strides = array<i32>} : memref<8x128xf32, #tpu.memory_space<vmem>>, vector<1x16xf32>,
    %swap3A_379 = arith.constant 7 : i32
    %swap3A_380 = arith.index_cast %swap3A_379 : i32 to index
    %swap3A_381 = arith.constant 112 : index
    %swap3A_382 = tpu.vector_load %arg9[%swap3A_380, %swap3A_381] {strides = array<i32>} : memref<8x128xf32, #tpu.memory_space<vmem>>, vector<1x16xf32>,
    %swap3A_383 = vector.shape_cast %swap3A_382 : vector<1x16xf32> to vector<16xf32>
    %swap3A_384 = vector.shape_cast %broadcast_in_dim3A_1 : vector<16xf32> to vector<1x16xf32>
    tpu.vector_store %arg9[%swap3A_380, %swap3A_381], %swap3A_384 {strides = array<i32>} : memref<8x128xf32, #tpu.memory_space<vmem>>, vector<1x16xf32>,
    %mul3A_385 = arith.constant 632 : i32
    %mul3A_386 = arith.muli %arg1, %mul3A_385 : i32
    %scan3A = arith.constant 0 : i32
    %scan3A_387 = arith.constant 0 : i32
    %scan3A_388 = arith.constant 79 : i32
    %scan3A_389 = arith.addi %scan3A_387, %scan3A_388 : i32
    %scan3A_390 = arith.constant 1 : i32
    %scan3A_391 = scf.for %scan3A_403 = %scan3A_387 to %scan3A_389 step %scan3A_390 iter_args(%scan3A_404 = %scan3A) -> (i32)  : i32 {
      %mul3A_405 = arith.constant 8 : i32
      %mul3A_406 = arith.muli %scan3A_403, %mul3A_405 : i32
      %add3A_407 = arith.addi %mul3A_386, %mul3A_406 : i32
      "tpu.region"() ({
        %run_scoped3A = tpu.sem_alloc : memref<!tpu.dma_semaphore, #tpu.memory_space<semaphore_mem>>
        %dma_start3A = arith.constant 0 : i32
        %dma_start3A_409 = tpu.memref_slice %arg10[%add3A_407, %dma_start3A] : memref<10112x128xf32, #tpu.memory_space<vmem_shared>> -> memref<8x128xf32, #tpu.memory_space<vmem_shared>>
        %dma_start3A_410 = arith.constant 0 : i32
        %dma_start3A_411 = tpu.memref_slice %arg10[%add3A_407, %dma_start3A_410] : memref<10112x128xf32, #tpu.memory_space<vmem_shared>> -> memref<8x128xf32, #tpu.memory_space<vmem_shared>>
        tpu.enqueue_dma source(%arg9 : memref<8x128xf32, #tpu.memory_space<vmem>>) target(%dma_start3A_411 : memref<8x128xf32, #tpu.memory_space<vmem_shared>>) target_semaphore(%run_scoped3A : memref<!tpu.dma_semaphore, #tpu.memory_space<semaphore_mem>>)
        %dma_wait3A = arith.constant 0 : i32
        %dma_wait3A_412 = tpu.memref_slice %arg10[%add3A_407, %dma_wait3A] : memref<10112x128xf32, #tpu.memory_space<vmem_shared>> -> memref<8x128xf32, #tpu.memory_space<vmem_shared>>
        %dma_wait3A_413 = arith.constant 0 : i32
        %dma_wait3A_414 = tpu.memref_slice %arg10[%add3A_407, %dma_wait3A_413] : memref<10112x128xf32, #tpu.memory_space<vmem_shared>> -> memref<8x128xf32, #tpu.memory_space<vmem_shared>>
        tpu.wait_dma2 semaphore(%run_scoped3A : memref<!tpu.dma_semaphore, #tpu.memory_space<semaphore_mem>>) src(%arg9 : memref<8x128xf32, #tpu.memory_space<vmem>>) dst(%dma_wait3A_414 : memref<8x128xf32, #tpu.memory_space<vmem_shared>>)
        tpu.yield
      }) : () -> ()
      %scan3A_408 = arith.constant 0 : i32
      scf.yield %scan3A_408 : i32
    }
    %scan3A_392 = arith.constant 79 : i32
    %barrier3A = arith.constant 0 : index
    tpu.barrier barrier_id(%barrier3A)
    %mul3A_393 = arith.constant 10112 : i32
    %mul3A_394 = arith.muli %add3A, %mul3A_393 : i32
    %scan3A_395 = arith.constant 0 : i32
    %scan3A_396 = arith.constant 0 : i32
    %scan3A_397 = arith.constant 79 : i32
    %scan3A_398 = arith.addi %scan3A_396, %scan3A_397 : i32
    %scan3A_399 = arith.constant 1 : i32
    %scan3A_400 = scf.for %scan3A_403 = %scan3A_396 to %scan3A_398 step %scan3A_399 iter_args(%scan3A_404 = %scan3A_395) -> (i32)  : i32 {
      %mul3A_405 = arith.constant 128 : i32
      %mul3A_406 = arith.muli %scan3A_403, %mul3A_405 : i32
      %add3A_407 = arith.addi %mul3A_394, %mul3A_406 : i32
      %dma_start3A = tpu.memref_slice %arg3[%add3A_407] : memref<323584xi32, #tpu.memory_space<hbm>> -> memref<128xi32, #tpu.memory_space<hbm>>
      %dma_start3A_408 = tpu.memref_slice %arg3[%add3A_407] : memref<323584xi32, #tpu.memory_space<hbm>> -> memref<128xi32, #tpu.memory_space<hbm>>
      tpu.enqueue_dma source(%dma_start3A_408 : memref<128xi32, #tpu.memory_space<hbm>>) target(%arg6 : memref<128xi32, #tpu.memory_space<vmem>>) target_semaphore(%arg11 : memref<!tpu.dma_semaphore, #tpu.memory_space<semaphore_mem>>)
      %dma_start3A_409 = tpu.memref_slice %arg4[%add3A_407] : memref<323584xi32, #tpu.memory_space<hbm>> -> memref<128xi32, #tpu.memory_space<hbm>>
      %dma_start3A_410 = tpu.memref_slice %arg4[%add3A_407] : memref<323584xi32, #tpu.memory_space<hbm>> -> memref<128xi32, #tpu.memory_space<hbm>>
      tpu.enqueue_dma source(%dma_start3A_410 : memref<128xi32, #tpu.memory_space<hbm>>) target(%arg7 : memref<128xi32, #tpu.memory_space<vmem>>) target_semaphore(%arg11 : memref<!tpu.dma_semaphore, #tpu.memory_space<semaphore_mem>>)
      %dma_wait3A = tpu.memref_slice %arg3[%add3A_407] : memref<323584xi32, #tpu.memory_space<hbm>> -> memref<128xi32, #tpu.memory_space<hbm>>
      %dma_wait3A_411 = tpu.memref_slice %arg3[%add3A_407] : memref<323584xi32, #tpu.memory_space<hbm>> -> memref<128xi32, #tpu.memory_space<hbm>>
      tpu.wait_dma2 semaphore(%arg11 : memref<!tpu.dma_semaphore, #tpu.memory_space<semaphore_mem>>) src(%dma_wait3A_411 : memref<128xi32, #tpu.memory_space<hbm>>) dst(%arg6 : memref<128xi32, #tpu.memory_space<vmem>>)
      %dma_wait3A_412 = tpu.memref_slice %arg4[%add3A_407] : memref<323584xi32, #tpu.memory_space<hbm>> -> memref<128xi32, #tpu.memory_space<hbm>>
      %dma_wait3A_413 = tpu.memref_slice %arg4[%add3A_407] : memref<323584xi32, #tpu.memory_space<hbm>> -> memref<128xi32, #tpu.memory_space<hbm>>
      tpu.wait_dma2 semaphore(%arg11 : memref<!tpu.dma_semaphore, #tpu.memory_space<semaphore_mem>>) src(%dma_wait3A_413 : memref<128xi32, #tpu.memory_space<hbm>>) dst(%arg7 : memref<128xi32, #tpu.memory_space<vmem>>)
      %dma_start3A_414 = arith.constant 0 : i32
      %dma_start3A_415 = arith.constant 0 : i32
      %dma_start3A_416 = tpu.memref_slice %arg2[%dma_start3A_414, %dma_start3A_415] : memref<10000x128xf32, #tpu.memory_space<hbm>> -> memref<10000x128xf32, #tpu.memory_space<hbm>>
      tpu.enqueue_indirect_dma source(%dma_start3A_416 : memref<10000x128xf32, #tpu.memory_space<hbm>>) target(%arg8 : memref<128x128xf32, #tpu.memory_space<vmem>>) offsets(%arg6 : memref<128xi32, #tpu.memory_space<vmem>>) semaphore(%arg11 : memref<!tpu.dma_semaphore, #tpu.memory_space<semaphore_mem>>)
      %dma_wait3A_417 = arith.constant 0 : i32
      %dma_wait3A_418 = arith.constant 0 : i32
      %dma_wait3A_419 = tpu.memref_slice %arg2[%dma_wait3A_417, %dma_wait3A_418] : memref<10000x128xf32, #tpu.memory_space<hbm>> -> memref<10000x128xf32, #tpu.memory_space<hbm>>
      tpu.wait_indirect_dma semaphore(%arg11 : memref<!tpu.dma_semaphore, #tpu.memory_space<semaphore_mem>>) src(%dma_wait3A_419 : memref<10000x128xf32, #tpu.memory_space<hbm>>) dst(%arg8 : memref<128x128xf32, #tpu.memory_space<vmem>>)
      "tpu.region"() ({
        %run_scoped3A = tpu.sem_alloc : memref<!tpu.dma_semaphore, #tpu.memory_space<semaphore_mem>>
        %dma_start3A_421 = arith.constant 0 : i32
        %dma_start3A_422 = arith.constant 0 : i32
        %dma_start3A_423 = tpu.memref_slice %arg10[%dma_start3A_421, %dma_start3A_422] : memref<10112x128xf32, #tpu.memory_space<vmem_shared>> -> memref<10112x128xf32, #tpu.memory_space<vmem_shared>>
        tpu.enqueue_indirect_dma source(%arg8 : memref<128x128xf32, #tpu.memory_space<vmem>>) target(%dma_start3A_423 : memref<10112x128xf32, #tpu.memory_space<vmem_shared>>) offsets(%arg7 : memref<128xi32, #tpu.memory_space<vmem>>) semaphore(%run_scoped3A : memref<!tpu.dma_semaphore, #tpu.memory_space<semaphore_mem>>) {add = true}
        %dma_wait3A_424 = arith.constant 0 : i32
        %dma_wait3A_425 = arith.constant 0 : i32
        %dma_wait3A_426 = tpu.memref_slice %arg10[%dma_wait3A_424, %dma_wait3A_425] : memref<10112x128xf32, #tpu.memory_space<vmem_shared>> -> memref<10112x128xf32, #tpu.memory_space<vmem_shared>>
        tpu.wait_indirect_dma semaphore(%run_scoped3A : memref<!tpu.dma_semaphore, #tpu.memory_space<semaphore_mem>>) src(%arg8 : memref<128x128xf32, #tpu.memory_space<vmem>>) dst(%dma_wait3A_426 : memref<10112x128xf32, #tpu.memory_space<vmem_shared>>)
        tpu.yield
      }) : () -> ()
      %scan3A_420 = arith.constant 0 : i32
      scf.yield %scan3A_420 : i32
    }
    %scan3A_401 = arith.constant 79 : i32
    %barrier3A_402 = arith.constant 0 : index
    tpu.barrier barrier_id(%barrier3A_402)
    "tpu.region"() ({
      %run_scoped3A = tpu.sem_alloc : memref<!tpu.dma_semaphore, #tpu.memory_space<semaphore_mem>>
      %dma_start3A = arith.constant 0 : i32
      %dma_start3A_403 = tpu.memref_slice %arg5[%arg0, %mul3A_386, %dma_start3A] : memref<2x10112x128xf32, #tpu.memory_space<hbm>> -> memref<1x632x128xf32, #tpu.memory_space<hbm>>
      %dma_start3A_404 = tpu.memref_squeeze %dma_start3A_403 : memref<1x632x128xf32, #tpu.memory_space<hbm>> -> memref<632x128xf32, #tpu.memory_space<hbm>>
      %dma_start3A_405 = arith.constant 0 : i32
      %dma_start3A_406 = tpu.memref_slice %arg10[%mul3A_386, %dma_start3A_405] : memref<10112x128xf32, #tpu.memory_space<vmem_shared>> -> memref<632x128xf32, #tpu.memory_space<vmem_shared>>
      tpu.enqueue_dma source(%dma_start3A_406 : memref<632x128xf32, #tpu.memory_space<vmem_shared>>) target(%dma_start3A_404 : memref<632x128xf32, #tpu.memory_space<hbm>>) target_semaphore(%run_scoped3A : memref<!tpu.dma_semaphore, #tpu.memory_space<semaphore_mem>>)
      %dma_wait3A = arith.constant 0 : i32
      %dma_wait3A_407 = tpu.memref_slice %arg5[%arg0, %mul3A_386, %dma_wait3A] : memref<2x10112x128xf32, #tpu.memory_space<hbm>> -> memref<1x632x128xf32, #tpu.memory_space<hbm>>
      %dma_wait3A_408 = tpu.memref_squeeze %dma_wait3A_407 : memref<1x632x128xf32, #tpu.memory_space<hbm>> -> memref<632x128xf32, #tpu.memory_space<hbm>>
      %dma_wait3A_409 = arith.constant 0 : i32
      %dma_wait3A_410 = tpu.memref_slice %arg10[%mul3A_386, %dma_wait3A_409] : memref<10112x128xf32, #tpu.memory_space<vmem_shared>> -> memref<632x128xf32, #tpu.memory_space<vmem_shared>>
      tpu.wait_dma2 semaphore(%run_scoped3A : memref<!tpu.dma_semaphore, #tpu.memory_space<semaphore_mem>>) src(%dma_wait3A_410 : memref<632x128xf32, #tpu.memory_space<vmem_shared>>) dst(%dma_wait3A_408 : memref<632x128xf32, #tpu.memory_space<hbm>>)
      tpu.yield
    }) : () -> ()
    return
  }
}

#map = affine_map<(d0, d1) -> (0, 0)>
#map1 = affine_map<(d0, d1) -> (0)>
#map2 = affine_map<(d0, d1) -> (0, 0, 0)>
module attributes {stable_mosaic.version = 14 : i64} {
  func.func @_sc_agg_body(%arg0: i32, %arg1: i32, %arg2: memref<10000x32xf32, #tpu.memory_space<hbm>>, %arg3: memref<323584xi32, #tpu.memory_space<hbm>>, %arg4: memref<323584xi32, #tpu.memory_space<hbm>>, %arg5: memref<2x10112x32xf32, #tpu.memory_space<hbm>>, %arg6: memref<128xi32, #tpu.memory_space<vmem>>, %arg7: memref<128xi32, #tpu.memory_space<vmem>>, %arg8: memref<128x32xf32, #tpu.memory_space<vmem>>, %arg9: memref<8x32xf32, #tpu.memory_space<vmem>>, %arg10: memref<10112x32xf32, #tpu.memory_space<vmem_shared>>, %arg11: memref<!tpu.dma_semaphore, #tpu.memory_space<semaphore_mem>>) attributes {dimension_semantics = [#tpu.dimension_semantics<core_parallel>, #tpu.dimension_semantics<subcore_parallel>], iteration_bounds = array<i64: 2, 16>, scalar_prefetch = 0 : i64, scratch_operands = 6 : i64, tpu.core_type = #tpu.core_type<sc_vector_subcore>, window_params = [{transform_indices = #map}, {transform_indices = #map1}, {transform_indices = #map1}, {transform_indices = #map2}]} {
    %mul3A = arith.constant 16 : i32
    %mul3A_0 = arith.muli %arg0, %mul3A : i32
    %add3A = arith.addi %mul3A_0, %arg1 : i32
    %broadcast_in_dim3A = arith.constant 0.000000e+00 : f32
    %broadcast_in_dim3A_1 = vector.broadcast %broadcast_in_dim3A : f32 to vector<16xf32>
    %swap3A = arith.constant 0 : i32
    %swap3A_2 = arith.index_cast %swap3A : i32 to index
    %swap3A_3 = arith.constant 0 : index
    %swap3A_4 = tpu.vector_load %arg9[%swap3A_2, %swap3A_3] {strides = array<i32>} : memref<8x32xf32, #tpu.memory_space<vmem>>, vector<1x16xf32>,
    %swap3A_5 = vector.shape_cast %swap3A_4 : vector<1x16xf32> to vector<16xf32>
    %swap3A_6 = vector.shape_cast %broadcast_in_dim3A_1 : vector<16xf32> to vector<1x16xf32>
    tpu.vector_store %arg9[%swap3A_2, %swap3A_3], %swap3A_6 {strides = array<i32>} : memref<8x32xf32, #tpu.memory_space<vmem>>, vector<1x16xf32>,
    %swap3A_7 = arith.constant 0 : i32
    %swap3A_8 = arith.index_cast %swap3A_7 : i32 to index
    %swap3A_9 = arith.constant 16 : index
    %swap3A_10 = tpu.vector_load %arg9[%swap3A_8, %swap3A_9] {strides = array<i32>} : memref<8x32xf32, #tpu.memory_space<vmem>>, vector<1x16xf32>,
    %swap3A_11 = vector.shape_cast %swap3A_10 : vector<1x16xf32> to vector<16xf32>
    %swap3A_12 = vector.shape_cast %broadcast_in_dim3A_1 : vector<16xf32> to vector<1x16xf32>
    tpu.vector_store %arg9[%swap3A_8, %swap3A_9], %swap3A_12 {strides = array<i32>} : memref<8x32xf32, #tpu.memory_space<vmem>>, vector<1x16xf32>,
    %swap3A_13 = arith.constant 1 : i32
    %swap3A_14 = arith.index_cast %swap3A_13 : i32 to index
    %swap3A_15 = arith.constant 0 : index
    %swap3A_16 = tpu.vector_load %arg9[%swap3A_14, %swap3A_15] {strides = array<i32>} : memref<8x32xf32, #tpu.memory_space<vmem>>, vector<1x16xf32>,
    %swap3A_17 = vector.shape_cast %swap3A_16 : vector<1x16xf32> to vector<16xf32>
    %swap3A_18 = vector.shape_cast %broadcast_in_dim3A_1 : vector<16xf32> to vector<1x16xf32>
    tpu.vector_store %arg9[%swap3A_14, %swap3A_15], %swap3A_18 {strides = array<i32>} : memref<8x32xf32, #tpu.memory_space<vmem>>, vector<1x16xf32>,
    %swap3A_19 = arith.constant 1 : i32
    %swap3A_20 = arith.index_cast %swap3A_19 : i32 to index
    %swap3A_21 = arith.constant 16 : index
    %swap3A_22 = tpu.vector_load %arg9[%swap3A_20, %swap3A_21] {strides = array<i32>} : memref<8x32xf32, #tpu.memory_space<vmem>>, vector<1x16xf32>,
    %swap3A_23 = vector.shape_cast %swap3A_22 : vector<1x16xf32> to vector<16xf32>
    %swap3A_24 = vector.shape_cast %broadcast_in_dim3A_1 : vector<16xf32> to vector<1x16xf32>
    tpu.vector_store %arg9[%swap3A_20, %swap3A_21], %swap3A_24 {strides = array<i32>} : memref<8x32xf32, #tpu.memory_space<vmem>>, vector<1x16xf32>,
    %swap3A_25 = arith.constant 2 : i32
    %swap3A_26 = arith.index_cast %swap3A_25 : i32 to index
    %swap3A_27 = arith.constant 0 : index
    %swap3A_28 = tpu.vector_load %arg9[%swap3A_26, %swap3A_27] {strides = array<i32>} : memref<8x32xf32, #tpu.memory_space<vmem>>, vector<1x16xf32>,
    %swap3A_29 = vector.shape_cast %swap3A_28 : vector<1x16xf32> to vector<16xf32>
    %swap3A_30 = vector.shape_cast %broadcast_in_dim3A_1 : vector<16xf32> to vector<1x16xf32>
    tpu.vector_store %arg9[%swap3A_26, %swap3A_27], %swap3A_30 {strides = array<i32>} : memref<8x32xf32, #tpu.memory_space<vmem>>, vector<1x16xf32>,
    %swap3A_31 = arith.constant 2 : i32
    %swap3A_32 = arith.index_cast %swap3A_31 : i32 to index
    %swap3A_33 = arith.constant 16 : index
    %swap3A_34 = tpu.vector_load %arg9[%swap3A_32, %swap3A_33] {strides = array<i32>} : memref<8x32xf32, #tpu.memory_space<vmem>>, vector<1x16xf32>,
    %swap3A_35 = vector.shape_cast %swap3A_34 : vector<1x16xf32> to vector<16xf32>
    %swap3A_36 = vector.shape_cast %broadcast_in_dim3A_1 : vector<16xf32> to vector<1x16xf32>
    tpu.vector_store %arg9[%swap3A_32, %swap3A_33], %swap3A_36 {strides = array<i32>} : memref<8x32xf32, #tpu.memory_space<vmem>>, vector<1x16xf32>,
    %swap3A_37 = arith.constant 3 : i32
    %swap3A_38 = arith.index_cast %swap3A_37 : i32 to index
    %swap3A_39 = arith.constant 0 : index
    %swap3A_40 = tpu.vector_load %arg9[%swap3A_38, %swap3A_39] {strides = array<i32>} : memref<8x32xf32, #tpu.memory_space<vmem>>, vector<1x16xf32>,
    %swap3A_41 = vector.shape_cast %swap3A_40 : vector<1x16xf32> to vector<16xf32>
    %swap3A_42 = vector.shape_cast %broadcast_in_dim3A_1 : vector<16xf32> to vector<1x16xf32>
    tpu.vector_store %arg9[%swap3A_38, %swap3A_39], %swap3A_42 {strides = array<i32>} : memref<8x32xf32, #tpu.memory_space<vmem>>, vector<1x16xf32>,
    %swap3A_43 = arith.constant 3 : i32
    %swap3A_44 = arith.index_cast %swap3A_43 : i32 to index
    %swap3A_45 = arith.constant 16 : index
    %swap3A_46 = tpu.vector_load %arg9[%swap3A_44, %swap3A_45] {strides = array<i32>} : memref<8x32xf32, #tpu.memory_space<vmem>>, vector<1x16xf32>,
    %swap3A_47 = vector.shape_cast %swap3A_46 : vector<1x16xf32> to vector<16xf32>
    %swap3A_48 = vector.shape_cast %broadcast_in_dim3A_1 : vector<16xf32> to vector<1x16xf32>
    tpu.vector_store %arg9[%swap3A_44, %swap3A_45], %swap3A_48 {strides = array<i32>} : memref<8x32xf32, #tpu.memory_space<vmem>>, vector<1x16xf32>,
    %swap3A_49 = arith.constant 4 : i32
    %swap3A_50 = arith.index_cast %swap3A_49 : i32 to index
    %swap3A_51 = arith.constant 0 : index
    %swap3A_52 = tpu.vector_load %arg9[%swap3A_50, %swap3A_51] {strides = array<i32>} : memref<8x32xf32, #tpu.memory_space<vmem>>, vector<1x16xf32>,
    %swap3A_53 = vector.shape_cast %swap3A_52 : vector<1x16xf32> to vector<16xf32>
    %swap3A_54 = vector.shape_cast %broadcast_in_dim3A_1 : vector<16xf32> to vector<1x16xf32>
    tpu.vector_store %arg9[%swap3A_50, %swap3A_51], %swap3A_54 {strides = array<i32>} : memref<8x32xf32, #tpu.memory_space<vmem>>, vector<1x16xf32>,
    %swap3A_55 = arith.constant 4 : i32
    %swap3A_56 = arith.index_cast %swap3A_55 : i32 to index
    %swap3A_57 = arith.constant 16 : index
    %swap3A_58 = tpu.vector_load %arg9[%swap3A_56, %swap3A_57] {strides = array<i32>} : memref<8x32xf32, #tpu.memory_space<vmem>>, vector<1x16xf32>,
    %swap3A_59 = vector.shape_cast %swap3A_58 : vector<1x16xf32> to vector<16xf32>
    %swap3A_60 = vector.shape_cast %broadcast_in_dim3A_1 : vector<16xf32> to vector<1x16xf32>
    tpu.vector_store %arg9[%swap3A_56, %swap3A_57], %swap3A_60 {strides = array<i32>} : memref<8x32xf32, #tpu.memory_space<vmem>>, vector<1x16xf32>,
    %swap3A_61 = arith.constant 5 : i32
    %swap3A_62 = arith.index_cast %swap3A_61 : i32 to index
    %swap3A_63 = arith.constant 0 : index
    %swap3A_64 = tpu.vector_load %arg9[%swap3A_62, %swap3A_63] {strides = array<i32>} : memref<8x32xf32, #tpu.memory_space<vmem>>, vector<1x16xf32>,
    %swap3A_65 = vector.shape_cast %swap3A_64 : vector<1x16xf32> to vector<16xf32>
    %swap3A_66 = vector.shape_cast %broadcast_in_dim3A_1 : vector<16xf32> to vector<1x16xf32>
    tpu.vector_store %arg9[%swap3A_62, %swap3A_63], %swap3A_66 {strides = array<i32>} : memref<8x32xf32, #tpu.memory_space<vmem>>, vector<1x16xf32>,
    %swap3A_67 = arith.constant 5 : i32
    %swap3A_68 = arith.index_cast %swap3A_67 : i32 to index
    %swap3A_69 = arith.constant 16 : index
    %swap3A_70 = tpu.vector_load %arg9[%swap3A_68, %swap3A_69] {strides = array<i32>} : memref<8x32xf32, #tpu.memory_space<vmem>>, vector<1x16xf32>,
    %swap3A_71 = vector.shape_cast %swap3A_70 : vector<1x16xf32> to vector<16xf32>
    %swap3A_72 = vector.shape_cast %broadcast_in_dim3A_1 : vector<16xf32> to vector<1x16xf32>
    tpu.vector_store %arg9[%swap3A_68, %swap3A_69], %swap3A_72 {strides = array<i32>} : memref<8x32xf32, #tpu.memory_space<vmem>>, vector<1x16xf32>,
    %swap3A_73 = arith.constant 6 : i32
    %swap3A_74 = arith.index_cast %swap3A_73 : i32 to index
    %swap3A_75 = arith.constant 0 : index
    %swap3A_76 = tpu.vector_load %arg9[%swap3A_74, %swap3A_75] {strides = array<i32>} : memref<8x32xf32, #tpu.memory_space<vmem>>, vector<1x16xf32>,
    %swap3A_77 = vector.shape_cast %swap3A_76 : vector<1x16xf32> to vector<16xf32>
    %swap3A_78 = vector.shape_cast %broadcast_in_dim3A_1 : vector<16xf32> to vector<1x16xf32>
    tpu.vector_store %arg9[%swap3A_74, %swap3A_75], %swap3A_78 {strides = array<i32>} : memref<8x32xf32, #tpu.memory_space<vmem>>, vector<1x16xf32>,
    %swap3A_79 = arith.constant 6 : i32
    %swap3A_80 = arith.index_cast %swap3A_79 : i32 to index
    %swap3A_81 = arith.constant 16 : index
    %swap3A_82 = tpu.vector_load %arg9[%swap3A_80, %swap3A_81] {strides = array<i32>} : memref<8x32xf32, #tpu.memory_space<vmem>>, vector<1x16xf32>,
    %swap3A_83 = vector.shape_cast %swap3A_82 : vector<1x16xf32> to vector<16xf32>
    %swap3A_84 = vector.shape_cast %broadcast_in_dim3A_1 : vector<16xf32> to vector<1x16xf32>
    tpu.vector_store %arg9[%swap3A_80, %swap3A_81], %swap3A_84 {strides = array<i32>} : memref<8x32xf32, #tpu.memory_space<vmem>>, vector<1x16xf32>,
    %swap3A_85 = arith.constant 7 : i32
    %swap3A_86 = arith.index_cast %swap3A_85 : i32 to index
    %swap3A_87 = arith.constant 0 : index
    %swap3A_88 = tpu.vector_load %arg9[%swap3A_86, %swap3A_87] {strides = array<i32>} : memref<8x32xf32, #tpu.memory_space<vmem>>, vector<1x16xf32>,
    %swap3A_89 = vector.shape_cast %swap3A_88 : vector<1x16xf32> to vector<16xf32>
    %swap3A_90 = vector.shape_cast %broadcast_in_dim3A_1 : vector<16xf32> to vector<1x16xf32>
    tpu.vector_store %arg9[%swap3A_86, %swap3A_87], %swap3A_90 {strides = array<i32>} : memref<8x32xf32, #tpu.memory_space<vmem>>, vector<1x16xf32>,
    %swap3A_91 = arith.constant 7 : i32
    %swap3A_92 = arith.index_cast %swap3A_91 : i32 to index
    %swap3A_93 = arith.constant 16 : index
    %swap3A_94 = tpu.vector_load %arg9[%swap3A_92, %swap3A_93] {strides = array<i32>} : memref<8x32xf32, #tpu.memory_space<vmem>>, vector<1x16xf32>,
    %swap3A_95 = vector.shape_cast %swap3A_94 : vector<1x16xf32> to vector<16xf32>
    %swap3A_96 = vector.shape_cast %broadcast_in_dim3A_1 : vector<16xf32> to vector<1x16xf32>
    tpu.vector_store %arg9[%swap3A_92, %swap3A_93], %swap3A_96 {strides = array<i32>} : memref<8x32xf32, #tpu.memory_space<vmem>>, vector<1x16xf32>,
    %mul3A_97 = arith.constant 632 : i32
    %mul3A_98 = arith.muli %arg1, %mul3A_97 : i32
    %scan3A = arith.constant 0 : i32
    %scan3A_99 = arith.constant 0 : i32
    %scan3A_100 = arith.constant 79 : i32
    %scan3A_101 = arith.addi %scan3A_99, %scan3A_100 : i32
    %scan3A_102 = arith.constant 1 : i32
    %scan3A_103 = scf.for %scan3A_115 = %scan3A_99 to %scan3A_101 step %scan3A_102 iter_args(%scan3A_116 = %scan3A) -> (i32)  : i32 {
      %mul3A_117 = arith.constant 8 : i32
      %mul3A_118 = arith.muli %scan3A_115, %mul3A_117 : i32
      %add3A_119 = arith.addi %mul3A_98, %mul3A_118 : i32
      "tpu.region"() ({
        %run_scoped3A = tpu.sem_alloc : memref<!tpu.dma_semaphore, #tpu.memory_space<semaphore_mem>>
        %dma_start3A = arith.constant 0 : i32
        %dma_start3A_121 = tpu.memref_slice %arg10[%add3A_119, %dma_start3A] : memref<10112x32xf32, #tpu.memory_space<vmem_shared>> -> memref<8x32xf32, #tpu.memory_space<vmem_shared>>
        %dma_start3A_122 = arith.constant 0 : i32
        %dma_start3A_123 = tpu.memref_slice %arg10[%add3A_119, %dma_start3A_122] : memref<10112x32xf32, #tpu.memory_space<vmem_shared>> -> memref<8x32xf32, #tpu.memory_space<vmem_shared>>
        tpu.enqueue_dma source(%arg9 : memref<8x32xf32, #tpu.memory_space<vmem>>) target(%dma_start3A_123 : memref<8x32xf32, #tpu.memory_space<vmem_shared>>) target_semaphore(%run_scoped3A : memref<!tpu.dma_semaphore, #tpu.memory_space<semaphore_mem>>)
        %dma_wait3A = arith.constant 0 : i32
        %dma_wait3A_124 = tpu.memref_slice %arg10[%add3A_119, %dma_wait3A] : memref<10112x32xf32, #tpu.memory_space<vmem_shared>> -> memref<8x32xf32, #tpu.memory_space<vmem_shared>>
        %dma_wait3A_125 = arith.constant 0 : i32
        %dma_wait3A_126 = tpu.memref_slice %arg10[%add3A_119, %dma_wait3A_125] : memref<10112x32xf32, #tpu.memory_space<vmem_shared>> -> memref<8x32xf32, #tpu.memory_space<vmem_shared>>
        tpu.wait_dma2 semaphore(%run_scoped3A : memref<!tpu.dma_semaphore, #tpu.memory_space<semaphore_mem>>) src(%arg9 : memref<8x32xf32, #tpu.memory_space<vmem>>) dst(%dma_wait3A_126 : memref<8x32xf32, #tpu.memory_space<vmem_shared>>)
        tpu.yield
      }) : () -> ()
      %scan3A_120 = arith.constant 0 : i32
      scf.yield %scan3A_120 : i32
    }
    %scan3A_104 = arith.constant 79 : i32
    %barrier3A = arith.constant 0 : index
    tpu.barrier barrier_id(%barrier3A)
    %mul3A_105 = arith.constant 10112 : i32
    %mul3A_106 = arith.muli %add3A, %mul3A_105 : i32
    %scan3A_107 = arith.constant 0 : i32
    %scan3A_108 = arith.constant 0 : i32
    %scan3A_109 = arith.constant 79 : i32
    %scan3A_110 = arith.addi %scan3A_108, %scan3A_109 : i32
    %scan3A_111 = arith.constant 1 : i32
    %scan3A_112 = scf.for %scan3A_115 = %scan3A_108 to %scan3A_110 step %scan3A_111 iter_args(%scan3A_116 = %scan3A_107) -> (i32)  : i32 {
      %mul3A_117 = arith.constant 128 : i32
      %mul3A_118 = arith.muli %scan3A_115, %mul3A_117 : i32
      %add3A_119 = arith.addi %mul3A_106, %mul3A_118 : i32
      %dma_start3A = tpu.memref_slice %arg3[%add3A_119] : memref<323584xi32, #tpu.memory_space<hbm>> -> memref<128xi32, #tpu.memory_space<hbm>>
      %dma_start3A_120 = tpu.memref_slice %arg3[%add3A_119] : memref<323584xi32, #tpu.memory_space<hbm>> -> memref<128xi32, #tpu.memory_space<hbm>>
      tpu.enqueue_dma source(%dma_start3A_120 : memref<128xi32, #tpu.memory_space<hbm>>) target(%arg6 : memref<128xi32, #tpu.memory_space<vmem>>) target_semaphore(%arg11 : memref<!tpu.dma_semaphore, #tpu.memory_space<semaphore_mem>>)
      %dma_start3A_121 = tpu.memref_slice %arg4[%add3A_119] : memref<323584xi32, #tpu.memory_space<hbm>> -> memref<128xi32, #tpu.memory_space<hbm>>
      %dma_start3A_122 = tpu.memref_slice %arg4[%add3A_119] : memref<323584xi32, #tpu.memory_space<hbm>> -> memref<128xi32, #tpu.memory_space<hbm>>
      tpu.enqueue_dma source(%dma_start3A_122 : memref<128xi32, #tpu.memory_space<hbm>>) target(%arg7 : memref<128xi32, #tpu.memory_space<vmem>>) target_semaphore(%arg11 : memref<!tpu.dma_semaphore, #tpu.memory_space<semaphore_mem>>)
      %dma_wait3A = tpu.memref_slice %arg3[%add3A_119] : memref<323584xi32, #tpu.memory_space<hbm>> -> memref<128xi32, #tpu.memory_space<hbm>>
      %dma_wait3A_123 = tpu.memref_slice %arg3[%add3A_119] : memref<323584xi32, #tpu.memory_space<hbm>> -> memref<128xi32, #tpu.memory_space<hbm>>
      tpu.wait_dma2 semaphore(%arg11 : memref<!tpu.dma_semaphore, #tpu.memory_space<semaphore_mem>>) src(%dma_wait3A_123 : memref<128xi32, #tpu.memory_space<hbm>>) dst(%arg6 : memref<128xi32, #tpu.memory_space<vmem>>)
      %dma_wait3A_124 = tpu.memref_slice %arg4[%add3A_119] : memref<323584xi32, #tpu.memory_space<hbm>> -> memref<128xi32, #tpu.memory_space<hbm>>
      %dma_wait3A_125 = tpu.memref_slice %arg4[%add3A_119] : memref<323584xi32, #tpu.memory_space<hbm>> -> memref<128xi32, #tpu.memory_space<hbm>>
      tpu.wait_dma2 semaphore(%arg11 : memref<!tpu.dma_semaphore, #tpu.memory_space<semaphore_mem>>) src(%dma_wait3A_125 : memref<128xi32, #tpu.memory_space<hbm>>) dst(%arg7 : memref<128xi32, #tpu.memory_space<vmem>>)
      %dma_start3A_126 = arith.constant 0 : i32
      %dma_start3A_127 = arith.constant 0 : i32
      %dma_start3A_128 = tpu.memref_slice %arg2[%dma_start3A_126, %dma_start3A_127] : memref<10000x32xf32, #tpu.memory_space<hbm>> -> memref<10000x32xf32, #tpu.memory_space<hbm>>
      tpu.enqueue_indirect_dma source(%dma_start3A_128 : memref<10000x32xf32, #tpu.memory_space<hbm>>) target(%arg8 : memref<128x32xf32, #tpu.memory_space<vmem>>) offsets(%arg6 : memref<128xi32, #tpu.memory_space<vmem>>) semaphore(%arg11 : memref<!tpu.dma_semaphore, #tpu.memory_space<semaphore_mem>>)
      %dma_wait3A_129 = arith.constant 0 : i32
      %dma_wait3A_130 = arith.constant 0 : i32
      %dma_wait3A_131 = tpu.memref_slice %arg2[%dma_wait3A_129, %dma_wait3A_130] : memref<10000x32xf32, #tpu.memory_space<hbm>> -> memref<10000x32xf32, #tpu.memory_space<hbm>>
      tpu.wait_indirect_dma semaphore(%arg11 : memref<!tpu.dma_semaphore, #tpu.memory_space<semaphore_mem>>) src(%dma_wait3A_131 : memref<10000x32xf32, #tpu.memory_space<hbm>>) dst(%arg8 : memref<128x32xf32, #tpu.memory_space<vmem>>)
      "tpu.region"() ({
        %run_scoped3A = tpu.sem_alloc : memref<!tpu.dma_semaphore, #tpu.memory_space<semaphore_mem>>
        %dma_start3A_133 = arith.constant 0 : i32
        %dma_start3A_134 = arith.constant 0 : i32
        %dma_start3A_135 = tpu.memref_slice %arg10[%dma_start3A_133, %dma_start3A_134] : memref<10112x32xf32, #tpu.memory_space<vmem_shared>> -> memref<10112x32xf32, #tpu.memory_space<vmem_shared>>
        tpu.enqueue_indirect_dma source(%arg8 : memref<128x32xf32, #tpu.memory_space<vmem>>) target(%dma_start3A_135 : memref<10112x32xf32, #tpu.memory_space<vmem_shared>>) offsets(%arg7 : memref<128xi32, #tpu.memory_space<vmem>>) semaphore(%run_scoped3A : memref<!tpu.dma_semaphore, #tpu.memory_space<semaphore_mem>>) {add = true}
        %dma_wait3A_136 = arith.constant 0 : i32
        %dma_wait3A_137 = arith.constant 0 : i32
        %dma_wait3A_138 = tpu.memref_slice %arg10[%dma_wait3A_136, %dma_wait3A_137] : memref<10112x32xf32, #tpu.memory_space<vmem_shared>> -> memref<10112x32xf32, #tpu.memory_space<vmem_shared>>
        tpu.wait_indirect_dma semaphore(%run_scoped3A : memref<!tpu.dma_semaphore, #tpu.memory_space<semaphore_mem>>) src(%arg8 : memref<128x32xf32, #tpu.memory_space<vmem>>) dst(%dma_wait3A_138 : memref<10112x32xf32, #tpu.memory_space<vmem_shared>>)
        tpu.yield
      }) : () -> ()
      %scan3A_132 = arith.constant 0 : i32
      scf.yield %scan3A_132 : i32
    }
    %scan3A_113 = arith.constant 79 : i32
    %barrier3A_114 = arith.constant 0 : index
    tpu.barrier barrier_id(%barrier3A_114)
    "tpu.region"() ({
      %run_scoped3A = tpu.sem_alloc : memref<!tpu.dma_semaphore, #tpu.memory_space<semaphore_mem>>
      %dma_start3A = arith.constant 0 : i32
      %dma_start3A_115 = tpu.memref_slice %arg5[%arg0, %mul3A_98, %dma_start3A] : memref<2x10112x32xf32, #tpu.memory_space<hbm>> -> memref<1x632x32xf32, #tpu.memory_space<hbm>>
      %dma_start3A_116 = tpu.memref_squeeze %dma_start3A_115 : memref<1x632x32xf32, #tpu.memory_space<hbm>> -> memref<632x32xf32, #tpu.memory_space<hbm>>
      %dma_start3A_117 = arith.constant 0 : i32
      %dma_start3A_118 = tpu.memref_slice %arg10[%mul3A_98, %dma_start3A_117] : memref<10112x32xf32, #tpu.memory_space<vmem_shared>> -> memref<632x32xf32, #tpu.memory_space<vmem_shared>>
      tpu.enqueue_dma source(%dma_start3A_118 : memref<632x32xf32, #tpu.memory_space<vmem_shared>>) target(%dma_start3A_116 : memref<632x32xf32, #tpu.memory_space<hbm>>) target_semaphore(%run_scoped3A : memref<!tpu.dma_semaphore, #tpu.memory_space<semaphore_mem>>)
      %dma_wait3A = arith.constant 0 : i32
      %dma_wait3A_119 = tpu.memref_slice %arg5[%arg0, %mul3A_98, %dma_wait3A] : memref<2x10112x32xf32, #tpu.memory_space<hbm>> -> memref<1x632x32xf32, #tpu.memory_space<hbm>>
      %dma_wait3A_120 = tpu.memref_squeeze %dma_wait3A_119 : memref<1x632x32xf32, #tpu.memory_space<hbm>> -> memref<632x32xf32, #tpu.memory_space<hbm>>
      %dma_wait3A_121 = arith.constant 0 : i32
      %dma_wait3A_122 = tpu.memref_slice %arg10[%mul3A_98, %dma_wait3A_121] : memref<10112x32xf32, #tpu.memory_space<vmem_shared>> -> memref<632x32xf32, #tpu.memory_space<vmem_shared>>
      tpu.wait_dma2 semaphore(%run_scoped3A : memref<!tpu.dma_semaphore, #tpu.memory_space<semaphore_mem>>) src(%dma_wait3A_122 : memref<632x32xf32, #tpu.memory_space<vmem_shared>>) dst(%dma_wait3A_120 : memref<632x32xf32, #tpu.memory_space<hbm>>)
      tpu.yield
    }) : () -> ()
    return
  }
}

#map = affine_map<(d0, d1) -> (0, 0)>
#map1 = affine_map<(d0, d1) -> (0)>
#map2 = affine_map<(d0, d1) -> (0, 0, 0)>
module attributes {stable_mosaic.version = 14 : i64} {
  func.func @_sc_agg_body(%arg0: i32, %arg1: i32, %arg2: memref<10000x32xf32, #tpu.memory_space<hbm>>, %arg3: memref<323584xi32, #tpu.memory_space<hbm>>, %arg4: memref<323584xi32, #tpu.memory_space<hbm>>, %arg5: memref<2x10112x32xf32, #tpu.memory_space<hbm>>, %arg6: memref<128xi32, #tpu.memory_space<vmem>>, %arg7: memref<128xi32, #tpu.memory_space<vmem>>, %arg8: memref<128x32xf32, #tpu.memory_space<vmem>>, %arg9: memref<8x32xf32, #tpu.memory_space<vmem>>, %arg10: memref<10112x32xf32, #tpu.memory_space<vmem_shared>>, %arg11: memref<!tpu.dma_semaphore, #tpu.memory_space<semaphore_mem>>) attributes {dimension_semantics = [#tpu.dimension_semantics<core_parallel>, #tpu.dimension_semantics<subcore_parallel>], iteration_bounds = array<i64: 2, 16>, scalar_prefetch = 0 : i64, scratch_operands = 6 : i64, tpu.core_type = #tpu.core_type<sc_vector_subcore>, window_params = [{transform_indices = #map}, {transform_indices = #map1}, {transform_indices = #map1}, {transform_indices = #map2}]} {
    %mul3A = arith.constant 16 : i32
    %mul3A_0 = arith.muli %arg0, %mul3A : i32
    %add3A = arith.addi %mul3A_0, %arg1 : i32
    %broadcast_in_dim3A = arith.constant 0.000000e+00 : f32
    %broadcast_in_dim3A_1 = vector.broadcast %broadcast_in_dim3A : f32 to vector<16xf32>
    %swap3A = arith.constant 0 : i32
    %swap3A_2 = arith.index_cast %swap3A : i32 to index
    %swap3A_3 = arith.constant 0 : index
    %swap3A_4 = tpu.vector_load %arg9[%swap3A_2, %swap3A_3] {strides = array<i32>} : memref<8x32xf32, #tpu.memory_space<vmem>>, vector<1x16xf32>,
    %swap3A_5 = vector.shape_cast %swap3A_4 : vector<1x16xf32> to vector<16xf32>
    %swap3A_6 = vector.shape_cast %broadcast_in_dim3A_1 : vector<16xf32> to vector<1x16xf32>
    tpu.vector_store %arg9[%swap3A_2, %swap3A_3], %swap3A_6 {strides = array<i32>} : memref<8x32xf32, #tpu.memory_space<vmem>>, vector<1x16xf32>,
    %swap3A_7 = arith.constant 0 : i32
    %swap3A_8 = arith.index_cast %swap3A_7 : i32 to index
    %swap3A_9 = arith.constant 16 : index
    %swap3A_10 = tpu.vector_load %arg9[%swap3A_8, %swap3A_9] {strides = array<i32>} : memref<8x32xf32, #tpu.memory_space<vmem>>, vector<1x16xf32>,
    %swap3A_11 = vector.shape_cast %swap3A_10 : vector<1x16xf32> to vector<16xf32>
    %swap3A_12 = vector.shape_cast %broadcast_in_dim3A_1 : vector<16xf32> to vector<1x16xf32>
    tpu.vector_store %arg9[%swap3A_8, %swap3A_9], %swap3A_12 {strides = array<i32>} : memref<8x32xf32, #tpu.memory_space<vmem>>, vector<1x16xf32>,
    %swap3A_13 = arith.constant 1 : i32
    %swap3A_14 = arith.index_cast %swap3A_13 : i32 to index
    %swap3A_15 = arith.constant 0 : index
    %swap3A_16 = tpu.vector_load %arg9[%swap3A_14, %swap3A_15] {strides = array<i32>} : memref<8x32xf32, #tpu.memory_space<vmem>>, vector<1x16xf32>,
    %swap3A_17 = vector.shape_cast %swap3A_16 : vector<1x16xf32> to vector<16xf32>
    %swap3A_18 = vector.shape_cast %broadcast_in_dim3A_1 : vector<16xf32> to vector<1x16xf32>
    tpu.vector_store %arg9[%swap3A_14, %swap3A_15], %swap3A_18 {strides = array<i32>} : memref<8x32xf32, #tpu.memory_space<vmem>>, vector<1x16xf32>,
    %swap3A_19 = arith.constant 1 : i32
    %swap3A_20 = arith.index_cast %swap3A_19 : i32 to index
    %swap3A_21 = arith.constant 16 : index
    %swap3A_22 = tpu.vector_load %arg9[%swap3A_20, %swap3A_21] {strides = array<i32>} : memref<8x32xf32, #tpu.memory_space<vmem>>, vector<1x16xf32>,
    %swap3A_23 = vector.shape_cast %swap3A_22 : vector<1x16xf32> to vector<16xf32>
    %swap3A_24 = vector.shape_cast %broadcast_in_dim3A_1 : vector<16xf32> to vector<1x16xf32>
    tpu.vector_store %arg9[%swap3A_20, %swap3A_21], %swap3A_24 {strides = array<i32>} : memref<8x32xf32, #tpu.memory_space<vmem>>, vector<1x16xf32>,
    %swap3A_25 = arith.constant 2 : i32
    %swap3A_26 = arith.index_cast %swap3A_25 : i32 to index
    %swap3A_27 = arith.constant 0 : index
    %swap3A_28 = tpu.vector_load %arg9[%swap3A_26, %swap3A_27] {strides = array<i32>} : memref<8x32xf32, #tpu.memory_space<vmem>>, vector<1x16xf32>,
    %swap3A_29 = vector.shape_cast %swap3A_28 : vector<1x16xf32> to vector<16xf32>
    %swap3A_30 = vector.shape_cast %broadcast_in_dim3A_1 : vector<16xf32> to vector<1x16xf32>
    tpu.vector_store %arg9[%swap3A_26, %swap3A_27], %swap3A_30 {strides = array<i32>} : memref<8x32xf32, #tpu.memory_space<vmem>>, vector<1x16xf32>,
    %swap3A_31 = arith.constant 2 : i32
    %swap3A_32 = arith.index_cast %swap3A_31 : i32 to index
    %swap3A_33 = arith.constant 16 : index
    %swap3A_34 = tpu.vector_load %arg9[%swap3A_32, %swap3A_33] {strides = array<i32>} : memref<8x32xf32, #tpu.memory_space<vmem>>, vector<1x16xf32>,
    %swap3A_35 = vector.shape_cast %swap3A_34 : vector<1x16xf32> to vector<16xf32>
    %swap3A_36 = vector.shape_cast %broadcast_in_dim3A_1 : vector<16xf32> to vector<1x16xf32>
    tpu.vector_store %arg9[%swap3A_32, %swap3A_33], %swap3A_36 {strides = array<i32>} : memref<8x32xf32, #tpu.memory_space<vmem>>, vector<1x16xf32>,
    %swap3A_37 = arith.constant 3 : i32
    %swap3A_38 = arith.index_cast %swap3A_37 : i32 to index
    %swap3A_39 = arith.constant 0 : index
    %swap3A_40 = tpu.vector_load %arg9[%swap3A_38, %swap3A_39] {strides = array<i32>} : memref<8x32xf32, #tpu.memory_space<vmem>>, vector<1x16xf32>,
    %swap3A_41 = vector.shape_cast %swap3A_40 : vector<1x16xf32> to vector<16xf32>
    %swap3A_42 = vector.shape_cast %broadcast_in_dim3A_1 : vector<16xf32> to vector<1x16xf32>
    tpu.vector_store %arg9[%swap3A_38, %swap3A_39], %swap3A_42 {strides = array<i32>} : memref<8x32xf32, #tpu.memory_space<vmem>>, vector<1x16xf32>,
    %swap3A_43 = arith.constant 3 : i32
    %swap3A_44 = arith.index_cast %swap3A_43 : i32 to index
    %swap3A_45 = arith.constant 16 : index
    %swap3A_46 = tpu.vector_load %arg9[%swap3A_44, %swap3A_45] {strides = array<i32>} : memref<8x32xf32, #tpu.memory_space<vmem>>, vector<1x16xf32>,
    %swap3A_47 = vector.shape_cast %swap3A_46 : vector<1x16xf32> to vector<16xf32>
    %swap3A_48 = vector.shape_cast %broadcast_in_dim3A_1 : vector<16xf32> to vector<1x16xf32>
    tpu.vector_store %arg9[%swap3A_44, %swap3A_45], %swap3A_48 {strides = array<i32>} : memref<8x32xf32, #tpu.memory_space<vmem>>, vector<1x16xf32>,
    %swap3A_49 = arith.constant 4 : i32
    %swap3A_50 = arith.index_cast %swap3A_49 : i32 to index
    %swap3A_51 = arith.constant 0 : index
    %swap3A_52 = tpu.vector_load %arg9[%swap3A_50, %swap3A_51] {strides = array<i32>} : memref<8x32xf32, #tpu.memory_space<vmem>>, vector<1x16xf32>,
    %swap3A_53 = vector.shape_cast %swap3A_52 : vector<1x16xf32> to vector<16xf32>
    %swap3A_54 = vector.shape_cast %broadcast_in_dim3A_1 : vector<16xf32> to vector<1x16xf32>
    tpu.vector_store %arg9[%swap3A_50, %swap3A_51], %swap3A_54 {strides = array<i32>} : memref<8x32xf32, #tpu.memory_space<vmem>>, vector<1x16xf32>,
    %swap3A_55 = arith.constant 4 : i32
    %swap3A_56 = arith.index_cast %swap3A_55 : i32 to index
    %swap3A_57 = arith.constant 16 : index
    %swap3A_58 = tpu.vector_load %arg9[%swap3A_56, %swap3A_57] {strides = array<i32>} : memref<8x32xf32, #tpu.memory_space<vmem>>, vector<1x16xf32>,
    %swap3A_59 = vector.shape_cast %swap3A_58 : vector<1x16xf32> to vector<16xf32>
    %swap3A_60 = vector.shape_cast %broadcast_in_dim3A_1 : vector<16xf32> to vector<1x16xf32>
    tpu.vector_store %arg9[%swap3A_56, %swap3A_57], %swap3A_60 {strides = array<i32>} : memref<8x32xf32, #tpu.memory_space<vmem>>, vector<1x16xf32>,
    %swap3A_61 = arith.constant 5 : i32
    %swap3A_62 = arith.index_cast %swap3A_61 : i32 to index
    %swap3A_63 = arith.constant 0 : index
    %swap3A_64 = tpu.vector_load %arg9[%swap3A_62, %swap3A_63] {strides = array<i32>} : memref<8x32xf32, #tpu.memory_space<vmem>>, vector<1x16xf32>,
    %swap3A_65 = vector.shape_cast %swap3A_64 : vector<1x16xf32> to vector<16xf32>
    %swap3A_66 = vector.shape_cast %broadcast_in_dim3A_1 : vector<16xf32> to vector<1x16xf32>
    tpu.vector_store %arg9[%swap3A_62, %swap3A_63], %swap3A_66 {strides = array<i32>} : memref<8x32xf32, #tpu.memory_space<vmem>>, vector<1x16xf32>,
    %swap3A_67 = arith.constant 5 : i32
    %swap3A_68 = arith.index_cast %swap3A_67 : i32 to index
    %swap3A_69 = arith.constant 16 : index
    %swap3A_70 = tpu.vector_load %arg9[%swap3A_68, %swap3A_69] {strides = array<i32>} : memref<8x32xf32, #tpu.memory_space<vmem>>, vector<1x16xf32>,
    %swap3A_71 = vector.shape_cast %swap3A_70 : vector<1x16xf32> to vector<16xf32>
    %swap3A_72 = vector.shape_cast %broadcast_in_dim3A_1 : vector<16xf32> to vector<1x16xf32>
    tpu.vector_store %arg9[%swap3A_68, %swap3A_69], %swap3A_72 {strides = array<i32>} : memref<8x32xf32, #tpu.memory_space<vmem>>, vector<1x16xf32>,
    %swap3A_73 = arith.constant 6 : i32
    %swap3A_74 = arith.index_cast %swap3A_73 : i32 to index
    %swap3A_75 = arith.constant 0 : index
    %swap3A_76 = tpu.vector_load %arg9[%swap3A_74, %swap3A_75] {strides = array<i32>} : memref<8x32xf32, #tpu.memory_space<vmem>>, vector<1x16xf32>,
    %swap3A_77 = vector.shape_cast %swap3A_76 : vector<1x16xf32> to vector<16xf32>
    %swap3A_78 = vector.shape_cast %broadcast_in_dim3A_1 : vector<16xf32> to vector<1x16xf32>
    tpu.vector_store %arg9[%swap3A_74, %swap3A_75], %swap3A_78 {strides = array<i32>} : memref<8x32xf32, #tpu.memory_space<vmem>>, vector<1x16xf32>,
    %swap3A_79 = arith.constant 6 : i32
    %swap3A_80 = arith.index_cast %swap3A_79 : i32 to index
    %swap3A_81 = arith.constant 16 : index
    %swap3A_82 = tpu.vector_load %arg9[%swap3A_80, %swap3A_81] {strides = array<i32>} : memref<8x32xf32, #tpu.memory_space<vmem>>, vector<1x16xf32>,
    %swap3A_83 = vector.shape_cast %swap3A_82 : vector<1x16xf32> to vector<16xf32>
    %swap3A_84 = vector.shape_cast %broadcast_in_dim3A_1 : vector<16xf32> to vector<1x16xf32>
    tpu.vector_store %arg9[%swap3A_80, %swap3A_81], %swap3A_84 {strides = array<i32>} : memref<8x32xf32, #tpu.memory_space<vmem>>, vector<1x16xf32>,
    %swap3A_85 = arith.constant 7 : i32
    %swap3A_86 = arith.index_cast %swap3A_85 : i32 to index
    %swap3A_87 = arith.constant 0 : index
    %swap3A_88 = tpu.vector_load %arg9[%swap3A_86, %swap3A_87] {strides = array<i32>} : memref<8x32xf32, #tpu.memory_space<vmem>>, vector<1x16xf32>,
    %swap3A_89 = vector.shape_cast %swap3A_88 : vector<1x16xf32> to vector<16xf32>
    %swap3A_90 = vector.shape_cast %broadcast_in_dim3A_1 : vector<16xf32> to vector<1x16xf32>
    tpu.vector_store %arg9[%swap3A_86, %swap3A_87], %swap3A_90 {strides = array<i32>} : memref<8x32xf32, #tpu.memory_space<vmem>>, vector<1x16xf32>,
    %swap3A_91 = arith.constant 7 : i32
    %swap3A_92 = arith.index_cast %swap3A_91 : i32 to index
    %swap3A_93 = arith.constant 16 : index
    %swap3A_94 = tpu.vector_load %arg9[%swap3A_92, %swap3A_93] {strides = array<i32>} : memref<8x32xf32, #tpu.memory_space<vmem>>, vector<1x16xf32>,
    %swap3A_95 = vector.shape_cast %swap3A_94 : vector<1x16xf32> to vector<16xf32>
    %swap3A_96 = vector.shape_cast %broadcast_in_dim3A_1 : vector<16xf32> to vector<1x16xf32>
    tpu.vector_store %arg9[%swap3A_92, %swap3A_93], %swap3A_96 {strides = array<i32>} : memref<8x32xf32, #tpu.memory_space<vmem>>, vector<1x16xf32>,
    %mul3A_97 = arith.constant 632 : i32
    %mul3A_98 = arith.muli %arg1, %mul3A_97 : i32
    %scan3A = arith.constant 0 : i32
    %scan3A_99 = arith.constant 0 : i32
    %scan3A_100 = arith.constant 79 : i32
    %scan3A_101 = arith.addi %scan3A_99, %scan3A_100 : i32
    %scan3A_102 = arith.constant 1 : i32
    %scan3A_103 = scf.for %scan3A_115 = %scan3A_99 to %scan3A_101 step %scan3A_102 iter_args(%scan3A_116 = %scan3A) -> (i32)  : i32 {
      %mul3A_117 = arith.constant 8 : i32
      %mul3A_118 = arith.muli %scan3A_115, %mul3A_117 : i32
      %add3A_119 = arith.addi %mul3A_98, %mul3A_118 : i32
      "tpu.region"() ({
        %run_scoped3A = tpu.sem_alloc : memref<!tpu.dma_semaphore, #tpu.memory_space<semaphore_mem>>
        %dma_start3A = arith.constant 0 : i32
        %dma_start3A_121 = tpu.memref_slice %arg10[%add3A_119, %dma_start3A] : memref<10112x32xf32, #tpu.memory_space<vmem_shared>> -> memref<8x32xf32, #tpu.memory_space<vmem_shared>>
        %dma_start3A_122 = arith.constant 0 : i32
        %dma_start3A_123 = tpu.memref_slice %arg10[%add3A_119, %dma_start3A_122] : memref<10112x32xf32, #tpu.memory_space<vmem_shared>> -> memref<8x32xf32, #tpu.memory_space<vmem_shared>>
        tpu.enqueue_dma source(%arg9 : memref<8x32xf32, #tpu.memory_space<vmem>>) target(%dma_start3A_123 : memref<8x32xf32, #tpu.memory_space<vmem_shared>>) target_semaphore(%run_scoped3A : memref<!tpu.dma_semaphore, #tpu.memory_space<semaphore_mem>>)
        %dma_wait3A = arith.constant 0 : i32
        %dma_wait3A_124 = tpu.memref_slice %arg10[%add3A_119, %dma_wait3A] : memref<10112x32xf32, #tpu.memory_space<vmem_shared>> -> memref<8x32xf32, #tpu.memory_space<vmem_shared>>
        %dma_wait3A_125 = arith.constant 0 : i32
        %dma_wait3A_126 = tpu.memref_slice %arg10[%add3A_119, %dma_wait3A_125] : memref<10112x32xf32, #tpu.memory_space<vmem_shared>> -> memref<8x32xf32, #tpu.memory_space<vmem_shared>>
        tpu.wait_dma2 semaphore(%run_scoped3A : memref<!tpu.dma_semaphore, #tpu.memory_space<semaphore_mem>>) src(%arg9 : memref<8x32xf32, #tpu.memory_space<vmem>>) dst(%dma_wait3A_126 : memref<8x32xf32, #tpu.memory_space<vmem_shared>>)
        tpu.yield
      }) : () -> ()
      %scan3A_120 = arith.constant 0 : i32
      scf.yield %scan3A_120 : i32
    }
    %scan3A_104 = arith.constant 79 : i32
    %barrier3A = arith.constant 0 : index
    tpu.barrier barrier_id(%barrier3A)
    %mul3A_105 = arith.constant 10112 : i32
    %mul3A_106 = arith.muli %add3A, %mul3A_105 : i32
    %scan3A_107 = arith.constant 0 : i32
    %scan3A_108 = arith.constant 0 : i32
    %scan3A_109 = arith.constant 79 : i32
    %scan3A_110 = arith.addi %scan3A_108, %scan3A_109 : i32
    %scan3A_111 = arith.constant 1 : i32
    %scan3A_112 = scf.for %scan3A_115 = %scan3A_108 to %scan3A_110 step %scan3A_111 iter_args(%scan3A_116 = %scan3A_107) -> (i32)  : i32 {
      %mul3A_117 = arith.constant 128 : i32
      %mul3A_118 = arith.muli %scan3A_115, %mul3A_117 : i32
      %add3A_119 = arith.addi %mul3A_106, %mul3A_118 : i32
      %dma_start3A = tpu.memref_slice %arg3[%add3A_119] : memref<323584xi32, #tpu.memory_space<hbm>> -> memref<128xi32, #tpu.memory_space<hbm>>
      %dma_start3A_120 = tpu.memref_slice %arg3[%add3A_119] : memref<323584xi32, #tpu.memory_space<hbm>> -> memref<128xi32, #tpu.memory_space<hbm>>
      tpu.enqueue_dma source(%dma_start3A_120 : memref<128xi32, #tpu.memory_space<hbm>>) target(%arg6 : memref<128xi32, #tpu.memory_space<vmem>>) target_semaphore(%arg11 : memref<!tpu.dma_semaphore, #tpu.memory_space<semaphore_mem>>)
      %dma_start3A_121 = tpu.memref_slice %arg4[%add3A_119] : memref<323584xi32, #tpu.memory_space<hbm>> -> memref<128xi32, #tpu.memory_space<hbm>>
      %dma_start3A_122 = tpu.memref_slice %arg4[%add3A_119] : memref<323584xi32, #tpu.memory_space<hbm>> -> memref<128xi32, #tpu.memory_space<hbm>>
      tpu.enqueue_dma source(%dma_start3A_122 : memref<128xi32, #tpu.memory_space<hbm>>) target(%arg7 : memref<128xi32, #tpu.memory_space<vmem>>) target_semaphore(%arg11 : memref<!tpu.dma_semaphore, #tpu.memory_space<semaphore_mem>>)
      %dma_wait3A = tpu.memref_slice %arg3[%add3A_119] : memref<323584xi32, #tpu.memory_space<hbm>> -> memref<128xi32, #tpu.memory_space<hbm>>
      %dma_wait3A_123 = tpu.memref_slice %arg3[%add3A_119] : memref<323584xi32, #tpu.memory_space<hbm>> -> memref<128xi32, #tpu.memory_space<hbm>>
      tpu.wait_dma2 semaphore(%arg11 : memref<!tpu.dma_semaphore, #tpu.memory_space<semaphore_mem>>) src(%dma_wait3A_123 : memref<128xi32, #tpu.memory_space<hbm>>) dst(%arg6 : memref<128xi32, #tpu.memory_space<vmem>>)
      %dma_wait3A_124 = tpu.memref_slice %arg4[%add3A_119] : memref<323584xi32, #tpu.memory_space<hbm>> -> memref<128xi32, #tpu.memory_space<hbm>>
      %dma_wait3A_125 = tpu.memref_slice %arg4[%add3A_119] : memref<323584xi32, #tpu.memory_space<hbm>> -> memref<128xi32, #tpu.memory_space<hbm>>
      tpu.wait_dma2 semaphore(%arg11 : memref<!tpu.dma_semaphore, #tpu.memory_space<semaphore_mem>>) src(%dma_wait3A_125 : memref<128xi32, #tpu.memory_space<hbm>>) dst(%arg7 : memref<128xi32, #tpu.memory_space<vmem>>)
      %dma_start3A_126 = arith.constant 0 : i32
      %dma_start3A_127 = arith.constant 0 : i32
      %dma_start3A_128 = tpu.memref_slice %arg2[%dma_start3A_126, %dma_start3A_127] : memref<10000x32xf32, #tpu.memory_space<hbm>> -> memref<10000x32xf32, #tpu.memory_space<hbm>>
      tpu.enqueue_indirect_dma source(%dma_start3A_128 : memref<10000x32xf32, #tpu.memory_space<hbm>>) target(%arg8 : memref<128x32xf32, #tpu.memory_space<vmem>>) offsets(%arg6 : memref<128xi32, #tpu.memory_space<vmem>>) semaphore(%arg11 : memref<!tpu.dma_semaphore, #tpu.memory_space<semaphore_mem>>)
      %dma_wait3A_129 = arith.constant 0 : i32
      %dma_wait3A_130 = arith.constant 0 : i32
      %dma_wait3A_131 = tpu.memref_slice %arg2[%dma_wait3A_129, %dma_wait3A_130] : memref<10000x32xf32, #tpu.memory_space<hbm>> -> memref<10000x32xf32, #tpu.memory_space<hbm>>
      tpu.wait_indirect_dma semaphore(%arg11 : memref<!tpu.dma_semaphore, #tpu.memory_space<semaphore_mem>>) src(%dma_wait3A_131 : memref<10000x32xf32, #tpu.memory_space<hbm>>) dst(%arg8 : memref<128x32xf32, #tpu.memory_space<vmem>>)
      "tpu.region"() ({
        %run_scoped3A = tpu.sem_alloc : memref<!tpu.dma_semaphore, #tpu.memory_space<semaphore_mem>>
        %dma_start3A_133 = arith.constant 0 : i32
        %dma_start3A_134 = arith.constant 0 : i32
        %dma_start3A_135 = tpu.memref_slice %arg10[%dma_start3A_133, %dma_start3A_134] : memref<10112x32xf32, #tpu.memory_space<vmem_shared>> -> memref<10112x32xf32, #tpu.memory_space<vmem_shared>>
        tpu.enqueue_indirect_dma source(%arg8 : memref<128x32xf32, #tpu.memory_space<vmem>>) target(%dma_start3A_135 : memref<10112x32xf32, #tpu.memory_space<vmem_shared>>) offsets(%arg7 : memref<128xi32, #tpu.memory_space<vmem>>) semaphore(%run_scoped3A : memref<!tpu.dma_semaphore, #tpu.memory_space<semaphore_mem>>) {add = true}
        %dma_wait3A_136 = arith.constant 0 : i32
        %dma_wait3A_137 = arith.constant 0 : i32
        %dma_wait3A_138 = tpu.memref_slice %arg10[%dma_wait3A_136, %dma_wait3A_137] : memref<10112x32xf32, #tpu.memory_space<vmem_shared>> -> memref<10112x32xf32, #tpu.memory_space<vmem_shared>>
        tpu.wait_indirect_dma semaphore(%run_scoped3A : memref<!tpu.dma_semaphore, #tpu.memory_space<semaphore_mem>>) src(%arg8 : memref<128x32xf32, #tpu.memory_space<vmem>>) dst(%dma_wait3A_138 : memref<10112x32xf32, #tpu.memory_space<vmem_shared>>)
        tpu.yield
      }) : () -> ()
      %scan3A_132 = arith.constant 0 : i32
      scf.yield %scan3A_132 : i32
    }
    %scan3A_113 = arith.constant 79 : i32
    %barrier3A_114 = arith.constant 0 : index
    tpu.barrier barrier_id(%barrier3A_114)
    "tpu.region"() ({
      %run_scoped3A = tpu.sem_alloc : memref<!tpu.dma_semaphore, #tpu.memory_space<semaphore_mem>>
      %dma_start3A = arith.constant 0 : i32
      %dma_start3A_115 = tpu.memref_slice %arg5[%arg0, %mul3A_98, %dma_start3A] : memref<2x10112x32xf32, #tpu.memory_space<hbm>> -> memref<1x632x32xf32, #tpu.memory_space<hbm>>
      %dma_start3A_116 = tpu.memref_squeeze %dma_start3A_115 : memref<1x632x32xf32, #tpu.memory_space<hbm>> -> memref<632x32xf32, #tpu.memory_space<hbm>>
      %dma_start3A_117 = arith.constant 0 : i32
      %dma_start3A_118 = tpu.memref_slice %arg10[%mul3A_98, %dma_start3A_117] : memref<10112x32xf32, #tpu.memory_space<vmem_shared>> -> memref<632x32xf32, #tpu.memory_space<vmem_shared>>
      tpu.enqueue_dma source(%dma_start3A_118 : memref<632x32xf32, #tpu.memory_space<vmem_shared>>) target(%dma_start3A_116 : memref<632x32xf32, #tpu.memory_space<hbm>>) target_semaphore(%run_scoped3A : memref<!tpu.dma_semaphore, #tpu.memory_space<semaphore_mem>>)
      %dma_wait3A = arith.constant 0 : i32
      %dma_wait3A_119 = tpu.memref_slice %arg5[%arg0, %mul3A_98, %dma_wait3A] : memref<2x10112x32xf32, #tpu.memory_space<hbm>> -> memref<1x632x32xf32, #tpu.memory_space<hbm>>
      %dma_wait3A_120 = tpu.memref_squeeze %dma_wait3A_119 : memref<1x632x32xf32, #tpu.memory_space<hbm>> -> memref<632x32xf32, #tpu.memory_space<hbm>>
      %dma_wait3A_121 = arith.constant 0 : i32
      %dma_wait3A_122 = tpu.memref_slice %arg10[%mul3A_98, %dma_wait3A_121] : memref<10112x32xf32, #tpu.memory_space<vmem_shared>> -> memref<632x32xf32, #tpu.memory_space<vmem_shared>>
      tpu.wait_dma2 semaphore(%run_scoped3A : memref<!tpu.dma_semaphore, #tpu.memory_space<semaphore_mem>>) src(%dma_wait3A_122 : memref<632x32xf32, #tpu.memory_space<vmem_shared>>) dst(%dma_wait3A_120 : memref<632x32xf32, #tpu.memory_space<hbm>>)
      tpu.yield
    }) : () -> ()
    return
  }
}

#map = affine_map<(d0, d1) -> (0, 0)>
#map1 = affine_map<(d0, d1) -> (0)>
#map2 = affine_map<(d0, d1) -> (0, 0, 0)>
module attributes {stable_mosaic.version = 14 : i64} {
  func.func @_sc_agg_body(%arg0: i32, %arg1: i32, %arg2: memref<10000x32xf32, #tpu.memory_space<hbm>>, %arg3: memref<323584xi32, #tpu.memory_space<hbm>>, %arg4: memref<323584xi32, #tpu.memory_space<hbm>>, %arg5: memref<2x10112x32xf32, #tpu.memory_space<hbm>>, %arg6: memref<128xi32, #tpu.memory_space<vmem>>, %arg7: memref<128xi32, #tpu.memory_space<vmem>>, %arg8: memref<128x32xf32, #tpu.memory_space<vmem>>, %arg9: memref<8x32xf32, #tpu.memory_space<vmem>>, %arg10: memref<10112x32xf32, #tpu.memory_space<vmem_shared>>, %arg11: memref<!tpu.dma_semaphore, #tpu.memory_space<semaphore_mem>>) attributes {dimension_semantics = [#tpu.dimension_semantics<core_parallel>, #tpu.dimension_semantics<subcore_parallel>], iteration_bounds = array<i64: 2, 16>, scalar_prefetch = 0 : i64, scratch_operands = 6 : i64, tpu.core_type = #tpu.core_type<sc_vector_subcore>, window_params = [{transform_indices = #map}, {transform_indices = #map1}, {transform_indices = #map1}, {transform_indices = #map2}]} {
    %mul3A = arith.constant 16 : i32
    %mul3A_0 = arith.muli %arg0, %mul3A : i32
    %add3A = arith.addi %mul3A_0, %arg1 : i32
    %broadcast_in_dim3A = arith.constant 0.000000e+00 : f32
    %broadcast_in_dim3A_1 = vector.broadcast %broadcast_in_dim3A : f32 to vector<16xf32>
    %swap3A = arith.constant 0 : i32
    %swap3A_2 = arith.index_cast %swap3A : i32 to index
    %swap3A_3 = arith.constant 0 : index
    %swap3A_4 = tpu.vector_load %arg9[%swap3A_2, %swap3A_3] {strides = array<i32>} : memref<8x32xf32, #tpu.memory_space<vmem>>, vector<1x16xf32>,
    %swap3A_5 = vector.shape_cast %swap3A_4 : vector<1x16xf32> to vector<16xf32>
    %swap3A_6 = vector.shape_cast %broadcast_in_dim3A_1 : vector<16xf32> to vector<1x16xf32>
    tpu.vector_store %arg9[%swap3A_2, %swap3A_3], %swap3A_6 {strides = array<i32>} : memref<8x32xf32, #tpu.memory_space<vmem>>, vector<1x16xf32>,
    %swap3A_7 = arith.constant 0 : i32
    %swap3A_8 = arith.index_cast %swap3A_7 : i32 to index
    %swap3A_9 = arith.constant 16 : index
    %swap3A_10 = tpu.vector_load %arg9[%swap3A_8, %swap3A_9] {strides = array<i32>} : memref<8x32xf32, #tpu.memory_space<vmem>>, vector<1x16xf32>,
    %swap3A_11 = vector.shape_cast %swap3A_10 : vector<1x16xf32> to vector<16xf32>
    %swap3A_12 = vector.shape_cast %broadcast_in_dim3A_1 : vector<16xf32> to vector<1x16xf32>
    tpu.vector_store %arg9[%swap3A_8, %swap3A_9], %swap3A_12 {strides = array<i32>} : memref<8x32xf32, #tpu.memory_space<vmem>>, vector<1x16xf32>,
    %swap3A_13 = arith.constant 1 : i32
    %swap3A_14 = arith.index_cast %swap3A_13 : i32 to index
    %swap3A_15 = arith.constant 0 : index
    %swap3A_16 = tpu.vector_load %arg9[%swap3A_14, %swap3A_15] {strides = array<i32>} : memref<8x32xf32, #tpu.memory_space<vmem>>, vector<1x16xf32>,
    %swap3A_17 = vector.shape_cast %swap3A_16 : vector<1x16xf32> to vector<16xf32>
    %swap3A_18 = vector.shape_cast %broadcast_in_dim3A_1 : vector<16xf32> to vector<1x16xf32>
    tpu.vector_store %arg9[%swap3A_14, %swap3A_15], %swap3A_18 {strides = array<i32>} : memref<8x32xf32, #tpu.memory_space<vmem>>, vector<1x16xf32>,
    %swap3A_19 = arith.constant 1 : i32
    %swap3A_20 = arith.index_cast %swap3A_19 : i32 to index
    %swap3A_21 = arith.constant 16 : index
    %swap3A_22 = tpu.vector_load %arg9[%swap3A_20, %swap3A_21] {strides = array<i32>} : memref<8x32xf32, #tpu.memory_space<vmem>>, vector<1x16xf32>,
    %swap3A_23 = vector.shape_cast %swap3A_22 : vector<1x16xf32> to vector<16xf32>
    %swap3A_24 = vector.shape_cast %broadcast_in_dim3A_1 : vector<16xf32> to vector<1x16xf32>
    tpu.vector_store %arg9[%swap3A_20, %swap3A_21], %swap3A_24 {strides = array<i32>} : memref<8x32xf32, #tpu.memory_space<vmem>>, vector<1x16xf32>,
    %swap3A_25 = arith.constant 2 : i32
    %swap3A_26 = arith.index_cast %swap3A_25 : i32 to index
    %swap3A_27 = arith.constant 0 : index
    %swap3A_28 = tpu.vector_load %arg9[%swap3A_26, %swap3A_27] {strides = array<i32>} : memref<8x32xf32, #tpu.memory_space<vmem>>, vector<1x16xf32>,
    %swap3A_29 = vector.shape_cast %swap3A_28 : vector<1x16xf32> to vector<16xf32>
    %swap3A_30 = vector.shape_cast %broadcast_in_dim3A_1 : vector<16xf32> to vector<1x16xf32>
    tpu.vector_store %arg9[%swap3A_26, %swap3A_27], %swap3A_30 {strides = array<i32>} : memref<8x32xf32, #tpu.memory_space<vmem>>, vector<1x16xf32>,
    %swap3A_31 = arith.constant 2 : i32
    %swap3A_32 = arith.index_cast %swap3A_31 : i32 to index
    %swap3A_33 = arith.constant 16 : index
    %swap3A_34 = tpu.vector_load %arg9[%swap3A_32, %swap3A_33] {strides = array<i32>} : memref<8x32xf32, #tpu.memory_space<vmem>>, vector<1x16xf32>,
    %swap3A_35 = vector.shape_cast %swap3A_34 : vector<1x16xf32> to vector<16xf32>
    %swap3A_36 = vector.shape_cast %broadcast_in_dim3A_1 : vector<16xf32> to vector<1x16xf32>
    tpu.vector_store %arg9[%swap3A_32, %swap3A_33], %swap3A_36 {strides = array<i32>} : memref<8x32xf32, #tpu.memory_space<vmem>>, vector<1x16xf32>,
    %swap3A_37 = arith.constant 3 : i32
    %swap3A_38 = arith.index_cast %swap3A_37 : i32 to index
    %swap3A_39 = arith.constant 0 : index
    %swap3A_40 = tpu.vector_load %arg9[%swap3A_38, %swap3A_39] {strides = array<i32>} : memref<8x32xf32, #tpu.memory_space<vmem>>, vector<1x16xf32>,
    %swap3A_41 = vector.shape_cast %swap3A_40 : vector<1x16xf32> to vector<16xf32>
    %swap3A_42 = vector.shape_cast %broadcast_in_dim3A_1 : vector<16xf32> to vector<1x16xf32>
    tpu.vector_store %arg9[%swap3A_38, %swap3A_39], %swap3A_42 {strides = array<i32>} : memref<8x32xf32, #tpu.memory_space<vmem>>, vector<1x16xf32>,
    %swap3A_43 = arith.constant 3 : i32
    %swap3A_44 = arith.index_cast %swap3A_43 : i32 to index
    %swap3A_45 = arith.constant 16 : index
    %swap3A_46 = tpu.vector_load %arg9[%swap3A_44, %swap3A_45] {strides = array<i32>} : memref<8x32xf32, #tpu.memory_space<vmem>>, vector<1x16xf32>,
    %swap3A_47 = vector.shape_cast %swap3A_46 : vector<1x16xf32> to vector<16xf32>
    %swap3A_48 = vector.shape_cast %broadcast_in_dim3A_1 : vector<16xf32> to vector<1x16xf32>
    tpu.vector_store %arg9[%swap3A_44, %swap3A_45], %swap3A_48 {strides = array<i32>} : memref<8x32xf32, #tpu.memory_space<vmem>>, vector<1x16xf32>,
    %swap3A_49 = arith.constant 4 : i32
    %swap3A_50 = arith.index_cast %swap3A_49 : i32 to index
    %swap3A_51 = arith.constant 0 : index
    %swap3A_52 = tpu.vector_load %arg9[%swap3A_50, %swap3A_51] {strides = array<i32>} : memref<8x32xf32, #tpu.memory_space<vmem>>, vector<1x16xf32>,
    %swap3A_53 = vector.shape_cast %swap3A_52 : vector<1x16xf32> to vector<16xf32>
    %swap3A_54 = vector.shape_cast %broadcast_in_dim3A_1 : vector<16xf32> to vector<1x16xf32>
    tpu.vector_store %arg9[%swap3A_50, %swap3A_51], %swap3A_54 {strides = array<i32>} : memref<8x32xf32, #tpu.memory_space<vmem>>, vector<1x16xf32>,
    %swap3A_55 = arith.constant 4 : i32
    %swap3A_56 = arith.index_cast %swap3A_55 : i32 to index
    %swap3A_57 = arith.constant 16 : index
    %swap3A_58 = tpu.vector_load %arg9[%swap3A_56, %swap3A_57] {strides = array<i32>} : memref<8x32xf32, #tpu.memory_space<vmem>>, vector<1x16xf32>,
    %swap3A_59 = vector.shape_cast %swap3A_58 : vector<1x16xf32> to vector<16xf32>
    %swap3A_60 = vector.shape_cast %broadcast_in_dim3A_1 : vector<16xf32> to vector<1x16xf32>
    tpu.vector_store %arg9[%swap3A_56, %swap3A_57], %swap3A_60 {strides = array<i32>} : memref<8x32xf32, #tpu.memory_space<vmem>>, vector<1x16xf32>,
    %swap3A_61 = arith.constant 5 : i32
    %swap3A_62 = arith.index_cast %swap3A_61 : i32 to index
    %swap3A_63 = arith.constant 0 : index
    %swap3A_64 = tpu.vector_load %arg9[%swap3A_62, %swap3A_63] {strides = array<i32>} : memref<8x32xf32, #tpu.memory_space<vmem>>, vector<1x16xf32>,
    %swap3A_65 = vector.shape_cast %swap3A_64 : vector<1x16xf32> to vector<16xf32>
    %swap3A_66 = vector.shape_cast %broadcast_in_dim3A_1 : vector<16xf32> to vector<1x16xf32>
    tpu.vector_store %arg9[%swap3A_62, %swap3A_63], %swap3A_66 {strides = array<i32>} : memref<8x32xf32, #tpu.memory_space<vmem>>, vector<1x16xf32>,
    %swap3A_67 = arith.constant 5 : i32
    %swap3A_68 = arith.index_cast %swap3A_67 : i32 to index
    %swap3A_69 = arith.constant 16 : index
    %swap3A_70 = tpu.vector_load %arg9[%swap3A_68, %swap3A_69] {strides = array<i32>} : memref<8x32xf32, #tpu.memory_space<vmem>>, vector<1x16xf32>,
    %swap3A_71 = vector.shape_cast %swap3A_70 : vector<1x16xf32> to vector<16xf32>
    %swap3A_72 = vector.shape_cast %broadcast_in_dim3A_1 : vector<16xf32> to vector<1x16xf32>
    tpu.vector_store %arg9[%swap3A_68, %swap3A_69], %swap3A_72 {strides = array<i32>} : memref<8x32xf32, #tpu.memory_space<vmem>>, vector<1x16xf32>,
    %swap3A_73 = arith.constant 6 : i32
    %swap3A_74 = arith.index_cast %swap3A_73 : i32 to index
    %swap3A_75 = arith.constant 0 : index
    %swap3A_76 = tpu.vector_load %arg9[%swap3A_74, %swap3A_75] {strides = array<i32>} : memref<8x32xf32, #tpu.memory_space<vmem>>, vector<1x16xf32>,
    %swap3A_77 = vector.shape_cast %swap3A_76 : vector<1x16xf32> to vector<16xf32>
    %swap3A_78 = vector.shape_cast %broadcast_in_dim3A_1 : vector<16xf32> to vector<1x16xf32>
    tpu.vector_store %arg9[%swap3A_74, %swap3A_75], %swap3A_78 {strides = array<i32>} : memref<8x32xf32, #tpu.memory_space<vmem>>, vector<1x16xf32>,
    %swap3A_79 = arith.constant 6 : i32
    %swap3A_80 = arith.index_cast %swap3A_79 : i32 to index
    %swap3A_81 = arith.constant 16 : index
    %swap3A_82 = tpu.vector_load %arg9[%swap3A_80, %swap3A_81] {strides = array<i32>} : memref<8x32xf32, #tpu.memory_space<vmem>>, vector<1x16xf32>,
    %swap3A_83 = vector.shape_cast %swap3A_82 : vector<1x16xf32> to vector<16xf32>
    %swap3A_84 = vector.shape_cast %broadcast_in_dim3A_1 : vector<16xf32> to vector<1x16xf32>
    tpu.vector_store %arg9[%swap3A_80, %swap3A_81], %swap3A_84 {strides = array<i32>} : memref<8x32xf32, #tpu.memory_space<vmem>>, vector<1x16xf32>,
    %swap3A_85 = arith.constant 7 : i32
    %swap3A_86 = arith.index_cast %swap3A_85 : i32 to index
    %swap3A_87 = arith.constant 0 : index
    %swap3A_88 = tpu.vector_load %arg9[%swap3A_86, %swap3A_87] {strides = array<i32>} : memref<8x32xf32, #tpu.memory_space<vmem>>, vector<1x16xf32>,
    %swap3A_89 = vector.shape_cast %swap3A_88 : vector<1x16xf32> to vector<16xf32>
    %swap3A_90 = vector.shape_cast %broadcast_in_dim3A_1 : vector<16xf32> to vector<1x16xf32>
    tpu.vector_store %arg9[%swap3A_86, %swap3A_87], %swap3A_90 {strides = array<i32>} : memref<8x32xf32, #tpu.memory_space<vmem>>, vector<1x16xf32>,
    %swap3A_91 = arith.constant 7 : i32
    %swap3A_92 = arith.index_cast %swap3A_91 : i32 to index
    %swap3A_93 = arith.constant 16 : index
    %swap3A_94 = tpu.vector_load %arg9[%swap3A_92, %swap3A_93] {strides = array<i32>} : memref<8x32xf32, #tpu.memory_space<vmem>>, vector<1x16xf32>,
    %swap3A_95 = vector.shape_cast %swap3A_94 : vector<1x16xf32> to vector<16xf32>
    %swap3A_96 = vector.shape_cast %broadcast_in_dim3A_1 : vector<16xf32> to vector<1x16xf32>
    tpu.vector_store %arg9[%swap3A_92, %swap3A_93], %swap3A_96 {strides = array<i32>} : memref<8x32xf32, #tpu.memory_space<vmem>>, vector<1x16xf32>,
    %mul3A_97 = arith.constant 632 : i32
    %mul3A_98 = arith.muli %arg1, %mul3A_97 : i32
    %scan3A = arith.constant 0 : i32
    %scan3A_99 = arith.constant 0 : i32
    %scan3A_100 = arith.constant 79 : i32
    %scan3A_101 = arith.addi %scan3A_99, %scan3A_100 : i32
    %scan3A_102 = arith.constant 1 : i32
    %scan3A_103 = scf.for %scan3A_115 = %scan3A_99 to %scan3A_101 step %scan3A_102 iter_args(%scan3A_116 = %scan3A) -> (i32)  : i32 {
      %mul3A_117 = arith.constant 8 : i32
      %mul3A_118 = arith.muli %scan3A_115, %mul3A_117 : i32
      %add3A_119 = arith.addi %mul3A_98, %mul3A_118 : i32
      "tpu.region"() ({
        %run_scoped3A = tpu.sem_alloc : memref<!tpu.dma_semaphore, #tpu.memory_space<semaphore_mem>>
        %dma_start3A = arith.constant 0 : i32
        %dma_start3A_121 = tpu.memref_slice %arg10[%add3A_119, %dma_start3A] : memref<10112x32xf32, #tpu.memory_space<vmem_shared>> -> memref<8x32xf32, #tpu.memory_space<vmem_shared>>
        %dma_start3A_122 = arith.constant 0 : i32
        %dma_start3A_123 = tpu.memref_slice %arg10[%add3A_119, %dma_start3A_122] : memref<10112x32xf32, #tpu.memory_space<vmem_shared>> -> memref<8x32xf32, #tpu.memory_space<vmem_shared>>
        tpu.enqueue_dma source(%arg9 : memref<8x32xf32, #tpu.memory_space<vmem>>) target(%dma_start3A_123 : memref<8x32xf32, #tpu.memory_space<vmem_shared>>) target_semaphore(%run_scoped3A : memref<!tpu.dma_semaphore, #tpu.memory_space<semaphore_mem>>)
        %dma_wait3A = arith.constant 0 : i32
        %dma_wait3A_124 = tpu.memref_slice %arg10[%add3A_119, %dma_wait3A] : memref<10112x32xf32, #tpu.memory_space<vmem_shared>> -> memref<8x32xf32, #tpu.memory_space<vmem_shared>>
        %dma_wait3A_125 = arith.constant 0 : i32
        %dma_wait3A_126 = tpu.memref_slice %arg10[%add3A_119, %dma_wait3A_125] : memref<10112x32xf32, #tpu.memory_space<vmem_shared>> -> memref<8x32xf32, #tpu.memory_space<vmem_shared>>
        tpu.wait_dma2 semaphore(%run_scoped3A : memref<!tpu.dma_semaphore, #tpu.memory_space<semaphore_mem>>) src(%arg9 : memref<8x32xf32, #tpu.memory_space<vmem>>) dst(%dma_wait3A_126 : memref<8x32xf32, #tpu.memory_space<vmem_shared>>)
        tpu.yield
      }) : () -> ()
      %scan3A_120 = arith.constant 0 : i32
      scf.yield %scan3A_120 : i32
    }
    %scan3A_104 = arith.constant 79 : i32
    %barrier3A = arith.constant 0 : index
    tpu.barrier barrier_id(%barrier3A)
    %mul3A_105 = arith.constant 10112 : i32
    %mul3A_106 = arith.muli %add3A, %mul3A_105 : i32
    %scan3A_107 = arith.constant 0 : i32
    %scan3A_108 = arith.constant 0 : i32
    %scan3A_109 = arith.constant 79 : i32
    %scan3A_110 = arith.addi %scan3A_108, %scan3A_109 : i32
    %scan3A_111 = arith.constant 1 : i32
    %scan3A_112 = scf.for %scan3A_115 = %scan3A_108 to %scan3A_110 step %scan3A_111 iter_args(%scan3A_116 = %scan3A_107) -> (i32)  : i32 {
      %mul3A_117 = arith.constant 128 : i32
      %mul3A_118 = arith.muli %scan3A_115, %mul3A_117 : i32
      %add3A_119 = arith.addi %mul3A_106, %mul3A_118 : i32
      %dma_start3A = tpu.memref_slice %arg3[%add3A_119] : memref<323584xi32, #tpu.memory_space<hbm>> -> memref<128xi32, #tpu.memory_space<hbm>>
      %dma_start3A_120 = tpu.memref_slice %arg3[%add3A_119] : memref<323584xi32, #tpu.memory_space<hbm>> -> memref<128xi32, #tpu.memory_space<hbm>>
      tpu.enqueue_dma source(%dma_start3A_120 : memref<128xi32, #tpu.memory_space<hbm>>) target(%arg6 : memref<128xi32, #tpu.memory_space<vmem>>) target_semaphore(%arg11 : memref<!tpu.dma_semaphore, #tpu.memory_space<semaphore_mem>>)
      %dma_start3A_121 = tpu.memref_slice %arg4[%add3A_119] : memref<323584xi32, #tpu.memory_space<hbm>> -> memref<128xi32, #tpu.memory_space<hbm>>
      %dma_start3A_122 = tpu.memref_slice %arg4[%add3A_119] : memref<323584xi32, #tpu.memory_space<hbm>> -> memref<128xi32, #tpu.memory_space<hbm>>
      tpu.enqueue_dma source(%dma_start3A_122 : memref<128xi32, #tpu.memory_space<hbm>>) target(%arg7 : memref<128xi32, #tpu.memory_space<vmem>>) target_semaphore(%arg11 : memref<!tpu.dma_semaphore, #tpu.memory_space<semaphore_mem>>)
      %dma_wait3A = tpu.memref_slice %arg3[%add3A_119] : memref<323584xi32, #tpu.memory_space<hbm>> -> memref<128xi32, #tpu.memory_space<hbm>>
      %dma_wait3A_123 = tpu.memref_slice %arg3[%add3A_119] : memref<323584xi32, #tpu.memory_space<hbm>> -> memref<128xi32, #tpu.memory_space<hbm>>
      tpu.wait_dma2 semaphore(%arg11 : memref<!tpu.dma_semaphore, #tpu.memory_space<semaphore_mem>>) src(%dma_wait3A_123 : memref<128xi32, #tpu.memory_space<hbm>>) dst(%arg6 : memref<128xi32, #tpu.memory_space<vmem>>)
      %dma_wait3A_124 = tpu.memref_slice %arg4[%add3A_119] : memref<323584xi32, #tpu.memory_space<hbm>> -> memref<128xi32, #tpu.memory_space<hbm>>
      %dma_wait3A_125 = tpu.memref_slice %arg4[%add3A_119] : memref<323584xi32, #tpu.memory_space<hbm>> -> memref<128xi32, #tpu.memory_space<hbm>>
      tpu.wait_dma2 semaphore(%arg11 : memref<!tpu.dma_semaphore, #tpu.memory_space<semaphore_mem>>) src(%dma_wait3A_125 : memref<128xi32, #tpu.memory_space<hbm>>) dst(%arg7 : memref<128xi32, #tpu.memory_space<vmem>>)
      %dma_start3A_126 = arith.constant 0 : i32
      %dma_start3A_127 = arith.constant 0 : i32
      %dma_start3A_128 = tpu.memref_slice %arg2[%dma_start3A_126, %dma_start3A_127] : memref<10000x32xf32, #tpu.memory_space<hbm>> -> memref<10000x32xf32, #tpu.memory_space<hbm>>
      tpu.enqueue_indirect_dma source(%dma_start3A_128 : memref<10000x32xf32, #tpu.memory_space<hbm>>) target(%arg8 : memref<128x32xf32, #tpu.memory_space<vmem>>) offsets(%arg6 : memref<128xi32, #tpu.memory_space<vmem>>) semaphore(%arg11 : memref<!tpu.dma_semaphore, #tpu.memory_space<semaphore_mem>>)
      %dma_wait3A_129 = arith.constant 0 : i32
      %dma_wait3A_130 = arith.constant 0 : i32
      %dma_wait3A_131 = tpu.memref_slice %arg2[%dma_wait3A_129, %dma_wait3A_130] : memref<10000x32xf32, #tpu.memory_space<hbm>> -> memref<10000x32xf32, #tpu.memory_space<hbm>>
      tpu.wait_indirect_dma semaphore(%arg11 : memref<!tpu.dma_semaphore, #tpu.memory_space<semaphore_mem>>) src(%dma_wait3A_131 : memref<10000x32xf32, #tpu.memory_space<hbm>>) dst(%arg8 : memref<128x32xf32, #tpu.memory_space<vmem>>)
      "tpu.region"() ({
        %run_scoped3A = tpu.sem_alloc : memref<!tpu.dma_semaphore, #tpu.memory_space<semaphore_mem>>
        %dma_start3A_133 = arith.constant 0 : i32
        %dma_start3A_134 = arith.constant 0 : i32
        %dma_start3A_135 = tpu.memref_slice %arg10[%dma_start3A_133, %dma_start3A_134] : memref<10112x32xf32, #tpu.memory_space<vmem_shared>> -> memref<10112x32xf32, #tpu.memory_space<vmem_shared>>
        tpu.enqueue_indirect_dma source(%arg8 : memref<128x32xf32, #tpu.memory_space<vmem>>) target(%dma_start3A_135 : memref<10112x32xf32, #tpu.memory_space<vmem_shared>>) offsets(%arg7 : memref<128xi32, #tpu.memory_space<vmem>>) semaphore(%run_scoped3A : memref<!tpu.dma_semaphore, #tpu.memory_space<semaphore_mem>>) {add = true}
        %dma_wait3A_136 = arith.constant 0 : i32
        %dma_wait3A_137 = arith.constant 0 : i32
        %dma_wait3A_138 = tpu.memref_slice %arg10[%dma_wait3A_136, %dma_wait3A_137] : memref<10112x32xf32, #tpu.memory_space<vmem_shared>> -> memref<10112x32xf32, #tpu.memory_space<vmem_shared>>
        tpu.wait_indirect_dma semaphore(%run_scoped3A : memref<!tpu.dma_semaphore, #tpu.memory_space<semaphore_mem>>) src(%arg8 : memref<128x32xf32, #tpu.memory_space<vmem>>) dst(%dma_wait3A_138 : memref<10112x32xf32, #tpu.memory_space<vmem_shared>>)
        tpu.yield
      }) : () -> ()
      %scan3A_132 = arith.constant 0 : i32
      scf.yield %scan3A_132 : i32
    }
    %scan3A_113 = arith.constant 79 : i32
    %barrier3A_114 = arith.constant 0 : index
    tpu.barrier barrier_id(%barrier3A_114)
    "tpu.region"() ({
      %run_scoped3A = tpu.sem_alloc : memref<!tpu.dma_semaphore, #tpu.memory_space<semaphore_mem>>
      %dma_start3A = arith.constant 0 : i32
      %dma_start3A_115 = tpu.memref_slice %arg5[%arg0, %mul3A_98, %dma_start3A] : memref<2x10112x32xf32, #tpu.memory_space<hbm>> -> memref<1x632x32xf32, #tpu.memory_space<hbm>>
      %dma_start3A_116 = tpu.memref_squeeze %dma_start3A_115 : memref<1x632x32xf32, #tpu.memory_space<hbm>> -> memref<632x32xf32, #tpu.memory_space<hbm>>
      %dma_start3A_117 = arith.constant 0 : i32
      %dma_start3A_118 = tpu.memref_slice %arg10[%mul3A_98, %dma_start3A_117] : memref<10112x32xf32, #tpu.memory_space<vmem_shared>> -> memref<632x32xf32, #tpu.memory_space<vmem_shared>>
      tpu.enqueue_dma source(%dma_start3A_118 : memref<632x32xf32, #tpu.memory_space<vmem_shared>>) target(%dma_start3A_116 : memref<632x32xf32, #tpu.memory_space<hbm>>) target_semaphore(%run_scoped3A : memref<!tpu.dma_semaphore, #tpu.memory_space<semaphore_mem>>)
      %dma_wait3A = arith.constant 0 : i32
      %dma_wait3A_119 = tpu.memref_slice %arg5[%arg0, %mul3A_98, %dma_wait3A] : memref<2x10112x32xf32, #tpu.memory_space<hbm>> -> memref<1x632x32xf32, #tpu.memory_space<hbm>>
      %dma_wait3A_120 = tpu.memref_squeeze %dma_wait3A_119 : memref<1x632x32xf32, #tpu.memory_space<hbm>> -> memref<632x32xf32, #tpu.memory_space<hbm>>
      %dma_wait3A_121 = arith.constant 0 : i32
      %dma_wait3A_122 = tpu.memref_slice %arg10[%mul3A_98, %dma_wait3A_121] : memref<10112x32xf32, #tpu.memory_space<vmem_shared>> -> memref<632x32xf32, #tpu.memory_space<vmem_shared>>
      tpu.wait_dma2 semaphore(%run_scoped3A : memref<!tpu.dma_semaphore, #tpu.memory_space<semaphore_mem>>) src(%dma_wait3A_122 : memref<632x32xf32, #tpu.memory_space<vmem_shared>>) dst(%dma_wait3A_120 : memref<632x32xf32, #tpu.memory_space<hbm>>)
      tpu.yield
    }) : () -> ()
    return
  }
}

#map = affine_map<(d0, d1) -> (0, 0)>
#map1 = affine_map<(d0, d1) -> (0)>
#map2 = affine_map<(d0, d1) -> (0, 0, 0)>
module attributes {stable_mosaic.version = 14 : i64} {
  func.func @_sc_agg_body(%arg0: i32, %arg1: i32, %arg2: memref<10000x32xf32, #tpu.memory_space<hbm>>, %arg3: memref<323584xi32, #tpu.memory_space<hbm>>, %arg4: memref<323584xi32, #tpu.memory_space<hbm>>, %arg5: memref<2x10112x32xf32, #tpu.memory_space<hbm>>, %arg6: memref<128xi32, #tpu.memory_space<vmem>>, %arg7: memref<128xi32, #tpu.memory_space<vmem>>, %arg8: memref<128x32xf32, #tpu.memory_space<vmem>>, %arg9: memref<8x32xf32, #tpu.memory_space<vmem>>, %arg10: memref<10112x32xf32, #tpu.memory_space<vmem_shared>>, %arg11: memref<!tpu.dma_semaphore, #tpu.memory_space<semaphore_mem>>) attributes {dimension_semantics = [#tpu.dimension_semantics<core_parallel>, #tpu.dimension_semantics<subcore_parallel>], iteration_bounds = array<i64: 2, 16>, scalar_prefetch = 0 : i64, scratch_operands = 6 : i64, tpu.core_type = #tpu.core_type<sc_vector_subcore>, window_params = [{transform_indices = #map}, {transform_indices = #map1}, {transform_indices = #map1}, {transform_indices = #map2}]} {
    %mul3A = arith.constant 16 : i32
    %mul3A_0 = arith.muli %arg0, %mul3A : i32
    %add3A = arith.addi %mul3A_0, %arg1 : i32
    %broadcast_in_dim3A = arith.constant 0.000000e+00 : f32
    %broadcast_in_dim3A_1 = vector.broadcast %broadcast_in_dim3A : f32 to vector<16xf32>
    %swap3A = arith.constant 0 : i32
    %swap3A_2 = arith.index_cast %swap3A : i32 to index
    %swap3A_3 = arith.constant 0 : index
    %swap3A_4 = tpu.vector_load %arg9[%swap3A_2, %swap3A_3] {strides = array<i32>} : memref<8x32xf32, #tpu.memory_space<vmem>>, vector<1x16xf32>,
    %swap3A_5 = vector.shape_cast %swap3A_4 : vector<1x16xf32> to vector<16xf32>
    %swap3A_6 = vector.shape_cast %broadcast_in_dim3A_1 : vector<16xf32> to vector<1x16xf32>
    tpu.vector_store %arg9[%swap3A_2, %swap3A_3], %swap3A_6 {strides = array<i32>} : memref<8x32xf32, #tpu.memory_space<vmem>>, vector<1x16xf32>,
    %swap3A_7 = arith.constant 0 : i32
    %swap3A_8 = arith.index_cast %swap3A_7 : i32 to index
    %swap3A_9 = arith.constant 16 : index
    %swap3A_10 = tpu.vector_load %arg9[%swap3A_8, %swap3A_9] {strides = array<i32>} : memref<8x32xf32, #tpu.memory_space<vmem>>, vector<1x16xf32>,
    %swap3A_11 = vector.shape_cast %swap3A_10 : vector<1x16xf32> to vector<16xf32>
    %swap3A_12 = vector.shape_cast %broadcast_in_dim3A_1 : vector<16xf32> to vector<1x16xf32>
    tpu.vector_store %arg9[%swap3A_8, %swap3A_9], %swap3A_12 {strides = array<i32>} : memref<8x32xf32, #tpu.memory_space<vmem>>, vector<1x16xf32>,
    %swap3A_13 = arith.constant 1 : i32
    %swap3A_14 = arith.index_cast %swap3A_13 : i32 to index
    %swap3A_15 = arith.constant 0 : index
    %swap3A_16 = tpu.vector_load %arg9[%swap3A_14, %swap3A_15] {strides = array<i32>} : memref<8x32xf32, #tpu.memory_space<vmem>>, vector<1x16xf32>,
    %swap3A_17 = vector.shape_cast %swap3A_16 : vector<1x16xf32> to vector<16xf32>
    %swap3A_18 = vector.shape_cast %broadcast_in_dim3A_1 : vector<16xf32> to vector<1x16xf32>
    tpu.vector_store %arg9[%swap3A_14, %swap3A_15], %swap3A_18 {strides = array<i32>} : memref<8x32xf32, #tpu.memory_space<vmem>>, vector<1x16xf32>,
    %swap3A_19 = arith.constant 1 : i32
    %swap3A_20 = arith.index_cast %swap3A_19 : i32 to index
    %swap3A_21 = arith.constant 16 : index
    %swap3A_22 = tpu.vector_load %arg9[%swap3A_20, %swap3A_21] {strides = array<i32>} : memref<8x32xf32, #tpu.memory_space<vmem>>, vector<1x16xf32>,
    %swap3A_23 = vector.shape_cast %swap3A_22 : vector<1x16xf32> to vector<16xf32>
    %swap3A_24 = vector.shape_cast %broadcast_in_dim3A_1 : vector<16xf32> to vector<1x16xf32>
    tpu.vector_store %arg9[%swap3A_20, %swap3A_21], %swap3A_24 {strides = array<i32>} : memref<8x32xf32, #tpu.memory_space<vmem>>, vector<1x16xf32>,
    %swap3A_25 = arith.constant 2 : i32
    %swap3A_26 = arith.index_cast %swap3A_25 : i32 to index
    %swap3A_27 = arith.constant 0 : index
    %swap3A_28 = tpu.vector_load %arg9[%swap3A_26, %swap3A_27] {strides = array<i32>} : memref<8x32xf32, #tpu.memory_space<vmem>>, vector<1x16xf32>,
    %swap3A_29 = vector.shape_cast %swap3A_28 : vector<1x16xf32> to vector<16xf32>
    %swap3A_30 = vector.shape_cast %broadcast_in_dim3A_1 : vector<16xf32> to vector<1x16xf32>
    tpu.vector_store %arg9[%swap3A_26, %swap3A_27], %swap3A_30 {strides = array<i32>} : memref<8x32xf32, #tpu.memory_space<vmem>>, vector<1x16xf32>,
    %swap3A_31 = arith.constant 2 : i32
    %swap3A_32 = arith.index_cast %swap3A_31 : i32 to index
    %swap3A_33 = arith.constant 16 : index
    %swap3A_34 = tpu.vector_load %arg9[%swap3A_32, %swap3A_33] {strides = array<i32>} : memref<8x32xf32, #tpu.memory_space<vmem>>, vector<1x16xf32>,
    %swap3A_35 = vector.shape_cast %swap3A_34 : vector<1x16xf32> to vector<16xf32>
    %swap3A_36 = vector.shape_cast %broadcast_in_dim3A_1 : vector<16xf32> to vector<1x16xf32>
    tpu.vector_store %arg9[%swap3A_32, %swap3A_33], %swap3A_36 {strides = array<i32>} : memref<8x32xf32, #tpu.memory_space<vmem>>, vector<1x16xf32>,
    %swap3A_37 = arith.constant 3 : i32
    %swap3A_38 = arith.index_cast %swap3A_37 : i32 to index
    %swap3A_39 = arith.constant 0 : index
    %swap3A_40 = tpu.vector_load %arg9[%swap3A_38, %swap3A_39] {strides = array<i32>} : memref<8x32xf32, #tpu.memory_space<vmem>>, vector<1x16xf32>,
    %swap3A_41 = vector.shape_cast %swap3A_40 : vector<1x16xf32> to vector<16xf32>
    %swap3A_42 = vector.shape_cast %broadcast_in_dim3A_1 : vector<16xf32> to vector<1x16xf32>
    tpu.vector_store %arg9[%swap3A_38, %swap3A_39], %swap3A_42 {strides = array<i32>} : memref<8x32xf32, #tpu.memory_space<vmem>>, vector<1x16xf32>,
    %swap3A_43 = arith.constant 3 : i32
    %swap3A_44 = arith.index_cast %swap3A_43 : i32 to index
    %swap3A_45 = arith.constant 16 : index
    %swap3A_46 = tpu.vector_load %arg9[%swap3A_44, %swap3A_45] {strides = array<i32>} : memref<8x32xf32, #tpu.memory_space<vmem>>, vector<1x16xf32>,
    %swap3A_47 = vector.shape_cast %swap3A_46 : vector<1x16xf32> to vector<16xf32>
    %swap3A_48 = vector.shape_cast %broadcast_in_dim3A_1 : vector<16xf32> to vector<1x16xf32>
    tpu.vector_store %arg9[%swap3A_44, %swap3A_45], %swap3A_48 {strides = array<i32>} : memref<8x32xf32, #tpu.memory_space<vmem>>, vector<1x16xf32>,
    %swap3A_49 = arith.constant 4 : i32
    %swap3A_50 = arith.index_cast %swap3A_49 : i32 to index
    %swap3A_51 = arith.constant 0 : index
    %swap3A_52 = tpu.vector_load %arg9[%swap3A_50, %swap3A_51] {strides = array<i32>} : memref<8x32xf32, #tpu.memory_space<vmem>>, vector<1x16xf32>,
    %swap3A_53 = vector.shape_cast %swap3A_52 : vector<1x16xf32> to vector<16xf32>
    %swap3A_54 = vector.shape_cast %broadcast_in_dim3A_1 : vector<16xf32> to vector<1x16xf32>
    tpu.vector_store %arg9[%swap3A_50, %swap3A_51], %swap3A_54 {strides = array<i32>} : memref<8x32xf32, #tpu.memory_space<vmem>>, vector<1x16xf32>,
    %swap3A_55 = arith.constant 4 : i32
    %swap3A_56 = arith.index_cast %swap3A_55 : i32 to index
    %swap3A_57 = arith.constant 16 : index
    %swap3A_58 = tpu.vector_load %arg9[%swap3A_56, %swap3A_57] {strides = array<i32>} : memref<8x32xf32, #tpu.memory_space<vmem>>, vector<1x16xf32>,
    %swap3A_59 = vector.shape_cast %swap3A_58 : vector<1x16xf32> to vector<16xf32>
    %swap3A_60 = vector.shape_cast %broadcast_in_dim3A_1 : vector<16xf32> to vector<1x16xf32>
    tpu.vector_store %arg9[%swap3A_56, %swap3A_57], %swap3A_60 {strides = array<i32>} : memref<8x32xf32, #tpu.memory_space<vmem>>, vector<1x16xf32>,
    %swap3A_61 = arith.constant 5 : i32
    %swap3A_62 = arith.index_cast %swap3A_61 : i32 to index
    %swap3A_63 = arith.constant 0 : index
    %swap3A_64 = tpu.vector_load %arg9[%swap3A_62, %swap3A_63] {strides = array<i32>} : memref<8x32xf32, #tpu.memory_space<vmem>>, vector<1x16xf32>,
    %swap3A_65 = vector.shape_cast %swap3A_64 : vector<1x16xf32> to vector<16xf32>
    %swap3A_66 = vector.shape_cast %broadcast_in_dim3A_1 : vector<16xf32> to vector<1x16xf32>
    tpu.vector_store %arg9[%swap3A_62, %swap3A_63], %swap3A_66 {strides = array<i32>} : memref<8x32xf32, #tpu.memory_space<vmem>>, vector<1x16xf32>,
    %swap3A_67 = arith.constant 5 : i32
    %swap3A_68 = arith.index_cast %swap3A_67 : i32 to index
    %swap3A_69 = arith.constant 16 : index
    %swap3A_70 = tpu.vector_load %arg9[%swap3A_68, %swap3A_69] {strides = array<i32>} : memref<8x32xf32, #tpu.memory_space<vmem>>, vector<1x16xf32>,
    %swap3A_71 = vector.shape_cast %swap3A_70 : vector<1x16xf32> to vector<16xf32>
    %swap3A_72 = vector.shape_cast %broadcast_in_dim3A_1 : vector<16xf32> to vector<1x16xf32>
    tpu.vector_store %arg9[%swap3A_68, %swap3A_69], %swap3A_72 {strides = array<i32>} : memref<8x32xf32, #tpu.memory_space<vmem>>, vector<1x16xf32>,
    %swap3A_73 = arith.constant 6 : i32
    %swap3A_74 = arith.index_cast %swap3A_73 : i32 to index
    %swap3A_75 = arith.constant 0 : index
    %swap3A_76 = tpu.vector_load %arg9[%swap3A_74, %swap3A_75] {strides = array<i32>} : memref<8x32xf32, #tpu.memory_space<vmem>>, vector<1x16xf32>,
    %swap3A_77 = vector.shape_cast %swap3A_76 : vector<1x16xf32> to vector<16xf32>
    %swap3A_78 = vector.shape_cast %broadcast_in_dim3A_1 : vector<16xf32> to vector<1x16xf32>
    tpu.vector_store %arg9[%swap3A_74, %swap3A_75], %swap3A_78 {strides = array<i32>} : memref<8x32xf32, #tpu.memory_space<vmem>>, vector<1x16xf32>,
    %swap3A_79 = arith.constant 6 : i32
    %swap3A_80 = arith.index_cast %swap3A_79 : i32 to index
    %swap3A_81 = arith.constant 16 : index
    %swap3A_82 = tpu.vector_load %arg9[%swap3A_80, %swap3A_81] {strides = array<i32>} : memref<8x32xf32, #tpu.memory_space<vmem>>, vector<1x16xf32>,
    %swap3A_83 = vector.shape_cast %swap3A_82 : vector<1x16xf32> to vector<16xf32>
    %swap3A_84 = vector.shape_cast %broadcast_in_dim3A_1 : vector<16xf32> to vector<1x16xf32>
    tpu.vector_store %arg9[%swap3A_80, %swap3A_81], %swap3A_84 {strides = array<i32>} : memref<8x32xf32, #tpu.memory_space<vmem>>, vector<1x16xf32>,
    %swap3A_85 = arith.constant 7 : i32
    %swap3A_86 = arith.index_cast %swap3A_85 : i32 to index
    %swap3A_87 = arith.constant 0 : index
    %swap3A_88 = tpu.vector_load %arg9[%swap3A_86, %swap3A_87] {strides = array<i32>} : memref<8x32xf32, #tpu.memory_space<vmem>>, vector<1x16xf32>,
    %swap3A_89 = vector.shape_cast %swap3A_88 : vector<1x16xf32> to vector<16xf32>
    %swap3A_90 = vector.shape_cast %broadcast_in_dim3A_1 : vector<16xf32> to vector<1x16xf32>
    tpu.vector_store %arg9[%swap3A_86, %swap3A_87], %swap3A_90 {strides = array<i32>} : memref<8x32xf32, #tpu.memory_space<vmem>>, vector<1x16xf32>,
    %swap3A_91 = arith.constant 7 : i32
    %swap3A_92 = arith.index_cast %swap3A_91 : i32 to index
    %swap3A_93 = arith.constant 16 : index
    %swap3A_94 = tpu.vector_load %arg9[%swap3A_92, %swap3A_93] {strides = array<i32>} : memref<8x32xf32, #tpu.memory_space<vmem>>, vector<1x16xf32>,
    %swap3A_95 = vector.shape_cast %swap3A_94 : vector<1x16xf32> to vector<16xf32>
    %swap3A_96 = vector.shape_cast %broadcast_in_dim3A_1 : vector<16xf32> to vector<1x16xf32>
    tpu.vector_store %arg9[%swap3A_92, %swap3A_93], %swap3A_96 {strides = array<i32>} : memref<8x32xf32, #tpu.memory_space<vmem>>, vector<1x16xf32>,
    %mul3A_97 = arith.constant 632 : i32
    %mul3A_98 = arith.muli %arg1, %mul3A_97 : i32
    %scan3A = arith.constant 0 : i32
    %scan3A_99 = arith.constant 0 : i32
    %scan3A_100 = arith.constant 79 : i32
    %scan3A_101 = arith.addi %scan3A_99, %scan3A_100 : i32
    %scan3A_102 = arith.constant 1 : i32
    %scan3A_103 = scf.for %scan3A_115 = %scan3A_99 to %scan3A_101 step %scan3A_102 iter_args(%scan3A_116 = %scan3A) -> (i32)  : i32 {
      %mul3A_117 = arith.constant 8 : i32
      %mul3A_118 = arith.muli %scan3A_115, %mul3A_117 : i32
      %add3A_119 = arith.addi %mul3A_98, %mul3A_118 : i32
      "tpu.region"() ({
        %run_scoped3A = tpu.sem_alloc : memref<!tpu.dma_semaphore, #tpu.memory_space<semaphore_mem>>
        %dma_start3A = arith.constant 0 : i32
        %dma_start3A_121 = tpu.memref_slice %arg10[%add3A_119, %dma_start3A] : memref<10112x32xf32, #tpu.memory_space<vmem_shared>> -> memref<8x32xf32, #tpu.memory_space<vmem_shared>>
        %dma_start3A_122 = arith.constant 0 : i32
        %dma_start3A_123 = tpu.memref_slice %arg10[%add3A_119, %dma_start3A_122] : memref<10112x32xf32, #tpu.memory_space<vmem_shared>> -> memref<8x32xf32, #tpu.memory_space<vmem_shared>>
        tpu.enqueue_dma source(%arg9 : memref<8x32xf32, #tpu.memory_space<vmem>>) target(%dma_start3A_123 : memref<8x32xf32, #tpu.memory_space<vmem_shared>>) target_semaphore(%run_scoped3A : memref<!tpu.dma_semaphore, #tpu.memory_space<semaphore_mem>>)
        %dma_wait3A = arith.constant 0 : i32
        %dma_wait3A_124 = tpu.memref_slice %arg10[%add3A_119, %dma_wait3A] : memref<10112x32xf32, #tpu.memory_space<vmem_shared>> -> memref<8x32xf32, #tpu.memory_space<vmem_shared>>
        %dma_wait3A_125 = arith.constant 0 : i32
        %dma_wait3A_126 = tpu.memref_slice %arg10[%add3A_119, %dma_wait3A_125] : memref<10112x32xf32, #tpu.memory_space<vmem_shared>> -> memref<8x32xf32, #tpu.memory_space<vmem_shared>>
        tpu.wait_dma2 semaphore(%run_scoped3A : memref<!tpu.dma_semaphore, #tpu.memory_space<semaphore_mem>>) src(%arg9 : memref<8x32xf32, #tpu.memory_space<vmem>>) dst(%dma_wait3A_126 : memref<8x32xf32, #tpu.memory_space<vmem_shared>>)
        tpu.yield
      }) : () -> ()
      %scan3A_120 = arith.constant 0 : i32
      scf.yield %scan3A_120 : i32
    }
    %scan3A_104 = arith.constant 79 : i32
    %barrier3A = arith.constant 0 : index
    tpu.barrier barrier_id(%barrier3A)
    %mul3A_105 = arith.constant 10112 : i32
    %mul3A_106 = arith.muli %add3A, %mul3A_105 : i32
    %scan3A_107 = arith.constant 0 : i32
    %scan3A_108 = arith.constant 0 : i32
    %scan3A_109 = arith.constant 79 : i32
    %scan3A_110 = arith.addi %scan3A_108, %scan3A_109 : i32
    %scan3A_111 = arith.constant 1 : i32
    %scan3A_112 = scf.for %scan3A_115 = %scan3A_108 to %scan3A_110 step %scan3A_111 iter_args(%scan3A_116 = %scan3A_107) -> (i32)  : i32 {
      %mul3A_117 = arith.constant 128 : i32
      %mul3A_118 = arith.muli %scan3A_115, %mul3A_117 : i32
      %add3A_119 = arith.addi %mul3A_106, %mul3A_118 : i32
      %dma_start3A = tpu.memref_slice %arg3[%add3A_119] : memref<323584xi32, #tpu.memory_space<hbm>> -> memref<128xi32, #tpu.memory_space<hbm>>
      %dma_start3A_120 = tpu.memref_slice %arg3[%add3A_119] : memref<323584xi32, #tpu.memory_space<hbm>> -> memref<128xi32, #tpu.memory_space<hbm>>
      tpu.enqueue_dma source(%dma_start3A_120 : memref<128xi32, #tpu.memory_space<hbm>>) target(%arg6 : memref<128xi32, #tpu.memory_space<vmem>>) target_semaphore(%arg11 : memref<!tpu.dma_semaphore, #tpu.memory_space<semaphore_mem>>)
      %dma_start3A_121 = tpu.memref_slice %arg4[%add3A_119] : memref<323584xi32, #tpu.memory_space<hbm>> -> memref<128xi32, #tpu.memory_space<hbm>>
      %dma_start3A_122 = tpu.memref_slice %arg4[%add3A_119] : memref<323584xi32, #tpu.memory_space<hbm>> -> memref<128xi32, #tpu.memory_space<hbm>>
      tpu.enqueue_dma source(%dma_start3A_122 : memref<128xi32, #tpu.memory_space<hbm>>) target(%arg7 : memref<128xi32, #tpu.memory_space<vmem>>) target_semaphore(%arg11 : memref<!tpu.dma_semaphore, #tpu.memory_space<semaphore_mem>>)
      %dma_wait3A = tpu.memref_slice %arg3[%add3A_119] : memref<323584xi32, #tpu.memory_space<hbm>> -> memref<128xi32, #tpu.memory_space<hbm>>
      %dma_wait3A_123 = tpu.memref_slice %arg3[%add3A_119] : memref<323584xi32, #tpu.memory_space<hbm>> -> memref<128xi32, #tpu.memory_space<hbm>>
      tpu.wait_dma2 semaphore(%arg11 : memref<!tpu.dma_semaphore, #tpu.memory_space<semaphore_mem>>) src(%dma_wait3A_123 : memref<128xi32, #tpu.memory_space<hbm>>) dst(%arg6 : memref<128xi32, #tpu.memory_space<vmem>>)
      %dma_wait3A_124 = tpu.memref_slice %arg4[%add3A_119] : memref<323584xi32, #tpu.memory_space<hbm>> -> memref<128xi32, #tpu.memory_space<hbm>>
      %dma_wait3A_125 = tpu.memref_slice %arg4[%add3A_119] : memref<323584xi32, #tpu.memory_space<hbm>> -> memref<128xi32, #tpu.memory_space<hbm>>
      tpu.wait_dma2 semaphore(%arg11 : memref<!tpu.dma_semaphore, #tpu.memory_space<semaphore_mem>>) src(%dma_wait3A_125 : memref<128xi32, #tpu.memory_space<hbm>>) dst(%arg7 : memref<128xi32, #tpu.memory_space<vmem>>)
      %dma_start3A_126 = arith.constant 0 : i32
      %dma_start3A_127 = arith.constant 0 : i32
      %dma_start3A_128 = tpu.memref_slice %arg2[%dma_start3A_126, %dma_start3A_127] : memref<10000x32xf32, #tpu.memory_space<hbm>> -> memref<10000x32xf32, #tpu.memory_space<hbm>>
      tpu.enqueue_indirect_dma source(%dma_start3A_128 : memref<10000x32xf32, #tpu.memory_space<hbm>>) target(%arg8 : memref<128x32xf32, #tpu.memory_space<vmem>>) offsets(%arg6 : memref<128xi32, #tpu.memory_space<vmem>>) semaphore(%arg11 : memref<!tpu.dma_semaphore, #tpu.memory_space<semaphore_mem>>)
      %dma_wait3A_129 = arith.constant 0 : i32
      %dma_wait3A_130 = arith.constant 0 : i32
      %dma_wait3A_131 = tpu.memref_slice %arg2[%dma_wait3A_129, %dma_wait3A_130] : memref<10000x32xf32, #tpu.memory_space<hbm>> -> memref<10000x32xf32, #tpu.memory_space<hbm>>
      tpu.wait_indirect_dma semaphore(%arg11 : memref<!tpu.dma_semaphore, #tpu.memory_space<semaphore_mem>>) src(%dma_wait3A_131 : memref<10000x32xf32, #tpu.memory_space<hbm>>) dst(%arg8 : memref<128x32xf32, #tpu.memory_space<vmem>>)
      "tpu.region"() ({
        %run_scoped3A = tpu.sem_alloc : memref<!tpu.dma_semaphore, #tpu.memory_space<semaphore_mem>>
        %dma_start3A_133 = arith.constant 0 : i32
        %dma_start3A_134 = arith.constant 0 : i32
        %dma_start3A_135 = tpu.memref_slice %arg10[%dma_start3A_133, %dma_start3A_134] : memref<10112x32xf32, #tpu.memory_space<vmem_shared>> -> memref<10112x32xf32, #tpu.memory_space<vmem_shared>>
        tpu.enqueue_indirect_dma source(%arg8 : memref<128x32xf32, #tpu.memory_space<vmem>>) target(%dma_start3A_135 : memref<10112x32xf32, #tpu.memory_space<vmem_shared>>) offsets(%arg7 : memref<128xi32, #tpu.memory_space<vmem>>) semaphore(%run_scoped3A : memref<!tpu.dma_semaphore, #tpu.memory_space<semaphore_mem>>) {add = true}
        %dma_wait3A_136 = arith.constant 0 : i32
        %dma_wait3A_137 = arith.constant 0 : i32
        %dma_wait3A_138 = tpu.memref_slice %arg10[%dma_wait3A_136, %dma_wait3A_137] : memref<10112x32xf32, #tpu.memory_space<vmem_shared>> -> memref<10112x32xf32, #tpu.memory_space<vmem_shared>>
        tpu.wait_indirect_dma semaphore(%run_scoped3A : memref<!tpu.dma_semaphore, #tpu.memory_space<semaphore_mem>>) src(%arg8 : memref<128x32xf32, #tpu.memory_space<vmem>>) dst(%dma_wait3A_138 : memref<10112x32xf32, #tpu.memory_space<vmem_shared>>)
        tpu.yield
      }) : () -> ()
      %scan3A_132 = arith.constant 0 : i32
      scf.yield %scan3A_132 : i32
    }
    %scan3A_113 = arith.constant 79 : i32
    %barrier3A_114 = arith.constant 0 : index
    tpu.barrier barrier_id(%barrier3A_114)
    "tpu.region"() ({
      %run_scoped3A = tpu.sem_alloc : memref<!tpu.dma_semaphore, #tpu.memory_space<semaphore_mem>>
      %dma_start3A = arith.constant 0 : i32
      %dma_start3A_115 = tpu.memref_slice %arg5[%arg0, %mul3A_98, %dma_start3A] : memref<2x10112x32xf32, #tpu.memory_space<hbm>> -> memref<1x632x32xf32, #tpu.memory_space<hbm>>
      %dma_start3A_116 = tpu.memref_squeeze %dma_start3A_115 : memref<1x632x32xf32, #tpu.memory_space<hbm>> -> memref<632x32xf32, #tpu.memory_space<hbm>>
      %dma_start3A_117 = arith.constant 0 : i32
      %dma_start3A_118 = tpu.memref_slice %arg10[%mul3A_98, %dma_start3A_117] : memref<10112x32xf32, #tpu.memory_space<vmem_shared>> -> memref<632x32xf32, #tpu.memory_space<vmem_shared>>
      tpu.enqueue_dma source(%dma_start3A_118 : memref<632x32xf32, #tpu.memory_space<vmem_shared>>) target(%dma_start3A_116 : memref<632x32xf32, #tpu.memory_space<hbm>>) target_semaphore(%run_scoped3A : memref<!tpu.dma_semaphore, #tpu.memory_space<semaphore_mem>>)
      %dma_wait3A = arith.constant 0 : i32
      %dma_wait3A_119 = tpu.memref_slice %arg5[%arg0, %mul3A_98, %dma_wait3A] : memref<2x10112x32xf32, #tpu.memory_space<hbm>> -> memref<1x632x32xf32, #tpu.memory_space<hbm>>
      %dma_wait3A_120 = tpu.memref_squeeze %dma_wait3A_119 : memref<1x632x32xf32, #tpu.memory_space<hbm>> -> memref<632x32xf32, #tpu.memory_space<hbm>>
      %dma_wait3A_121 = arith.constant 0 : i32
      %dma_wait3A_122 = tpu.memref_slice %arg10[%mul3A_98, %dma_wait3A_121] : memref<10112x32xf32, #tpu.memory_space<vmem_shared>> -> memref<632x32xf32, #tpu.memory_space<vmem_shared>>
      tpu.wait_dma2 semaphore(%run_scoped3A : memref<!tpu.dma_semaphore, #tpu.memory_space<semaphore_mem>>) src(%dma_wait3A_122 : memref<632x32xf32, #tpu.memory_space<vmem_shared>>) dst(%dma_wait3A_120 : memref<632x32xf32, #tpu.memory_space<hbm>>)
      tpu.yield
    }) : () -> ()
    return
  }
}

module attributes {stable_mosaic.version = 14 : i64} {
  func.func @_mid_body(%arg0: memref<10000x128xf32, #tpu.memory_space<vmem>>, %arg1: memref<20224x128xf32, #tpu.memory_space<vmem>>, %arg2: memref<128x32xf32, #tpu.memory_space<vmem>>, %arg3: memref<1x32xf32, #tpu.memory_space<vmem>>, %arg4: memref<32x32xf32, #tpu.memory_space<vmem>>, %arg5: memref<1x32xf32, #tpu.memory_space<vmem>>, %arg6: memref<1x32xf32, #tpu.memory_space<vmem>>, %arg7: memref<1x32xf32, #tpu.memory_space<vmem>>, %arg8: memref<10000x32xf32, #tpu.memory_space<vmem>>) attributes {dimension_semantics = [], scalar_prefetch = 0 : i64, scratch_operands = 0 : i64, tpu.core_type = #tpu.core_type<tc>} {
    %get3A = arith.constant 0 : index
    %get3A_0 = arith.constant 0 : index
    %get3A_1 = vector.load %arg0[%get3A, %get3A_0] : memref<10000x128xf32, #tpu.memory_space<vmem>>, vector<10000x128xf32>
    %get3A_2 = arith.constant 0 : index
    %get3A_3 = arith.constant 0 : index
    %get3A_4 = vector.load %arg1[%get3A_2, %get3A_3] : memref<20224x128xf32, #tpu.memory_space<vmem>>, vector<10000x128xf32>
    %add3A = arith.addf %get3A_1, %get3A_4 : vector<10000x128xf32>
    %get3A_5 = arith.constant 10112 : index
    %get3A_6 = arith.constant 0 : index
    %get3A_7 = vector.load %arg1[%get3A_5, %get3A_6] : memref<20224x128xf32, #tpu.memory_space<vmem>>, vector<10000x128xf32>
    %add3A_8 = arith.addf %add3A, %get3A_7 : vector<10000x128xf32>
    %get3A_9 = arith.constant 0 : index
    %get3A_10 = arith.constant 0 : index
    %get3A_11 = vector.load %arg2[%get3A_9, %get3A_10] : memref<128x32xf32, #tpu.memory_space<vmem>>, vector<128x32xf32>
    %dot_general3A = arith.constant dense<0.000000e+00> : vector<10000x32xf32>
    %dot_general3A_12 = tpu.matmul %add3A_8, %get3A_11, %dot_general3A {dimension_numbers = #tpu.dot_dimension_numbers<[1], [0], [0], [1], [0, 0, 1, 1], [], []>, transpose_lhs_hint = false} : vector<10000x128xf32>, vector<128x32xf32>, vector<10000x32xf32> -> vector<10000x32xf32>
    %get3A_13 = arith.constant 0 : index
    %get3A_14 = arith.constant 0 : index
    %get3A_15 = vector.load %arg3[%get3A_13, %get3A_14] : memref<1x32xf32, #tpu.memory_space<vmem>>, vector<1x32xf32>
    %add3A_16 = vector.broadcast %get3A_15 : vector<1x32xf32> to vector<10000x32xf32>
    %add3A_17 = arith.addf %dot_general3A_12, %add3A_16 : vector<10000x32xf32>
    %max3A = arith.constant 0.000000e+00 : f32
    %max3A_18 = vector.broadcast %max3A : f32 to vector<10000x32xf32>
    %max3A_19 = arith.maximumf %add3A_17, %max3A_18 : vector<10000x32xf32>
    %get3A_20 = arith.constant 0 : index
    %get3A_21 = arith.constant 0 : index
    %get3A_22 = vector.load %arg4[%get3A_20, %get3A_21] : memref<32x32xf32, #tpu.memory_space<vmem>>, vector<32x32xf32>
    %dot_general3A_23 = arith.constant dense<0.000000e+00> : vector<10000x32xf32>
    %dot_general3A_24 = tpu.matmul %max3A_19, %get3A_22, %dot_general3A_23 {dimension_numbers = #tpu.dot_dimension_numbers<[1], [0], [0], [1], [0, 0, 1, 1], [], []>, transpose_lhs_hint = false} : vector<10000x32xf32>, vector<32x32xf32>, vector<10000x32xf32> -> vector<10000x32xf32>
    %get3A_25 = arith.constant 0 : index
    %get3A_26 = arith.constant 0 : index
    %get3A_27 = vector.load %arg5[%get3A_25, %get3A_26] : memref<1x32xf32, #tpu.memory_space<vmem>>, vector<1x32xf32>
    %add3A_28 = vector.broadcast %get3A_27 : vector<1x32xf32> to vector<10000x32xf32>
    %add3A_29 = arith.addf %dot_general3A_24, %add3A_28 : vector<10000x32xf32>
    %max3A_30 = arith.constant 0.000000e+00 : f32
    %max3A_31 = vector.broadcast %max3A_30 : f32 to vector<10000x32xf32>
    %max3A_32 = arith.maximumf %add3A_29, %max3A_31 : vector<10000x32xf32>
    %reduce_sum3A = arith.constant dense<0.000000e+00> : vector<32xf32>
    %reduce_sum3A_33 = vector.multi_reduction <add>, %max3A_32, %reduce_sum3A [0] : vector<10000x32xf32> to vector<32xf32>
    %broadcast_in_dim3A = vector.shape_cast %reduce_sum3A_33 : vector<32xf32> to vector<1x32xf32>
    %div3A = arith.constant 1.000000e+04 : f32
    %div3A_34 = vector.broadcast %div3A : f32 to vector<1x32xf32>
    %div3A_35 = arith.divf %broadcast_in_dim3A, %div3A_34 : vector<1x32xf32>
    %sub3A = vector.broadcast %div3A_35 : vector<1x32xf32> to vector<10000x32xf32>
    %sub3A_36 = arith.subf %max3A_32, %sub3A : vector<10000x32xf32>
    %sub3A_37 = vector.broadcast %div3A_35 : vector<1x32xf32> to vector<10000x32xf32>
    %sub3A_38 = arith.subf %max3A_32, %sub3A_37 : vector<10000x32xf32>
    %mul3A = arith.mulf %sub3A_36, %sub3A_38 : vector<10000x32xf32>
    %reduce_sum3A_39 = arith.constant dense<0.000000e+00> : vector<32xf32>
    %reduce_sum3A_40 = vector.multi_reduction <add>, %mul3A, %reduce_sum3A_39 [0] : vector<10000x32xf32> to vector<32xf32>
    %broadcast_in_dim3A_41 = vector.shape_cast %reduce_sum3A_40 : vector<32xf32> to vector<1x32xf32>
    %div3A_42 = arith.constant 1.000000e+04 : f32
    %div3A_43 = vector.broadcast %div3A_42 : f32 to vector<1x32xf32>
    %div3A_44 = arith.divf %broadcast_in_dim3A_41, %div3A_43 : vector<1x32xf32>
    %sub3A_45 = vector.broadcast %div3A_35 : vector<1x32xf32> to vector<10000x32xf32>
    %sub3A_46 = arith.subf %max3A_32, %sub3A_45 : vector<10000x32xf32>
    %add3A_47 = arith.constant 9.99999974E-6 : f32
    %add3A_48 = vector.broadcast %add3A_47 : f32 to vector<1x32xf32>
    %add3A_49 = arith.addf %div3A_44, %add3A_48 : vector<1x32xf32>
    %sqrt3A = math.sqrt %add3A_49 : vector<1x32xf32>
    %div3A_50 = vector.broadcast %sqrt3A : vector<1x32xf32> to vector<10000x32xf32>
    %div3A_51 = arith.divf %sub3A_46, %div3A_50 : vector<10000x32xf32>
    %get3A_52 = arith.constant 0 : index
    %get3A_53 = arith.constant 0 : index
    %get3A_54 = vector.load %arg6[%get3A_52, %get3A_53] : memref<1x32xf32, #tpu.memory_space<vmem>>, vector<1x32xf32>
    %mul3A_55 = vector.broadcast %get3A_54 : vector<1x32xf32> to vector<10000x32xf32>
    %mul3A_56 = arith.mulf %div3A_51, %mul3A_55 : vector<10000x32xf32>
    %get3A_57 = arith.constant 0 : index
    %get3A_58 = arith.constant 0 : index
    %get3A_59 = vector.load %arg7[%get3A_57, %get3A_58] : memref<1x32xf32, #tpu.memory_space<vmem>>, vector<1x32xf32>
    %add3A_60 = vector.broadcast %get3A_59 : vector<1x32xf32> to vector<10000x32xf32>
    %add3A_61 = arith.addf %mul3A_56, %add3A_60 : vector<10000x32xf32>
    %swap3A = arith.constant 0 : index
    %swap3A_62 = arith.constant 0 : index
    %swap3A_63 = vector.load %arg8[%swap3A, %swap3A_62] : memref<10000x32xf32, #tpu.memory_space<vmem>>, vector<10000x32xf32>
    tpu.vector_store %arg8[%swap3A, %swap3A_62], %add3A_61 {strides = array<i32>} : memref<10000x32xf32, #tpu.memory_space<vmem>>, vector<10000x32xf32>,
    return
  }
}

module attributes {stable_mosaic.version = 14 : i64} {
  func.func @_mid_body(%arg0: memref<10000x32xf32, #tpu.memory_space<vmem>>, %arg1: memref<20224x32xf32, #tpu.memory_space<vmem>>, %arg2: memref<32x32xf32, #tpu.memory_space<vmem>>, %arg3: memref<1x32xf32, #tpu.memory_space<vmem>>, %arg4: memref<32x32xf32, #tpu.memory_space<vmem>>, %arg5: memref<1x32xf32, #tpu.memory_space<vmem>>, %arg6: memref<1x32xf32, #tpu.memory_space<vmem>>, %arg7: memref<1x32xf32, #tpu.memory_space<vmem>>, %arg8: memref<10000x32xf32, #tpu.memory_space<vmem>>) attributes {dimension_semantics = [], scalar_prefetch = 0 : i64, scratch_operands = 0 : i64, tpu.core_type = #tpu.core_type<tc>} {
    %get3A = arith.constant 0 : index
    %get3A_0 = arith.constant 0 : index
    %get3A_1 = vector.load %arg0[%get3A, %get3A_0] : memref<10000x32xf32, #tpu.memory_space<vmem>>, vector<10000x32xf32>
    %get3A_2 = arith.constant 0 : index
    %get3A_3 = arith.constant 0 : index
    %get3A_4 = vector.load %arg1[%get3A_2, %get3A_3] : memref<20224x32xf32, #tpu.memory_space<vmem>>, vector<10000x32xf32>
    %add3A = arith.addf %get3A_1, %get3A_4 : vector<10000x32xf32>
    %get3A_5 = arith.constant 10112 : index
    %get3A_6 = arith.constant 0 : index
    %get3A_7 = vector.load %arg1[%get3A_5, %get3A_6] : memref<20224x32xf32, #tpu.memory_space<vmem>>, vector<10000x32xf32>
    %add3A_8 = arith.addf %add3A, %get3A_7 : vector<10000x32xf32>
    %get3A_9 = arith.constant 0 : index
    %get3A_10 = arith.constant 0 : index
    %get3A_11 = vector.load %arg2[%get3A_9, %get3A_10] : memref<32x32xf32, #tpu.memory_space<vmem>>, vector<32x32xf32>
    %dot_general3A = arith.constant dense<0.000000e+00> : vector<10000x32xf32>
    %dot_general3A_12 = tpu.matmul %add3A_8, %get3A_11, %dot_general3A {dimension_numbers = #tpu.dot_dimension_numbers<[1], [0], [0], [1], [0, 0, 1, 1], [], []>, transpose_lhs_hint = false} : vector<10000x32xf32>, vector<32x32xf32>, vector<10000x32xf32> -> vector<10000x32xf32>
    %get3A_13 = arith.constant 0 : index
    %get3A_14 = arith.constant 0 : index
    %get3A_15 = vector.load %arg3[%get3A_13, %get3A_14] : memref<1x32xf32, #tpu.memory_space<vmem>>, vector<1x32xf32>
    %add3A_16 = vector.broadcast %get3A_15 : vector<1x32xf32> to vector<10000x32xf32>
    %add3A_17 = arith.addf %dot_general3A_12, %add3A_16 : vector<10000x32xf32>
    %max3A = arith.constant 0.000000e+00 : f32
    %max3A_18 = vector.broadcast %max3A : f32 to vector<10000x32xf32>
    %max3A_19 = arith.maximumf %add3A_17, %max3A_18 : vector<10000x32xf32>
    %get3A_20 = arith.constant 0 : index
    %get3A_21 = arith.constant 0 : index
    %get3A_22 = vector.load %arg4[%get3A_20, %get3A_21] : memref<32x32xf32, #tpu.memory_space<vmem>>, vector<32x32xf32>
    %dot_general3A_23 = arith.constant dense<0.000000e+00> : vector<10000x32xf32>
    %dot_general3A_24 = tpu.matmul %max3A_19, %get3A_22, %dot_general3A_23 {dimension_numbers = #tpu.dot_dimension_numbers<[1], [0], [0], [1], [0, 0, 1, 1], [], []>, transpose_lhs_hint = false} : vector<10000x32xf32>, vector<32x32xf32>, vector<10000x32xf32> -> vector<10000x32xf32>
    %get3A_25 = arith.constant 0 : index
    %get3A_26 = arith.constant 0 : index
    %get3A_27 = vector.load %arg5[%get3A_25, %get3A_26] : memref<1x32xf32, #tpu.memory_space<vmem>>, vector<1x32xf32>
    %add3A_28 = vector.broadcast %get3A_27 : vector<1x32xf32> to vector<10000x32xf32>
    %add3A_29 = arith.addf %dot_general3A_24, %add3A_28 : vector<10000x32xf32>
    %max3A_30 = arith.constant 0.000000e+00 : f32
    %max3A_31 = vector.broadcast %max3A_30 : f32 to vector<10000x32xf32>
    %max3A_32 = arith.maximumf %add3A_29, %max3A_31 : vector<10000x32xf32>
    %reduce_sum3A = arith.constant dense<0.000000e+00> : vector<32xf32>
    %reduce_sum3A_33 = vector.multi_reduction <add>, %max3A_32, %reduce_sum3A [0] : vector<10000x32xf32> to vector<32xf32>
    %broadcast_in_dim3A = vector.shape_cast %reduce_sum3A_33 : vector<32xf32> to vector<1x32xf32>
    %div3A = arith.constant 1.000000e+04 : f32
    %div3A_34 = vector.broadcast %div3A : f32 to vector<1x32xf32>
    %div3A_35 = arith.divf %broadcast_in_dim3A, %div3A_34 : vector<1x32xf32>
    %sub3A = vector.broadcast %div3A_35 : vector<1x32xf32> to vector<10000x32xf32>
    %sub3A_36 = arith.subf %max3A_32, %sub3A : vector<10000x32xf32>
    %sub3A_37 = vector.broadcast %div3A_35 : vector<1x32xf32> to vector<10000x32xf32>
    %sub3A_38 = arith.subf %max3A_32, %sub3A_37 : vector<10000x32xf32>
    %mul3A = arith.mulf %sub3A_36, %sub3A_38 : vector<10000x32xf32>
    %reduce_sum3A_39 = arith.constant dense<0.000000e+00> : vector<32xf32>
    %reduce_sum3A_40 = vector.multi_reduction <add>, %mul3A, %reduce_sum3A_39 [0] : vector<10000x32xf32> to vector<32xf32>
    %broadcast_in_dim3A_41 = vector.shape_cast %reduce_sum3A_40 : vector<32xf32> to vector<1x32xf32>
    %div3A_42 = arith.constant 1.000000e+04 : f32
    %div3A_43 = vector.broadcast %div3A_42 : f32 to vector<1x32xf32>
    %div3A_44 = arith.divf %broadcast_in_dim3A_41, %div3A_43 : vector<1x32xf32>
    %sub3A_45 = vector.broadcast %div3A_35 : vector<1x32xf32> to vector<10000x32xf32>
    %sub3A_46 = arith.subf %max3A_32, %sub3A_45 : vector<10000x32xf32>
    %add3A_47 = arith.constant 9.99999974E-6 : f32
    %add3A_48 = vector.broadcast %add3A_47 : f32 to vector<1x32xf32>
    %add3A_49 = arith.addf %div3A_44, %add3A_48 : vector<1x32xf32>
    %sqrt3A = math.sqrt %add3A_49 : vector<1x32xf32>
    %div3A_50 = vector.broadcast %sqrt3A : vector<1x32xf32> to vector<10000x32xf32>
    %div3A_51 = arith.divf %sub3A_46, %div3A_50 : vector<10000x32xf32>
    %get3A_52 = arith.constant 0 : index
    %get3A_53 = arith.constant 0 : index
    %get3A_54 = vector.load %arg6[%get3A_52, %get3A_53] : memref<1x32xf32, #tpu.memory_space<vmem>>, vector<1x32xf32>
    %mul3A_55 = vector.broadcast %get3A_54 : vector<1x32xf32> to vector<10000x32xf32>
    %mul3A_56 = arith.mulf %div3A_51, %mul3A_55 : vector<10000x32xf32>
    %get3A_57 = arith.constant 0 : index
    %get3A_58 = arith.constant 0 : index
    %get3A_59 = vector.load %arg7[%get3A_57, %get3A_58] : memref<1x32xf32, #tpu.memory_space<vmem>>, vector<1x32xf32>
    %add3A_60 = vector.broadcast %get3A_59 : vector<1x32xf32> to vector<10000x32xf32>
    %add3A_61 = arith.addf %mul3A_56, %add3A_60 : vector<10000x32xf32>
    %swap3A = arith.constant 0 : index
    %swap3A_62 = arith.constant 0 : index
    %swap3A_63 = vector.load %arg8[%swap3A, %swap3A_62] : memref<10000x32xf32, #tpu.memory_space<vmem>>, vector<10000x32xf32>
    tpu.vector_store %arg8[%swap3A, %swap3A_62], %add3A_61 {strides = array<i32>} : memref<10000x32xf32, #tpu.memory_space<vmem>>, vector<10000x32xf32>,
    return
  }
}

module attributes {stable_mosaic.version = 14 : i64} {
  func.func @_final_body(%arg0: memref<10000x32xf32, #tpu.memory_space<vmem>>, %arg1: memref<20224x32xf32, #tpu.memory_space<vmem>>, %arg2: memref<32x32xf32, #tpu.memory_space<vmem>>, %arg3: memref<1x32xf32, #tpu.memory_space<vmem>>, %arg4: memref<32x32xf32, #tpu.memory_space<vmem>>, %arg5: memref<1x32xf32, #tpu.memory_space<vmem>>, %arg6: memref<1x32xf32, #tpu.memory_space<vmem>>, %arg7: memref<1x32xf32, #tpu.memory_space<vmem>>, %arg8: memref<1x10000xi32, #tpu.memory_space<vmem>>, %arg9: memref<32x32xf32, #tpu.memory_space<vmem>>, %arg10: memref<1x32xf32, #tpu.memory_space<vmem>>, %arg11: memref<32x10xf32, #tpu.memory_space<vmem>>, %arg12: memref<1x10xf32, #tpu.memory_space<vmem>>, %arg13: memref<64x10xf32, #tpu.memory_space<vmem>>) attributes {dimension_semantics = [], scalar_prefetch = 0 : i64, scratch_operands = 0 : i64, tpu.core_type = #tpu.core_type<tc>} {
    %get3A = arith.constant 0 : index
    %get3A_0 = arith.constant 0 : index
    %get3A_1 = vector.load %arg0[%get3A, %get3A_0] : memref<10000x32xf32, #tpu.memory_space<vmem>>, vector<10000x32xf32>
    %get3A_2 = arith.constant 0 : index
    %get3A_3 = arith.constant 0 : index
    %get3A_4 = vector.load %arg1[%get3A_2, %get3A_3] : memref<20224x32xf32, #tpu.memory_space<vmem>>, vector<10000x32xf32>
    %add3A = arith.addf %get3A_1, %get3A_4 : vector<10000x32xf32>
    %get3A_5 = arith.constant 10112 : index
    %get3A_6 = arith.constant 0 : index
    %get3A_7 = vector.load %arg1[%get3A_5, %get3A_6] : memref<20224x32xf32, #tpu.memory_space<vmem>>, vector<10000x32xf32>
    %add3A_8 = arith.addf %add3A, %get3A_7 : vector<10000x32xf32>
    %get3A_9 = arith.constant 0 : index
    %get3A_10 = arith.constant 0 : index
    %get3A_11 = vector.load %arg2[%get3A_9, %get3A_10] : memref<32x32xf32, #tpu.memory_space<vmem>>, vector<32x32xf32>
    %dot_general3A = arith.constant dense<0.000000e+00> : vector<10000x32xf32>
    %dot_general3A_12 = tpu.matmul %add3A_8, %get3A_11, %dot_general3A {dimension_numbers = #tpu.dot_dimension_numbers<[1], [0], [0], [1], [0, 0, 1, 1], [], []>, transpose_lhs_hint = false} : vector<10000x32xf32>, vector<32x32xf32>, vector<10000x32xf32> -> vector<10000x32xf32>
    %get3A_13 = arith.constant 0 : index
    %get3A_14 = arith.constant 0 : index
    %get3A_15 = vector.load %arg3[%get3A_13, %get3A_14] : memref<1x32xf32, #tpu.memory_space<vmem>>, vector<1x32xf32>
    %add3A_16 = vector.broadcast %get3A_15 : vector<1x32xf32> to vector<10000x32xf32>
    %add3A_17 = arith.addf %dot_general3A_12, %add3A_16 : vector<10000x32xf32>
    %max3A = arith.constant 0.000000e+00 : f32
    %max3A_18 = vector.broadcast %max3A : f32 to vector<10000x32xf32>
    %max3A_19 = arith.maximumf %add3A_17, %max3A_18 : vector<10000x32xf32>
    %get3A_20 = arith.constant 0 : index
    %get3A_21 = arith.constant 0 : index
    %get3A_22 = vector.load %arg4[%get3A_20, %get3A_21] : memref<32x32xf32, #tpu.memory_space<vmem>>, vector<32x32xf32>
    %dot_general3A_23 = arith.constant dense<0.000000e+00> : vector<10000x32xf32>
    %dot_general3A_24 = tpu.matmul %max3A_19, %get3A_22, %dot_general3A_23 {dimension_numbers = #tpu.dot_dimension_numbers<[1], [0], [0], [1], [0, 0, 1, 1], [], []>, transpose_lhs_hint = false} : vector<10000x32xf32>, vector<32x32xf32>, vector<10000x32xf32> -> vector<10000x32xf32>
    %get3A_25 = arith.constant 0 : index
    %get3A_26 = arith.constant 0 : index
    %get3A_27 = vector.load %arg5[%get3A_25, %get3A_26] : memref<1x32xf32, #tpu.memory_space<vmem>>, vector<1x32xf32>
    %add3A_28 = vector.broadcast %get3A_27 : vector<1x32xf32> to vector<10000x32xf32>
    %add3A_29 = arith.addf %dot_general3A_24, %add3A_28 : vector<10000x32xf32>
    %max3A_30 = arith.constant 0.000000e+00 : f32
    %max3A_31 = vector.broadcast %max3A_30 : f32 to vector<10000x32xf32>
    %max3A_32 = arith.maximumf %add3A_29, %max3A_31 : vector<10000x32xf32>
    %reduce_sum3A = arith.constant dense<0.000000e+00> : vector<32xf32>
    %reduce_sum3A_33 = vector.multi_reduction <add>, %max3A_32, %reduce_sum3A [0] : vector<10000x32xf32> to vector<32xf32>
    %broadcast_in_dim3A = vector.shape_cast %reduce_sum3A_33 : vector<32xf32> to vector<1x32xf32>
    %div3A = arith.constant 1.000000e+04 : f32
    %div3A_34 = vector.broadcast %div3A : f32 to vector<1x32xf32>
    %div3A_35 = arith.divf %broadcast_in_dim3A, %div3A_34 : vector<1x32xf32>
    %sub3A = vector.broadcast %div3A_35 : vector<1x32xf32> to vector<10000x32xf32>
    %sub3A_36 = arith.subf %max3A_32, %sub3A : vector<10000x32xf32>
    %sub3A_37 = vector.broadcast %div3A_35 : vector<1x32xf32> to vector<10000x32xf32>
    %sub3A_38 = arith.subf %max3A_32, %sub3A_37 : vector<10000x32xf32>
    %mul3A = arith.mulf %sub3A_36, %sub3A_38 : vector<10000x32xf32>
    %reduce_sum3A_39 = arith.constant dense<0.000000e+00> : vector<32xf32>
    %reduce_sum3A_40 = vector.multi_reduction <add>, %mul3A, %reduce_sum3A_39 [0] : vector<10000x32xf32> to vector<32xf32>
    %broadcast_in_dim3A_41 = vector.shape_cast %reduce_sum3A_40 : vector<32xf32> to vector<1x32xf32>
    %div3A_42 = arith.constant 1.000000e+04 : f32
    %div3A_43 = vector.broadcast %div3A_42 : f32 to vector<1x32xf32>
    %div3A_44 = arith.divf %broadcast_in_dim3A_41, %div3A_43 : vector<1x32xf32>
    %sub3A_45 = vector.broadcast %div3A_35 : vector<1x32xf32> to vector<10000x32xf32>
    %sub3A_46 = arith.subf %max3A_32, %sub3A_45 : vector<10000x32xf32>
    %add3A_47 = arith.constant 9.99999974E-6 : f32
    %add3A_48 = vector.broadcast %add3A_47 : f32 to vector<1x32xf32>
    %add3A_49 = arith.addf %div3A_44, %add3A_48 : vector<1x32xf32>
    %sqrt3A = math.sqrt %add3A_49 : vector<1x32xf32>
    %div3A_50 = vector.broadcast %sqrt3A : vector<1x32xf32> to vector<10000x32xf32>
    %div3A_51 = arith.divf %sub3A_46, %div3A_50 : vector<10000x32xf32>
    %get3A_52 = arith.constant 0 : index
    %get3A_53 = arith.constant 0 : index
    %get3A_54 = vector.load %arg6[%get3A_52, %get3A_53] : memref<1x32xf32, #tpu.memory_space<vmem>>, vector<1x32xf32>
    %mul3A_55 = vector.broadcast %get3A_54 : vector<1x32xf32> to vector<10000x32xf32>
    %mul3A_56 = arith.mulf %div3A_51, %mul3A_55 : vector<10000x32xf32>
    %get3A_57 = arith.constant 0 : index
    %get3A_58 = arith.constant 0 : index
    %get3A_59 = vector.load %arg7[%get3A_57, %get3A_58] : memref<1x32xf32, #tpu.memory_space<vmem>>, vector<1x32xf32>
    %add3A_60 = vector.broadcast %get3A_59 : vector<1x32xf32> to vector<10000x32xf32>
    %add3A_61 = arith.addf %mul3A_56, %add3A_60 : vector<10000x32xf32>
    %iota3A = tpu.iota {dimensions = array<i32: 0>} : vector<64x10000xi32>
    %get3A_62 = arith.constant 0 : index
    %get3A_63 = arith.constant 0 : index
    %get3A_64 = vector.load %arg8[%get3A_62, %get3A_63] : memref<1x10000xi32, #tpu.memory_space<vmem>>, vector<1x10000xi32>
    %eq3A = vector.broadcast %get3A_64 : vector<1x10000xi32> to vector<64x10000xi32>
    %eq3A_65 = arith.cmpi eq, %iota3A, %eq3A : vector<64x10000xi32>
    %convert_element_type3A = arith.extui %eq3A_65 : vector<64x10000xi1> to vector<64x10000xi32>
    %convert_element_type3A_66 = arith.sitofp %convert_element_type3A : vector<64x10000xi32> to vector<64x10000xf32>
    %dot_general3A_67 = arith.constant dense<0.000000e+00> : vector<64x32xf32>
    %dot_general3A_68 = tpu.matmul %convert_element_type3A_66, %add3A_61, %dot_general3A_67 {dimension_numbers = #tpu.dot_dimension_numbers<[1], [0], [0], [1], [0, 0, 1, 1], [], []>, precision = #tpu.contract_precision<fp32>, transpose_lhs_hint = false} : vector<64x10000xf32>, vector<10000x32xf32>, vector<64x32xf32> -> vector<64x32xf32>
    %get3A_69 = arith.constant 0 : index
    %get3A_70 = arith.constant 0 : index
    %get3A_71 = vector.load %arg9[%get3A_69, %get3A_70] : memref<32x32xf32, #tpu.memory_space<vmem>>, vector<32x32xf32>
    %dot_general3A_72 = arith.constant dense<0.000000e+00> : vector<64x32xf32>
    %dot_general3A_73 = tpu.matmul %dot_general3A_68, %get3A_71, %dot_general3A_72 {dimension_numbers = #tpu.dot_dimension_numbers<[1], [0], [0], [1], [0, 0, 1, 1], [], []>, transpose_lhs_hint = false} : vector<64x32xf32>, vector<32x32xf32>, vector<64x32xf32> -> vector<64x32xf32>
    %get3A_74 = arith.constant 0 : index
    %get3A_75 = arith.constant 0 : index
    %get3A_76 = vector.load %arg10[%get3A_74, %get3A_75] : memref<1x32xf32, #tpu.memory_space<vmem>>, vector<1x32xf32>
    %add3A_77 = vector.broadcast %get3A_76 : vector<1x32xf32> to vector<64x32xf32>
    %add3A_78 = arith.addf %dot_general3A_73, %add3A_77 : vector<64x32xf32>
    %max3A_79 = arith.constant 0.000000e+00 : f32
    %max3A_80 = vector.broadcast %max3A_79 : f32 to vector<64x32xf32>
    %max3A_81 = arith.maximumf %add3A_78, %max3A_80 : vector<64x32xf32>
    %get3A_82 = arith.constant 0 : index
    %get3A_83 = arith.constant 0 : index
    %get3A_84 = vector.load %arg11[%get3A_82, %get3A_83] : memref<32x10xf32, #tpu.memory_space<vmem>>, vector<32x10xf32>
    %dot_general3A_85 = arith.constant dense<0.000000e+00> : vector<64x10xf32>
    %dot_general3A_86 = tpu.matmul %max3A_81, %get3A_84, %dot_general3A_85 {dimension_numbers = #tpu.dot_dimension_numbers<[1], [0], [0], [1], [0, 0, 1, 1], [], []>, transpose_lhs_hint = false} : vector<64x32xf32>, vector<32x10xf32>, vector<64x10xf32> -> vector<64x10xf32>
    %get3A_87 = arith.constant 0 : index
    %get3A_88 = arith.constant 0 : index
    %get3A_89 = vector.load %arg12[%get3A_87, %get3A_88] : memref<1x10xf32, #tpu.memory_space<vmem>>, vector<1x10xf32>
    %add3A_90 = vector.broadcast %get3A_89 : vector<1x10xf32> to vector<64x10xf32>
    %add3A_91 = arith.addf %dot_general3A_86, %add3A_90 : vector<64x10xf32>
    %reduce_max3A = arith.constant dense<0xFF800000> : vector<64xf32>
    %reduce_max3A_92 = vector.multi_reduction <maximumf>, %add3A_91, %reduce_max3A [1] : vector<64x10xf32> to vector<64xf32>
    %broadcast_in_dim3A_93 = vector.shape_cast %reduce_max3A_92 : vector<64xf32> to vector<64x1xf32>
    %sub3A_94 = vector.broadcast %broadcast_in_dim3A_93 : vector<64x1xf32> to vector<64x10xf32>
    %sub3A_95 = arith.subf %add3A_91, %sub3A_94 : vector<64x10xf32>
    %exp3A = math.exp %sub3A_95 : vector<64x10xf32>
    %reduce_sum3A_96 = arith.constant dense<0.000000e+00> : vector<64xf32>
    %reduce_sum3A_97 = vector.multi_reduction <add>, %exp3A, %reduce_sum3A_96 [1] : vector<64x10xf32> to vector<64xf32>
    %broadcast_in_dim3A_98 = vector.shape_cast %reduce_sum3A_97 : vector<64xf32> to vector<64x1xf32>
    %log3A = math.log %broadcast_in_dim3A_98 : vector<64x1xf32>
    %sub3A_99 = vector.broadcast %log3A : vector<64x1xf32> to vector<64x10xf32>
    %sub3A_100 = arith.subf %sub3A_95, %sub3A_99 : vector<64x10xf32>
    %swap3A = arith.constant 0 : index
    %swap3A_101 = arith.constant 0 : index
    %swap3A_102 = vector.load %arg13[%swap3A, %swap3A_101] : memref<64x10xf32, #tpu.memory_space<vmem>>, vector<64x10xf32>
    tpu.vector_store %arg13[%swap3A, %swap3A_101], %sub3A_100 {strides = array<i32>} : memref<64x10xf32, #tpu.memory_space<vmem>>, vector<64x10xf32>,
    return
  }
}

</mosaic_0001>

<sc_bundles>
// kernel: gather_offload_async_start.1
scs
__scs_entry_jumppad:
0x0: {  	(pc) =	sbr.rel $0x88, $3  }
0x1: {  	(tag) =	ssettag $0x0;
	lr =	simm.s32 $0x1  }
0x2: {  	[smem:$0x3F7C] =	sst lr;
	_ =	strace $0xD0000000  }
0x3: {  	_ = 	snop  }
0x4: {  	_ = 	snop  }
0x5: {  	_ = 	snop  }
0x6: {  	_ = 	snop  }
0x7: {  	_ = 	snop  }
__scs_overlays_trampoline_lowered:
0x8: {  	[smem:$0x3F8B] =	sst s0  }
0x9: {  	[smem:$0x3F8C] =	sst s1  }
0xa: {  	[smem:$0x3F8D] =	sst s2  }
0xb: {  	[smem:$0x3F8E] =	sst s3  }
0xc: {  	[smem:$0x3F8F] =	sst s4  }
0xd: {  	[smem:$0x3F90] =	sst s5  }
0xe: {  	[smem:$0x3F91] =	sst s6  }
0xf: {  	[smem:$0x3F92] =	sst s7  }
0x10: {  	[smem:$0x3F93] =	sst s8  }
0x11: {  	[smem:$0x3F94] =	sst s9;
	s0 =	simm.s32 @!p0 $0x0  }
0x12: {  	s1 =	sld [smem:$0x3F7A];
	s0 =	simm.s32 @p0 $0x1  }
0x13: {  	[smem:$0x3F95] =	sst s0;
	s0 =	simm.s32 @!p1 $0x0  }
0x14: {  	s2 =	sld [smem:$0x3F79];
	s0 =	simm.s32 @p1 $0x1  }
0x15: {  	[smem:$0x3F96] =	sst s0;
	s0 =	simm.s32 @!p2 $0x0  }
0x16: {  	s3 =	sld [smem:$0x3FDB];
	s0 =	simm.s32 @p2 $0x1  }
0x17: {  	s4 =	simm.s32 $0x1BF5;
	[smem:$0x3F98] =	sst s0  }
0x18: {  	s0 =	sld [smem:$0x3F7B];
	_ =	swait.ge [sflag:s4], $0x0  }
0x19: {  	s7 =	sld [smem:$0x3F7C]  }
0x1a: {  	s8 =	sadd.s32 $0xFFFFE003, lr  }
0x1b: {  	s9 =	sadd.s32 $0xFFFFFEF7, lr;
	s5 =	simm.s32 $0xFFFFFFFF;
	p2 =	slt.u32 s8, $0xFFFFF086  }
0x1c: {  	p1 =	slt.u32 s9, $0xF7A;
	s5 =	simm.s32 @!p2 $0x0  }
0x1d: {  	s5 =	simm.s32 @p1 $0x1;
	p0 =	seq.s32 s7, s2  }
0x1e: {  	s7 =	smul.u32 @!p0 $0xF7A, s2;
	p2 =	seq.s32 @!p0 s5, $0x0  }
0x1f: {  	s9 =	smul.u32 $0xF7A, s1;
	s8 =	simm.s32 @!p0 $0x1BF5;
	p2 =	por !p2, p0  }
0x20: {  	[sflag:s8] =	ssyncset.s32 @!p0 $0xFFFFF086;
	s6 =	sadd.s32 @!p0 s3, s7;
	s7 =	simm.s32 @!p0 $0x108  }
0x21: {  	s3 =	sadd.s32 s3, s9;
	s6 =	sadd.s32 @!p0 $0x88, s6;
	s7 =	simm.s32 @p2 $0x1082  }
0x22: {  	[simem:s7], [sflag:s8] =	dma.local @!p0 [hbm:s6], $0xF7A  }
0x23: {  	s9 =	sor.u32 $0xD0000000, s2;
	s6 =	simm.s32 $0x108;
	_ =	swait.ge @!p0 [sflag:s8], $0x0  }
0x24: {  	s3 =	sadd.s32 $0x88, s3;
	s6 =	simm.s32 @!p1 $0x1082;
	[sflag:s4] =	ssyncset.s32 $0xFFFFF086  }
0x25: {  	[simem:s6], [sflag:s4] =	dma.local [hbm:s3], $0xF7A  }
0x26: {  	[smem:$0x3F7C] =	sst s1;
	(tag) =	ssettag s2;
	_ =	strace s9  }
0x27: {  	s1 =	sld [smem:$0x3F8C]  }
0x28: {  	s2 =	sld [smem:$0x3F8D]  }
0x29: {  	s4 =	sld [smem:$0x3F8F]  }
0x2a: {  	p0 =	seq.s32 s5, $0x0;
	s5 =	sld [smem:$0x3F90]  }
0x2b: {  	s6 =	sld [smem:$0x3F91]  }
0x2c: {  	s7 =	sld [smem:$0x3F92]  }
0x2d: {  	s3 =	simm.s32 $0x108;
	s8 =	sld [smem:$0x3F93]  }
0x2e: {  	s3 =	simm.s32 @!p0 $0x1082;
	s9 =	sld [smem:$0x3F94]  }
0x2f: {  	lr =	sadd.s32 s0, s3;
	s0 =	sld [smem:$0x3F8B]  }
0x30: {  	s3 =	sld [smem:$0x3F8E]  }
0x31: {  	[smem:$0x3F97] =	sst s10  }
0x32: {  	s10 =	sld [smem:$0x3F95];
	_ =	sdelay $0x3  }
0x33: {  	p0 =	seq.s32 s10, $0x1;
	s10 =	sld [smem:$0x3F97];
	_ =	sdelay $0x3  }
0x34: {  	[smem:$0x3F97] =	sst s10  }
0x35: {  	s10 =	sld [smem:$0x3F96];
	_ =	sdelay $0x3  }
0x36: {  	p1 =	seq.s32 s10, $0x1;
	s10 =	sld [smem:$0x3F97];
	_ =	sdelay $0x3  }
0x37: {  	[smem:$0x3F97] =	sst s10  }
0x38: {  	s10 =	sld [smem:$0x3F98]  }
0x39: {  	_ = 	snop;
	(pc) =	sbr.ind lr, $3  }
0x3a: {  	_ = 	snop  }
0x3b: {  	_ = 	snop  }
0x3c: {  	p2 =	seq.s32 s10, $0x1;
	s10 =	sld [smem:$0x3F97]  }
0x3d: {  	_ =	shalt  }
0x3e: {  	_ =	shalt  }
0x3f: {  	_ =	shalt  }
0x40: {  	_ =	shalt  }
0x41: {  	_ =	shalt  }
0x42: {  	_ =	shalt  }
0x43: {  	_ =	shalt  }
0x44: {  	_ =	shalt  }
0x45: {  	_ =	shalt  }
0x46: {  	_ =	shalt  }
0x47: {  	_ =	shalt  }
0x48: {  	_ =	shalt  }
0x49: {  	_ =	shalt  }
0x4a: {  	_ =	shalt  }
0x4b: {  	_ =	shalt  }
0x4c: {  	_ =	shalt  }
0x4d: {  	_ =	shalt  }
0x4e: {  	_ =	shalt  }
0x4f: {  	_ =	shalt  }
0x50: {  	_ =	shalt  }
0x51: {  	_ =	shalt  }
0x52: {  	_ =	shalt  }
0x53: {  	_ =	shalt  }
0x54: {  	_ =	shalt  }
0x55: {  	_ =	shalt  }
0x56: {  	_ =	shalt  }
0x57: {  	_ =	shalt  }
0x58: {  	_ =	shalt  }
0x59: {  	_ =	shalt  }
0x5a: {  	_ =	shalt  }
0x5b: {  	_ =	shalt  }
0x5c: {  	_ =	shalt  }
0x5d: {  	_ =	shalt  }
0x5e: {  	_ =	shalt  }
0x5f: {  	_ =	shalt  }
0x60: {  	_ =	shalt  }
0x61: {  	_ =	shalt  }
0x62: {  	_ =	shalt  }
0x63: {  	_ =	shalt  }
0x64: {  	_ =	shalt  }
0x65: {  	_ =	shalt  }
0x66: {  	_ =	shalt  }
0x67: {  	_ =	shalt  }
0x68: {  	_ =	shalt  }
0x69: {  	_ =	shalt  }
0x6a: {  	_ =	shalt  }
0x6b: {  	_ =	shalt  }
0x6c: {  	_ =	shalt  }
0x6d: {  	_ =	shalt  }
0x6e: {  	_ =	shalt  }
0x6f: {  	_ =	shalt  }
0x70: {  	_ =	shalt  }
0x71: {  	_ =	shalt  }
0x72: {  	_ =	shalt  }
0x73: {  	_ =	shalt  }
0x74: {  	_ =	shalt  }
0x75: {  	_ =	shalt  }
0x76: {  	_ =	shalt  }
0x77: {  	_ =	shalt  }
0x78: {  	_ =	shalt  }
0x79: {  	_ =	shalt  }
0x7a: {  	_ =	shalt  }
0x7b: {  	_ =	shalt  }
0x7c: {  	_ =	shalt  }
0x7d: {  	_ =	shalt  }
0x7e: {  	_ =	shalt  }
0x7f: {  	_ =	shalt  }
0x80: {  	_ =	shalt  }
0x81: {  	_ =	shalt  }
0x82: {  	_ =	shalt  }
0x83: {  	_ =	shalt  }
0x84: {  	_ =	shalt  }
0x85: {  	_ =	shalt  }
0x86: {  	_ =	shalt  }
0x87: {  	_ =	shalt  }
.Lfunc_end0:
.L_simem_size_0:
called_computation.1_lowered:
.L_overlay_start_0:
0x88: {  	s2 =	sld [smem:$0x3FD9]  }
0x89: {  	s3 =	sld [smem:$0x3FFE];
	_ =	sdelay $0x1  }
0x8a: {  	s1 =	srdreg.scid  }
0x8b: {  	s0 =	sand.u32 $0x1, s1  }
0x8c: {  	s16 =	sshll.u32 s0, $0xA;
	s2 =	sadd.s32 s3, s2  }
0x8d: {  	s2 =	sadd.s32 s2, s16  }
0x8e: {  	[smem:$0x3FA3] =	sst s2  }
0x8f: {  	_ = 	snop  }
0x90: {  	(tm) =	ssettm $0x1  }
0x91: {  	s17 =	sld [smem:$0x3FFB];
	_ =	sdelay $0x3  }
0x92: {  	_ =	strace s17  }
0x93: {  	s2 =	sld [smem:$0x3FFC];
	_ =	sdelay $0x3  }
0x94: {  	_ =	strace s2  }
0x95: {  	s2 =	sld [smem:$0x3FFD];
	_ =	sdelay $0x3  }
0x96: {  	_ =	strace s2  }
0x97: {  	_ =	strace $0x8FFFFFFF  }
0x98: {  	s18 =	sld [smem:$0x3FDB];
	_ =	sdelay $0x1  }
0x99: {  	s19 =	simm.s32 $_scs_section_size  }
0x9a: {  	s4 =	simm.s32 $_size__tile_overlayer_lowered;
	s5 =	simm.s32 $_tile_overlayer_lowered  }
0x9b: {  	s22 =	simm.s32 $0x1BFF;
	s21 =	sshll.u32 s5, $0x1;
	s2 =	sadd.s32 s19, s18  }
0x9c: {  	s6 =	simm.s32 $0x0;
	s20 =	sshll.u32 s4, $0x1;
	s4 =	sadd.s32 s21, s2  }
0x9d: {  	[timem:s6], [sflag:s22] =	dma.local [hbm:s4], s20  }
0x9e: {  	_ =	swait.ge [sflag:s22], s20  }
0x9f: {  	s3 =	ssub.s32 $0x0, s20;
	[sflag:s22] =	ssyncset.done $0x0  }
0xa0: {  	[sflag:s22] =	ssyncadd.s32 s3;
	_ =	sdelay $0x1  }
0xa1: {  	s23 =	simm.s32 $0x1B8B  }
0xa2: {  	_ =	swait.ge [sflag:s23], $0x1  }
0xa3: {  	[sflag:s23] =	ssyncset.done $0x0  }
0xa4: {  	s25 =	simm.s32 $0x1B8E;
	s24 =	sld [smem:$0x3FFE];
	[sflag:s23] =	ssyncadd.s32 $0xFFFFFFFF  }
0xa5: {  	s26 =	simm.s32 $execute0_lowered;
	[smem:$0x3FD2] =	sst s25  }
0xa6: {  	s4 =	sshll.u32 s26, $0x1;
	_ =	strace $0x80000046;
	[dreg:$0x1] =	wrdreg $0xFFFFFFFF  }
0xa7: {  	s28 =	simm.s32 $_size_execute0_lowered;
	s2 =	sadd.s32 s2, s4;
	[dreg:$0x0] =	wrdreg $0x0  }
0xa8: {  	s4 =	sshll.u32 s28, $0x1;
	[dreg:$0x2] =	wrdreg s2  }
0xa9: {  	[dreg:$0x3] =	wrdreg s4  }
0xaa: {  	[dreg:$0x4] =	wrdreg $0xC0  }
0xab: {  	_ =	task [dreg:s6], $0x5FFFF  }
0xac: {  	[dreg:$0x1] =	wrdreg $0xFFFFFFFF  }
0xad: {  	[dreg:$0x0] =	wrdreg $0x60  }
0xae: {  	[dreg:$0x2] =	wrdreg s24  }
0xaf: {  	[dreg:$0x3] =	wrdreg $0xA  }
0xb0: {  	_ =	task.clear_ibuf [dreg:s6], $0x4FFFF;
	_ =	strace $0x90000046  }
0xb1: {  	s29 =	simm.s32 $0xA;
	_ =	strace $0x80000048  }
0xb2: {  	_ =	swait.ge [sflag:s29], $0x1  }
0xb3: {  	[sflag:s29] =	ssyncadd.s32 $0xFFFFFFFF  }
0xb4: {  	_ =	strace $0x90000048  }
0xb5: {  	_ =	sfence  }
0xb6: {  	s30 =	sld [smem:$0x0];
	_ =	sdelay $0x2  }
0xb7: {  	s31 =	sshll.u32 s1, $0xD;
	s1 =	sshrl.u32 s1, $0x2  }
0xb8: {  	s3 =	sand.u32 $0x4000, s31;
	s1 =	sadd.s32 s1, s30  }
0xb9: {  	s0 =	sor.u32 s3, s0;
	s1 =	sshll.u32 s1, $0x11  }
0xba: {  	s0 =	sor.u32 s1, s0  }
0xbb: {  	s0 =	sadd.s32 $0x8F2B, s0  }
0xbc: {  	[sflag:s0] =	ssyncadd.remote.s32 $0x1  }
0xbd: {  	_ =	sfence.sel $0xFFFF  }
0xbe: {  	[dreg:$0x0] =	wrdreg $0xFFFFFFFF;
	(pc) =	sbr.abs _section_cstart, $3  }
0xbf: {  	[dreg:$0x1] =	wrdreg $0xFFFFFFFF  }
0xc0: {  	_ =	task.clear_ibuf [dreg:s6], $0x2FFFF;
	_ =	strace $0x9FFFFFFF  }
0xc1: {  	(tm) =	ssettm $0x7FFFFFFF  }
tec
execute0_lowered:
.L_overlay_start_1:
0x0: {  	(tag) =	ssettag $0x1  }
0x1: {  	s8 =	rddreg [dreg:$0x0]  }
0x2: {  	s0 =	rddreg [dreg:$0x1];
	_ =	strace $0x80000047;
	s1 =	stileid.u32  }
0x3: {  	s3 =	srdreg.scid;
	s4 =	simm.s32 $0x1;
	s7 =	simm.s32 $0x1  }
0x4: {  	s9 =	simm.s32 $0x1;
	s10 =	simm.s32 $0x3;
	s13 =	simm.s32 $0x0  }
0x5: {  	s12 =	simm.s32 $0x0;
	s5 =	sand.u32 $0x1, s3;
	s6 =	sshll.u32 s1, $0x1  }
0x6: {  	s2 =	sadd.s32 $0xF400, s8;
	s3 =	sadd.s32 $0x19200, s8;
	s5 =	sor.u32 s6, s5  }
.Ltmp0:
0x7: {  	[sflag:s4] =	ssyncpa.u1 $0x0;
	p0 =	slt.u32 s5, $0x9;
	(pc) =	sbr.rel .LBB2_1-.Ltmp0, $4  }
0x8: {  	s6 =	simm.s32 $0x2;
	s7 =	simm.s32 @!p0 $0x0;
	p0 =	sne.s32 s5, $0x8  }
0x9: {  	[sflag:s6] =	ssyncpa.u1 $0x0;
	s5 =	smul.u32 $0x1F40, s5;
	s9 =	simm.s32 @!p0 $0x0  }
0xa: {  	s8 =	sadd.s32 $0x23000, s8;
	[sflag:s10] =	ssyncpa.u1 $0x0;
	s7 =	sadd.s32 s9, s7  }
0xb: {  	vm0 =	vmmov $0xffff;
	s10 =	simm.s32 $0x0;
	s11 =	smov.u32 s5;
	s9 =	sadd.s32 $0x1, s7  }
.LBB2_4:
0xc: {  	v2 =	vnsel vm1, $0x0, v2  }
0xd: {  	vm1 =	vgt.s32 v0, $0x0;
	v2 =	vmin.u32 v2, $0x4E1FF  }
0xe: {  	v0 =	vnsel vm1, $0x0, v0  }
0xf: {  	v0 =	vmin.u32 v0, $0x4E1FF  }
0x10: {  	[tilespmem:s18], [sflag:$0x1] =	stream.indirect_vreg.gather [hbm4b:s2+s10], $0x1, v1, vm0, $0x4038;
	[tilespmem:$0x7D00] =	vst v63  }
0x11: {  	(ifvalue) =	ssetifvalue $0x7FFFFFFF  }
0x12: {  	[tilespmem:s15], [sflag:$0x1] =	stream.indirect_vreg.gather [hbm4b:s2+s10], $0x1, v2, vm0, $0x4038;
	[tilespmem:$0x7D00] =	vst v63  }
0x13: {  	s29 =	sadd.s32 $0x10, s15;
	(ifvalue) =	ssetifvalue $0x7FFFFFFF  }
0x14: {  	[tilespmem:s29], [sflag:$0x1] =	stream.indirect_vreg.gather [hbm4b:s2+s10], $0x1, v0, vm0, $0x4038;
	[tilespmem:$0x7D00] =	vst v63  }
0x15: {  	_ =	swait.ge [sflag:s4], $0x1F40  }
0x16: {  	s30 =	sshrl.u32 s13, $0x3;
	[sflag:s4] =	ssyncset.done $0x0  }
0x17: {  	s31 =	sand.u32 $0x7, s13;
	s15 =	sadd.s32 s8, s30;
	[sflag:s4] =	ssyncadd.s32 $0xFFFFE0C0  }
0x18: {  	[hbm4b:s15+s31] =	stream.linear.scatter [tilespmem:s14], [sflag:$0x3], $0x1F40, $0x38;
	[tilespmem:$0x7D00] =	vst v63  }
.LBB2_5:
0x19: {  	s15 =	sadd.s32 $0x3E800, s11  }
0x1a: {  	p1 =	sgt.s32 s15, $0x4E1FF  }
0x1b: {  	s15 =	smov.u32 @p1 s5;
	p1 =	sne.s32 s12, s9  }
.Ltmp1:
0x1c: {  	p0 =	slt.u32 s12, $0x2;
	(pc) =	sbr.rel @!p1 .LBB2_6-.Ltmp1, $4  }
0x1d: {  	s14 =	simm.s32 @!p0 $0x3  }
0x1e: {  	_ =	swait.ge @!p0 [sflag:s14], $0x1F40  }
0x1f: {  	s16 =	sadd.s32 $0x1, s12;
	s13 =	smov.u32 s11;
	[sflag:s14] =	ssyncset.done @!p0 $0x0  }
0x20: {  	s12 =	smov.u32 s16;
	s11 =	smov.u32 s15;
	[sflag:s14] =	ssyncadd.s32 @!p0 $0xFFFFE0C0  }
.LBB2_1:
0x21: {  	p0 =	sge.u32 s12, s7  }
0x22: {  	s14 =	sxor.u32 @!p0 $0x1, s12  }
0x23: {  	s14 =	smul.u32 @!p0 $0x7D00, s14  }
0x24: {  	s31 =	sadd.s32 $0xFFFFFFFF, s12;
	s15 =	sshrl.u32 @!p0 s11, $0x3  }
0x25: {  	s16 =	sand.u32 @!p0 $0x7, s11;
	s15 =	sadd.s32 @!p0 s3, s15;
	s14 =	sshra.s32 @!p0 s14, $0x2  }
0x26: {  	[tilespmem:s14], [sflag:$0x2] =	stream.linear.gather @!p0 [hbm4b:s15+s16], $0x1F40, $0x38;
	[tilespmem:$0x7D00] =	vst v63  }
0x27: {  	p0 =	sge.u32 s31, s7  }
.Ltmp2:
0x28: {  	_ = 	snop;
	(pc) =	sbr.rel @p0 .LBB2_5-.Ltmp2, $1  }
0x29: {  	_ =	sdelay $0x3  }
0x2a: {  	s14 =	sand.u32 $0x1, s12  }
0x2b: {  	_ =	swait.ge [sflag:s6], $0x1F40;
	p0 =	seq.s32 s14, $0x1;
	s14 =	simm.s32 $0x1F40  }
0x2c: {  	[sflag:s6] =	ssyncset.done $0x0;
	s14 =	simm.s32 @!p0 $0x0  }
0x2d: {  	[sflag:s6] =	ssyncadd.s32 $0xFFFFE0C0;
	(ifvalue) =	ssetifvalue $0x7FFFFFFF;
	v0 =	vld.msk [tilespmem:s14+$0x0 ss:$0x1], $0xffff;
	_ =	sdelay $0x4  }
0x2e: {  	s15 =	sadd.s32 $0x10, s14;
	vm1 =	vgt.s32 v0, $0x0  }
0x2f: {  	v2 =	vld.msk [tilespmem:s15+$0x0 ss:$0x1], $0xffff;
	v1 =	vnsel vm1, $0x0, v0  }
0x30: {  	v1 =	vmin.u32 v1, $0x4E1FF;
	_ =	sdelay $0x2  }
0x31: {  	s17 =	simm.s32 $0x20;
	s14 =	sadd.s32 $0x3E80, s14;
	s16 =	sadd.s32 $0x10, s15  }
0x32: {  	s15 =	sadd.s32 $0x10, s14;
	s18 =	smov.u32 s14;
	v0 =	vld.msk [tilespmem:s16+$0x0 ss:$0x1], $0xffff;
	vm1 =	vgt.s32 v2, $0x0;
	(ifvalue) =	ssetifvalue $0x7FFFFFFF  }
.LBB2_3:
0x33: {  	[tilespmem:s18], [sflag:$0x1] =	stream.indirect_vreg.gather [hbm4b:s2+s10], $0x1, v1, vm0, $0x4038;
	[tilespmem:$0x7D00] =	vst v63  }
0x34: {  	s17 =	sadd.s32 $0x10, s17  }
0x35: {  	v2 =	vnsel vm1, $0x0, v2;
	p0 =	slt.u32 s17, $0x1F30  }
.Ltmp3:
0x36: {  	s18 =	smov.u32 s15;
	v1 =	vmin.u32 v2, $0x4E1FF;
	(pc) =	sbr.rel @p0 .LBB2_3-.Ltmp3, $3  }
0x37: {  	_ =	sdelay $0x1  }
0x38: {  	s16 =	sadd.s32 $0x10, s16  }
0x39: {  	vm1 =	vgt.s32 v0, $0x0;
	s15 =	sadd.s32 $0x10, s15;
	v2 =	vmov v0;
	(ifvalue) =	ssetifvalue $0x7FFFFFFF;
	v0 =	vld.msk [tilespmem:s16+$0x0 ss:$0x1], $0xffff  }
.Ltmp4:
0x3a: {  	_ = 	snop;
	(pc) =	sbr.rel .LBB2_4-.Ltmp4, $1  }
0x3b: {  	_ =	sdelay $0x3  }
.LBB2_6:
0x3c: {  	_ =	sfence.sel $0x180000  }
0x3d: {  	s2 =	simm.s32 $0x2;
	[bflag:$0x0] =	sbarrier.arrive $0xFFFF  }
0x3e: {  	s30 =	simm.s32 $0x3;
	[sflag:s2] =	ssyncpa.u1 $0x1  }
0x3f: {  	s31 =	simm.s32 $0x1;
	[sflag:s30] =	ssyncpa.u1 $0x1  }
0x40: {  	[sflag:s31] =	ssyncpa.u1 $0x1  }
0x41: {  	p0 =	sne.s32 s1, $0x0;
	_ =	strace $0x90000047  }
0x42: {  	s0 =	sadd.s32 @!p0 $0x100000, s0;
	[bflag:$0x2] =	sbarrier.arrive $0xFFFF  }
0x43: {  	[sflag:s0] =	ssyncadd.tile.s32 @!p0 $0x1;
	_ =	shalt  }
.Lfunc_end2:
_tile_overlayer_lowered:
.L_overlay_start_2:
0x44: {  	(tag) =	ssettag $0x2  }
0x45: {  	s0 =	rddreg [dreg:$0x0];
	s2 =	stileid.u32  }
0x46: {  	s1 =	rddreg [dreg:$0x1];
	p0 =	sne.s32 s2, $0x0  }
0x47: {  	s3 =	rddreg [dreg:$0x2];
	[bflag:$0x3] =	sbarrier.arrive $0xFFFF;
	s2 =	simm.s32 @!p0 $0x1C01  }
0x48: {  	[timem:s3], [sflag:s2] =	dma.local @!p0 [hbm:s0], s1  }
0x49: {  	s0 =	simm.s32 @!p0 $0x1  }
0x4a: {  	_ =	swait.ge @!p0 [sflag:s0], s1  }
0x4b: {  	s1 =	ssub.s32 @!p0 $0x0, s1;
	[sflag:s0] =	ssyncset.done @!p0 $0x0  }
0x4c: {  	[sflag:s0] =	ssyncadd.s32 @!p0 s1  }
0x4d: {  	[bflag:$0x3] =	sbarrier.arrive $0xFFFF  }
0x4e: {  	_ =	shalt  }

// kernel: gather_offload_async_start
scs
__scs_entry_jumppad:
0x0: {  	(pc) =	sbr.rel $0x88, $3  }
0x1: {  	(tag) =	ssettag $0x0;
	lr =	simm.s32 $0x1  }
0x2: {  	[smem:$0x3F7C] =	sst lr;
	_ =	strace $0xD0000000  }
0x3: {  	_ = 	snop  }
0x4: {  	_ = 	snop  }
0x5: {  	_ = 	snop  }
0x6: {  	_ = 	snop  }
0x7: {  	_ = 	snop  }
__scs_overlays_trampoline_lowered:
0x8: {  	[smem:$0x3F8B] =	sst s0  }
0x9: {  	[smem:$0x3F8C] =	sst s1  }
0xa: {  	[smem:$0x3F8D] =	sst s2  }
0xb: {  	[smem:$0x3F8E] =	sst s3  }
0xc: {  	[smem:$0x3F8F] =	sst s4  }
0xd: {  	[smem:$0x3F90] =	sst s5  }
0xe: {  	[smem:$0x3F91] =	sst s6  }
0xf: {  	[smem:$0x3F92] =	sst s7  }
0x10: {  	[smem:$0x3F93] =	sst s8  }
0x11: {  	[smem:$0x3F94] =	sst s9;
	s0 =	simm.s32 @!p0 $0x0  }
0x12: {  	s1 =	sld [smem:$0x3F7A];
	s0 =	simm.s32 @p0 $0x1  }
0x13: {  	[smem:$0x3F95] =	sst s0;
	s0 =	simm.s32 @!p1 $0x0  }
0x14: {  	s2 =	sld [smem:$0x3F79];
	s0 =	simm.s32 @p1 $0x1  }
0x15: {  	[smem:$0x3F96] =	sst s0;
	s0 =	simm.s32 @!p2 $0x0  }
0x16: {  	s3 =	sld [smem:$0x3FDB];
	s0 =	simm.s32 @p2 $0x1  }
0x17: {  	s4 =	simm.s32 $0x1BF5;
	[smem:$0x3F98] =	sst s0  }
0x18: {  	s0 =	sld [smem:$0x3F7B];
	_ =	swait.ge [sflag:s4], $0x0  }
0x19: {  	s7 =	sld [smem:$0x3F7C]  }
0x1a: {  	s8 =	sadd.s32 $0xFFFFE003, lr  }
0x1b: {  	s9 =	sadd.s32 $0xFFFFFEF7, lr;
	s5 =	simm.s32 $0xFFFFFFFF;
	p2 =	slt.u32 s8, $0xFFFFF086  }
0x1c: {  	p1 =	slt.u32 s9, $0xF7A;
	s5 =	simm.s32 @!p2 $0x0  }
0x1d: {  	s5 =	simm.s32 @p1 $0x1;
	p0 =	seq.s32 s7, s2  }
0x1e: {  	s7 =	smul.u32 @!p0 $0xF7A, s2;
	p2 =	seq.s32 @!p0 s5, $0x0  }
0x1f: {  	s9 =	smul.u32 $0xF7A, s1;
	s8 =	simm.s32 @!p0 $0x1BF5;
	p2 =	por !p2, p0  }
0x20: {  	[sflag:s8] =	ssyncset.s32 @!p0 $0xFFFFF086;
	s6 =	sadd.s32 @!p0 s3, s7;
	s7 =	simm.s32 @!p0 $0x108  }
0x21: {  	s3 =	sadd.s32 s3, s9;
	s6 =	sadd.s32 @!p0 $0x88, s6;
	s7 =	simm.s32 @p2 $0x1082  }
0x22: {  	[simem:s7], [sflag:s8] =	dma.local @!p0 [hbm:s6], $0xF7A  }
0x23: {  	s9 =	sor.u32 $0xD0000000, s2;
	s6 =	simm.s32 $0x108;
	_ =	swait.ge @!p0 [sflag:s8], $0x0  }
0x24: {  	s3 =	sadd.s32 $0x88, s3;
	s6 =	simm.s32 @!p1 $0x1082;
	[sflag:s4] =	ssyncset.s32 $0xFFFFF086  }
0x25: {  	[simem:s6], [sflag:s4] =	dma.local [hbm:s3], $0xF7A  }
0x26: {  	[smem:$0x3F7C] =	sst s1;
	(tag) =	ssettag s2;
	_ =	strace s9  }
0x27: {  	s1 =	sld [smem:$0x3F8C]  }
0x28: {  	s2 =	sld [smem:$0x3F8D]  }
0x29: {  	s4 =	sld [smem:$0x3F8F]  }
0x2a: {  	p0 =	seq.s32 s5, $0x0;
	s5 =	sld [smem:$0x3F90]  }
0x2b: {  	s6 =	sld [smem:$0x3F91]  }
0x2c: {  	s7 =	sld [smem:$0x3F92]  }
0x2d: {  	s3 =	simm.s32 $0x108;
	s8 =	sld [smem:$0x3F93]  }
0x2e: {  	s3 =	simm.s32 @!p0 $0x1082;
	s9 =	sld [smem:$0x3F94]  }
0x2f: {  	lr =	sadd.s32 s0, s3;
	s0 =	sld [smem:$0x3F8B]  }
0x30: {  	s3 =	sld [smem:$0x3F8E]  }
0x31: {  	[smem:$0x3F97] =	sst s10  }
0x32: {  	s10 =	sld [smem:$0x3F95];
	_ =	sdelay $0x3  }
0x33: {  	p0 =	seq.s32 s10, $0x1;
	s10 =	sld [smem:$0x3F97];
	_ =	sdelay $0x3  }
0x34: {  	[smem:$0x3F97] =	sst s10  }
0x35: {  	s10 =	sld [smem:$0x3F96];
	_ =	sdelay $0x3  }
0x36: {  	p1 =	seq.s32 s10, $0x1;
	s10 =	sld [smem:$0x3F97];
	_ =	sdelay $0x3  }
0x37: {  	[smem:$0x3F97] =	sst s10  }
0x38: {  	s10 =	sld [smem:$0x3F98]  }
0x39: {  	_ = 	snop;
	(pc) =	sbr.ind lr, $3  }
0x3a: {  	_ = 	snop  }
0x3b: {  	_ = 	snop  }
0x3c: {  	p2 =	seq.s32 s10, $0x1;
	s10 =	sld [smem:$0x3F97]  }
0x3d: {  	_ =	shalt  }
0x3e: {  	_ =	shalt  }
0x3f: {  	_ =	shalt  }
0x40: {  	_ =	shalt  }
0x41: {  	_ =	shalt  }
0x42: {  	_ =	shalt  }
0x43: {  	_ =	shalt  }
0x44: {  	_ =	shalt  }
0x45: {  	_ =	shalt  }
0x46: {  	_ =	shalt  }
0x47: {  	_ =	shalt  }
0x48: {  	_ =	shalt  }
0x49: {  	_ =	shalt  }
0x4a: {  	_ =	shalt  }
0x4b: {  	_ =	shalt  }
0x4c: {  	_ =	shalt  }
0x4d: {  	_ =	shalt  }
0x4e: {  	_ =	shalt  }
0x4f: {  	_ =	shalt  }
0x50: {  	_ =	shalt  }
0x51: {  	_ =	shalt  }
0x52: {  	_ =	shalt  }
0x53: {  	_ =	shalt  }
0x54: {  	_ =	shalt  }
0x55: {  	_ =	shalt  }
0x56: {  	_ =	shalt  }
0x57: {  	_ =	shalt  }
0x58: {  	_ =	shalt  }
0x59: {  	_ =	shalt  }
0x5a: {  	_ =	shalt  }
0x5b: {  	_ =	shalt  }
0x5c: {  	_ =	shalt  }
0x5d: {  	_ =	shalt  }
0x5e: {  	_ =	shalt  }
0x5f: {  	_ =	shalt  }
0x60: {  	_ =	shalt  }
0x61: {  	_ =	shalt  }
0x62: {  	_ =	shalt  }
0x63: {  	_ =	shalt  }
0x64: {  	_ =	shalt  }
0x65: {  	_ =	shalt  }
0x66: {  	_ =	shalt  }
0x67: {  	_ =	shalt  }
0x68: {  	_ =	shalt  }
0x69: {  	_ =	shalt  }
0x6a: {  	_ =	shalt  }
0x6b: {  	_ =	shalt  }
0x6c: {  	_ =	shalt  }
0x6d: {  	_ =	shalt  }
0x6e: {  	_ =	shalt  }
0x6f: {  	_ =	shalt  }
0x70: {  	_ =	shalt  }
0x71: {  	_ =	shalt  }
0x72: {  	_ =	shalt  }
0x73: {  	_ =	shalt  }
0x74: {  	_ =	shalt  }
0x75: {  	_ =	shalt  }
0x76: {  	_ =	shalt  }
0x77: {  	_ =	shalt  }
0x78: {  	_ =	shalt  }
0x79: {  	_ =	shalt  }
0x7a: {  	_ =	shalt  }
0x7b: {  	_ =	shalt  }
0x7c: {  	_ =	shalt  }
0x7d: {  	_ =	shalt  }
0x7e: {  	_ =	shalt  }
0x7f: {  	_ =	shalt  }
0x80: {  	_ =	shalt  }
0x81: {  	_ =	shalt  }
0x82: {  	_ =	shalt  }
0x83: {  	_ =	shalt  }
0x84: {  	_ =	shalt  }
0x85: {  	_ =	shalt  }
0x86: {  	_ =	shalt  }
0x87: {  	_ =	shalt  }
.Lfunc_end0:
.L_simem_size_0:
called_computation_lowered:
.L_overlay_start_0:
0x88: {  	s2 =	sld [smem:$0x3FD9]  }
0x89: {  	s3 =	sld [smem:$0x3FFE];
	_ =	sdelay $0x1  }
0x8a: {  	s1 =	srdreg.scid  }
0x8b: {  	s0 =	sand.u32 $0x1, s1  }
0x8c: {  	s17 =	sshll.u32 s0, $0xA;
	s2 =	sadd.s32 s3, s2  }
0x8d: {  	s2 =	sadd.s32 s2, s17  }
0x8e: {  	[smem:$0x3FA3] =	sst s2  }
0x8f: {  	_ = 	snop  }
0x90: {  	(tm) =	ssettm $0x1  }
0x91: {  	s18 =	sld [smem:$0x3FFB];
	_ =	sdelay $0x3  }
0x92: {  	_ =	strace s18  }
0x93: {  	s2 =	sld [smem:$0x3FFC];
	_ =	sdelay $0x3  }
0x94: {  	_ =	strace s2  }
0x95: {  	s2 =	sld [smem:$0x3FFD];
	_ =	sdelay $0x3  }
0x96: {  	_ =	strace s2  }
0x97: {  	_ =	strace $0x8FFFFFFF  }
0x98: {  	s19 =	sld [smem:$0x3FDB];
	_ =	sdelay $0x1  }
0x99: {  	s20 =	simm.s32 $_scs_section_size  }
0x9a: {  	s4 =	simm.s32 $_size__tile_overlayer_lowered;
	s5 =	simm.s32 $_tile_overlayer_lowered  }
0x9b: {  	s6 =	simm.s32 $0x1BFF;
	s21 =	sshll.u32 s5, $0x1;
	s3 =	sadd.s32 s20, s19  }
0x9c: {  	s22 =	simm.s32 $0x0;
	s4 =	sshll.u32 s4, $0x1;
	s5 =	sadd.s32 s21, s3  }
0x9d: {  	[timem:s22], [sflag:s6] =	dma.local [hbm:s5], s4  }
0x9e: {  	_ =	swait.ge [sflag:s6], s4  }
0x9f: {  	s4 =	ssub.s32 $0x0, s4;
	[sflag:s6] =	ssyncset.done $0x0  }
0xa0: {  	[sflag:s6] =	ssyncadd.s32 s4;
	_ =	sdelay $0x1  }
0xa1: {  	s23 =	simm.s32 $0x1B8B  }
0xa2: {  	_ =	swait.ge [sflag:s23], $0x1  }
0xa3: {  	[sflag:s23] =	ssyncset.done $0x0  }
0xa4: {  	[sflag:s23] =	ssyncadd.s32 $0xFFFFFFFF  }
0xa5: {  	s4 =	sld [smem:$0x0]  }
0xa6: {  	s5 =	sand.u32 $0xFFFFFFFE, s1  }
0xa7: {  	p0 =	sne.s32 s1, s5  }
0xa8: {  	s5 =	sshll.u32 @p0 s5, $0xE  }
0xa9: {  	s5 =	sadd.s32 @p0 $0x11B8D, s5;
	s6 =	sshll.u32 @p0 s4, $0x11  }
0xaa: {  	s5 =	sor.u32 @p0 s6, s5  }
0xab: {  	[sflag:s5] =	ssyncadd.remote.s32 @p0 $0x1;
	_ =	sdelay $0x1  }
0xac: {  	s5 =	simm.s32 @p0 $0x1B8D  }
0xad: {  	_ =	swait.eq @p0 [sflag:s5], $0x1  }
0xae: {  	[sflag:s5] =	ssyncadd.s32 @p0 $0xFFFFFFFF  }
0xaf: {  	s6 =	sshll.u32 @!p0 s1, $0xE  }
0xb0: {  	s6 =	sor.u32 @!p0 $0x4000, s6;
	s5 =	simm.s32 @!p0 $0x1B8D  }
0xb1: {  	s4 =	sshll.u32 @!p0 s4, $0x11;
	s6 =	sadd.s32 @!p0 $0x11B8D, s6;
	_ =	swait.eq @!p0 [sflag:s5], $0x1  }
0xb2: {  	s4 =	sor.u32 @!p0 s4, s6;
	[sflag:s5] =	ssyncadd.s32 @!p0 $0xFFFFFFFF  }
0xb3: {  	s25 =	simm.s32 $0x1B8E;
	s24 =	sld [smem:$0x3FFE];
	[sflag:s4] =	ssyncadd.remote.s32 @!p0 $0x1  }
0xb4: {  	s26 =	simm.s32 $execute0_lowered;
	[smem:$0x3FD2] =	sst s25  }
0xb5: {  	s5 =	sshll.u32 s26, $0x1;
	_ =	strace $0x80000049;
	[dreg:$0x1] =	wrdreg $0xFFFFFFFF  }
0xb6: {  	s28 =	simm.s32 $_size_execute0_lowered;
	s3 =	sadd.s32 s3, s5;
	[dreg:$0x0] =	wrdreg $0x0  }
0xb7: {  	s5 =	sshll.u32 s28, $0x1;
	[dreg:$0x2] =	wrdreg s3  }
0xb8: {  	[dreg:$0x3] =	wrdreg s5  }
0xb9: {  	[dreg:$0x4] =	wrdreg $0xC0  }
0xba: {  	_ =	task [dreg:s22], $0x5FFFF  }
0xbb: {  	[dreg:$0x1] =	wrdreg $0xFFFFFFFF  }
0xbc: {  	[dreg:$0x0] =	wrdreg $0x60  }
0xbd: {  	[dreg:$0x2] =	wrdreg s24  }
0xbe: {  	[dreg:$0x3] =	wrdreg $0x9  }
0xbf: {  	_ =	task.clear_ibuf [dreg:s22], $0x4FFFF;
	_ =	strace $0x90000049  }
0xc0: {  	s29 =	simm.s32 $0x9;
	_ =	strace $0x8000004B  }
0xc1: {  	_ =	swait.ge [sflag:s29], $0x1  }
0xc2: {  	[sflag:s29] =	ssyncadd.s32 $0xFFFFFFFF  }
0xc3: {  	_ =	strace $0x9000004B  }
0xc4: {  	_ =	sfence  }
0xc5: {  	s30 =	sld [smem:$0x0];
	_ =	sdelay $0x2  }
0xc6: {  	s31 =	sshll.u32 s1, $0xD;
	s1 =	sshrl.u32 s1, $0x2  }
0xc7: {  	s4 =	sand.u32 $0x4000, s31;
	s1 =	sadd.s32 s1, s30  }
0xc8: {  	s0 =	sor.u32 s4, s0;
	s1 =	sshll.u32 s1, $0x11  }
0xc9: {  	s0 =	sor.u32 s1, s0  }
0xca: {  	s0 =	sadd.s32 $0x8F2B, s0  }
0xcb: {  	[sflag:s0] =	ssyncadd.remote.s32 $0x1  }
0xcc: {  	_ =	sfence.sel $0xFFFF  }
0xcd: {  	[dreg:$0x0] =	wrdreg $0xFFFFFFFF;
	(pc) =	sbr.abs _section_cstart, $3  }
0xce: {  	[dreg:$0x1] =	wrdreg $0xFFFFFFFF  }
0xcf: {  	_ =	task.clear_ibuf [dreg:s22], $0x2FFFF;
	_ =	strace $0x9FFFFFFF  }
0xd0: {  	(tm) =	ssettm $0x7FFFFFFF  }
0xd1: {  	_ =	shalt  }
tec
execute0_lowered:
.L_overlay_start_1:
0x0: {  	(tag) =	ssettag $0x1  }
0x1: {  	s8 =	rddreg [dreg:$0x0]  }
0x2: {  	s0 =	rddreg [dreg:$0x1];
	_ =	strace $0x8000004A;
	s1 =	stileid.u32  }
0x3: {  	s3 =	srdreg.scid;
	s4 =	simm.s32 $0x1;
	s7 =	simm.s32 $0x1  }
0x4: {  	s9 =	simm.s32 $0x1;
	s10 =	simm.s32 $0x3;
	s13 =	simm.s32 $0x0  }
0x5: {  	s12 =	simm.s32 $0x0;
	s5 =	sand.u32 $0x1, s3;
	s6 =	sshll.u32 s1, $0x1  }
0x6: {  	s2 =	sadd.s32 $0x5600, s8;
	s3 =	sadd.s32 $0x19200, s8;
	s5 =	sor.u32 s6, s5  }
.Ltmp0:
0x7: {  	[sflag:s4] =	ssyncpa.u1 $0x0;
	p0 =	slt.u32 s5, $0x9;
	(pc) =	sbr.rel .LBB2_1-.Ltmp0, $4  }
0x8: {  	s6 =	simm.s32 $0x2;
	s7 =	simm.s32 @!p0 $0x0;
	p0 =	sne.s32 s5, $0x8  }
0x9: {  	[sflag:s6] =	ssyncpa.u1 $0x0;
	s5 =	smul.u32 $0x1F40, s5;
	s9 =	simm.s32 @!p0 $0x0  }
0xa: {  	s8 =	sadd.s32 $0x2CE00, s8;
	[sflag:s10] =	ssyncpa.u1 $0x0;
	s7 =	sadd.s32 s9, s7  }
0xb: {  	vm0 =	vmmov $0xffff;
	s10 =	simm.s32 $0x0;
	s11 =	smov.u32 s5;
	s9 =	sadd.s32 $0x1, s7  }
.LBB2_4:
0xc: {  	v2 =	vnsel vm1, $0x0, v2  }
0xd: {  	vm1 =	vgt.s32 v0, $0x0;
	v2 =	vmin.u32 v2, $0x4E1FF  }
0xe: {  	v0 =	vnsel vm1, $0x0, v0  }
0xf: {  	v0 =	vmin.u32 v0, $0x4E1FF  }
0x10: {  	[tilespmem:s18], [sflag:$0x1] =	stream.indirect_vreg.gather [hbm4b:s2+s10], $0x1, v1, vm0, $0x4038;
	[tilespmem:$0x7D00] =	vst v63  }
0x11: {  	(ifvalue) =	ssetifvalue $0x7FFFFFFF  }
0x12: {  	[tilespmem:s15], [sflag:$0x1] =	stream.indirect_vreg.gather [hbm4b:s2+s10], $0x1, v2, vm0, $0x4038;
	[tilespmem:$0x7D00] =	vst v63  }
0x13: {  	s29 =	sadd.s32 $0x10, s15;
	(ifvalue) =	ssetifvalue $0x7FFFFFFF  }
0x14: {  	[tilespmem:s29], [sflag:$0x1] =	stream.indirect_vreg.gather [hbm4b:s2+s10], $0x1, v0, vm0, $0x4038;
	[tilespmem:$0x7D00] =	vst v63  }
0x15: {  	_ =	swait.ge [sflag:s4], $0x1F40  }
0x16: {  	s30 =	sshrl.u32 s13, $0x3;
	[sflag:s4] =	ssyncset.done $0x0  }
0x17: {  	s31 =	sand.u32 $0x7, s13;
	s15 =	sadd.s32 s8, s30;
	[sflag:s4] =	ssyncadd.s32 $0xFFFFE0C0  }
0x18: {  	[hbm4b:s15+s31] =	stream.linear.scatter [tilespmem:s14], [sflag:$0x3], $0x1F40, $0x38;
	[tilespmem:$0x7D00] =	vst v63  }
.LBB2_5:
0x19: {  	s15 =	sadd.s32 $0x3E800, s11  }
0x1a: {  	p1 =	sgt.s32 s15, $0x4E1FF  }
0x1b: {  	s15 =	smov.u32 @p1 s5;
	p1 =	sne.s32 s12, s9  }
.Ltmp1:
0x1c: {  	p0 =	slt.u32 s12, $0x2;
	(pc) =	sbr.rel @!p1 .LBB2_6-.Ltmp1, $4  }
0x1d: {  	s14 =	simm.s32 @!p0 $0x3  }
0x1e: {  	_ =	swait.ge @!p0 [sflag:s14], $0x1F40  }
0x1f: {  	s16 =	sadd.s32 $0x1, s12;
	s13 =	smov.u32 s11;
	[sflag:s14] =	ssyncset.done @!p0 $0x0  }
0x20: {  	s12 =	smov.u32 s16;
	s11 =	smov.u32 s15;
	[sflag:s14] =	ssyncadd.s32 @!p0 $0xFFFFE0C0  }
.LBB2_1:
0x21: {  	p0 =	sge.u32 s12, s7  }
0x22: {  	s14 =	sxor.u32 @!p0 $0x1, s12  }
0x23: {  	s14 =	smul.u32 @!p0 $0x7D00, s14  }
0x24: {  	s31 =	sadd.s32 $0xFFFFFFFF, s12;
	s15 =	sshrl.u32 @!p0 s11, $0x3  }
0x25: {  	s16 =	sand.u32 @!p0 $0x7, s11;
	s15 =	sadd.s32 @!p0 s3, s15;
	s14 =	sshra.s32 @!p0 s14, $0x2  }
0x26: {  	[tilespmem:s14], [sflag:$0x2] =	stream.linear.gather @!p0 [hbm4b:s15+s16], $0x1F40, $0x38;
	[tilespmem:$0x7D00] =	vst v63  }
0x27: {  	p0 =	sge.u32 s31, s7  }
.Ltmp2:
0x28: {  	_ = 	snop;
	(pc) =	sbr.rel @p0 .LBB2_5-.Ltmp2, $1  }
0x29: {  	_ =	sdelay $0x3  }
0x2a: {  	s14 =	sand.u32 $0x1, s12  }
0x2b: {  	_ =	swait.ge [sflag:s6], $0x1F40;
	p0 =	seq.s32 s14, $0x1;
	s14 =	simm.s32 $0x1F40  }
0x2c: {  	[sflag:s6] =	ssyncset.done $0x0;
	s14 =	simm.s32 @!p0 $0x0  }
0x2d: {  	[sflag:s6] =	ssyncadd.s32 $0xFFFFE0C0;
	(ifvalue) =	ssetifvalue $0x7FFFFFFF;
	v0 =	vld.msk [tilespmem:s14+$0x0 ss:$0x1], $0xffff;
	_ =	sdelay $0x4  }
0x2e: {  	s15 =	sadd.s32 $0x10, s14;
	vm1 =	vgt.s32 v0, $0x0  }
0x2f: {  	v2 =	vld.msk [tilespmem:s15+$0x0 ss:$0x1], $0xffff;
	v1 =	vnsel vm1, $0x0, v0  }
0x30: {  	v1 =	vmin.u32 v1, $0x4E1FF;
	_ =	sdelay $0x2  }
0x31: {  	s17 =	simm.s32 $0x20;
	s14 =	sadd.s32 $0x3E80, s14;
	s16 =	sadd.s32 $0x10, s15  }
0x32: {  	s15 =	sadd.s32 $0x10, s14;
	s18 =	smov.u32 s14;
	v0 =	vld.msk [tilespmem:s16+$0x0 ss:$0x1], $0xffff;
	vm1 =	vgt.s32 v2, $0x0;
	(ifvalue) =	ssetifvalue $0x7FFFFFFF  }
.LBB2_3:
0x33: {  	[tilespmem:s18], [sflag:$0x1] =	stream.indirect_vreg.gather [hbm4b:s2+s10], $0x1, v1, vm0, $0x4038;
	[tilespmem:$0x7D00] =	vst v63  }
0x34: {  	s17 =	sadd.s32 $0x10, s17  }
0x35: {  	v2 =	vnsel vm1, $0x0, v2;
	p0 =	slt.u32 s17, $0x1F30  }
.Ltmp3:
0x36: {  	s18 =	smov.u32 s15;
	v1 =	vmin.u32 v2, $0x4E1FF;
	(pc) =	sbr.rel @p0 .LBB2_3-.Ltmp3, $3  }
0x37: {  	_ =	sdelay $0x1  }
0x38: {  	s16 =	sadd.s32 $0x10, s16  }
0x39: {  	vm1 =	vgt.s32 v0, $0x0;
	s15 =	sadd.s32 $0x10, s15;
	v2 =	vmov v0;
	(ifvalue) =	ssetifvalue $0x7FFFFFFF;
	v0 =	vld.msk [tilespmem:s16+$0x0 ss:$0x1], $0xffff  }
.Ltmp4:
0x3a: {  	_ = 	snop;
	(pc) =	sbr.rel .LBB2_4-.Ltmp4, $1  }
0x3b: {  	_ =	sdelay $0x3  }
.LBB2_6:
0x3c: {  	_ =	sfence.sel $0x180000  }
0x3d: {  	s2 =	simm.s32 $0x2;
	[bflag:$0x0] =	sbarrier.arrive $0xFFFF  }
0x3e: {  	s30 =	simm.s32 $0x3;
	[sflag:s2] =	ssyncpa.u1 $0x1  }
0x3f: {  	s31 =	simm.s32 $0x1;
	[sflag:s30] =	ssyncpa.u1 $0x1  }
0x40: {  	[sflag:s31] =	ssyncpa.u1 $0x1  }
0x41: {  	p0 =	sne.s32 s1, $0x0;
	_ =	strace $0x9000004A  }
0x42: {  	s0 =	sadd.s32 @!p0 $0x100000, s0;
	[bflag:$0x2] =	sbarrier.arrive $0xFFFF  }
0x43: {  	[sflag:s0] =	ssyncadd.tile.s32 @!p0 $0x1;
	_ =	shalt  }
.Lfunc_end2:
_tile_overlayer_lowered:
.L_overlay_start_2:
0x44: {  	(tag) =	ssettag $0x2  }
0x45: {  	s0 =	rddreg [dreg:$0x0];
	s2 =	stileid.u32  }
0x46: {  	s1 =	rddreg [dreg:$0x1];
	p0 =	sne.s32 s2, $0x0  }
0x47: {  	s3 =	rddreg [dreg:$0x2];
	[bflag:$0x3] =	sbarrier.arrive $0xFFFF;
	s2 =	simm.s32 @!p0 $0x1C01  }
0x48: {  	[timem:s3], [sflag:s2] =	dma.local @!p0 [hbm:s0], s1  }
0x49: {  	s0 =	simm.s32 @!p0 $0x1  }
0x4a: {  	_ =	swait.ge @!p0 [sflag:s0], s1  }
0x4b: {  	s1 =	ssub.s32 @!p0 $0x0, s1;
	[sflag:s0] =	ssyncset.done @!p0 $0x0  }
0x4c: {  	[sflag:s0] =	ssyncadd.s32 @!p0 s1  }
0x4d: {  	[bflag:$0x3] =	sbarrier.arrive $0xFFFF  }
0x4e: {  	_ =	shalt  }

// kernel: kernel.12.cloned.1.call-start
scs
__scs_entry_jumppad:
0x0: {  	(pc) =	sbr.rel $0x88, $3  }
0x1: {  	(tag) =	ssettag $0x0;
	lr =	simm.s32 $0x1  }
0x2: {  	[smem:$0x3F7C] =	sst lr;
	_ =	strace $0xD0000000  }
0x3: {  	_ = 	snop  }
0x4: {  	_ = 	snop  }
0x5: {  	_ = 	snop  }
0x6: {  	_ = 	snop  }
0x7: {  	_ = 	snop  }
__scs_overlays_trampoline_lowered:
0x8: {  	[smem:$0x3F8B] =	sst s0  }
0x9: {  	[smem:$0x3F8C] =	sst s1  }
0xa: {  	[smem:$0x3F8D] =	sst s2  }
0xb: {  	[smem:$0x3F8E] =	sst s3  }
0xc: {  	[smem:$0x3F8F] =	sst s4  }
0xd: {  	[smem:$0x3F90] =	sst s5  }
0xe: {  	[smem:$0x3F91] =	sst s6  }
0xf: {  	[smem:$0x3F92] =	sst s7  }
0x10: {  	[smem:$0x3F93] =	sst s8  }
0x11: {  	[smem:$0x3F94] =	sst s9;
	s0 =	simm.s32 @!p0 $0x0  }
0x12: {  	s1 =	sld [smem:$0x3F7A];
	s0 =	simm.s32 @p0 $0x1  }
0x13: {  	[smem:$0x3F95] =	sst s0;
	s0 =	simm.s32 @!p1 $0x0  }
0x14: {  	s2 =	sld [smem:$0x3F79];
	s0 =	simm.s32 @p1 $0x1  }
0x15: {  	[smem:$0x3F96] =	sst s0;
	s0 =	simm.s32 @!p2 $0x0  }
0x16: {  	s3 =	sld [smem:$0x3FDB];
	s0 =	simm.s32 @p2 $0x1  }
0x17: {  	s4 =	simm.s32 $0x1BF5;
	[smem:$0x3F98] =	sst s0  }
0x18: {  	s0 =	sld [smem:$0x3F7B];
	_ =	swait.ge [sflag:s4], $0x0  }
0x19: {  	s7 =	sld [smem:$0x3F7C]  }
0x1a: {  	s8 =	sadd.s32 $0xFFFFE003, lr  }
0x1b: {  	s9 =	sadd.s32 $0xFFFFFEF7, lr;
	s5 =	simm.s32 $0xFFFFFFFF;
	p2 =	slt.u32 s8, $0xFFFFF086  }
0x1c: {  	p1 =	slt.u32 s9, $0xF7A;
	s5 =	simm.s32 @!p2 $0x0  }
0x1d: {  	s5 =	simm.s32 @p1 $0x1;
	p0 =	seq.s32 s7, s2  }
0x1e: {  	s7 =	smul.u32 @!p0 $0xF7A, s2;
	p2 =	seq.s32 @!p0 s5, $0x0  }
0x1f: {  	s9 =	smul.u32 $0xF7A, s1;
	s8 =	simm.s32 @!p0 $0x1BF5;
	p2 =	por !p2, p0  }
0x20: {  	[sflag:s8] =	ssyncset.s32 @!p0 $0xFFFFF086;
	s6 =	sadd.s32 @!p0 s3, s7;
	s7 =	simm.s32 @!p0 $0x108  }
0x21: {  	s3 =	sadd.s32 s3, s9;
	s6 =	sadd.s32 @!p0 $0x88, s6;
	s7 =	simm.s32 @p2 $0x1082  }
0x22: {  	[simem:s7], [sflag:s8] =	dma.local @!p0 [hbm:s6], $0xF7A  }
0x23: {  	s9 =	sor.u32 $0xD0000000, s2;
	s6 =	simm.s32 $0x108;
	_ =	swait.ge @!p0 [sflag:s8], $0x0  }
0x24: {  	s3 =	sadd.s32 $0x88, s3;
	s6 =	simm.s32 @!p1 $0x1082;
	[sflag:s4] =	ssyncset.s32 $0xFFFFF086  }
0x25: {  	[simem:s6], [sflag:s4] =	dma.local [hbm:s3], $0xF7A  }
0x26: {  	[smem:$0x3F7C] =	sst s1;
	(tag) =	ssettag s2;
	_ =	strace s9  }
0x27: {  	s1 =	sld [smem:$0x3F8C]  }
0x28: {  	s2 =	sld [smem:$0x3F8D]  }
0x29: {  	s4 =	sld [smem:$0x3F8F]  }
0x2a: {  	p0 =	seq.s32 s5, $0x0;
	s5 =	sld [smem:$0x3F90]  }
0x2b: {  	s6 =	sld [smem:$0x3F91]  }
0x2c: {  	s7 =	sld [smem:$0x3F92]  }
0x2d: {  	s3 =	simm.s32 $0x108;
	s8 =	sld [smem:$0x3F93]  }
0x2e: {  	s3 =	simm.s32 @!p0 $0x1082;
	s9 =	sld [smem:$0x3F94]  }
0x2f: {  	lr =	sadd.s32 s0, s3;
	s0 =	sld [smem:$0x3F8B]  }
0x30: {  	s3 =	sld [smem:$0x3F8E]  }
0x31: {  	[smem:$0x3F97] =	sst s10  }
0x32: {  	s10 =	sld [smem:$0x3F95];
	_ =	sdelay $0x3  }
0x33: {  	p0 =	seq.s32 s10, $0x1;
	s10 =	sld [smem:$0x3F97];
	_ =	sdelay $0x3  }
0x34: {  	[smem:$0x3F97] =	sst s10  }
0x35: {  	s10 =	sld [smem:$0x3F96];
	_ =	sdelay $0x3  }
0x36: {  	p1 =	seq.s32 s10, $0x1;
	s10 =	sld [smem:$0x3F97];
	_ =	sdelay $0x3  }
0x37: {  	[smem:$0x3F97] =	sst s10  }
0x38: {  	s10 =	sld [smem:$0x3F98]  }
0x39: {  	_ = 	snop;
	(pc) =	sbr.ind lr, $3  }
0x3a: {  	_ = 	snop  }
0x3b: {  	_ = 	snop  }
0x3c: {  	p2 =	seq.s32 s10, $0x1;
	s10 =	sld [smem:$0x3F97]  }
0x3d: {  	_ =	shalt  }
0x3e: {  	_ =	shalt  }
0x3f: {  	_ =	shalt  }
0x40: {  	_ =	shalt  }
0x41: {  	_ =	shalt  }
0x42: {  	_ =	shalt  }
0x43: {  	_ =	shalt  }
0x44: {  	_ =	shalt  }
0x45: {  	_ =	shalt  }
0x46: {  	_ =	shalt  }
0x47: {  	_ =	shalt  }
0x48: {  	_ =	shalt  }
0x49: {  	_ =	shalt  }
0x4a: {  	_ =	shalt  }
0x4b: {  	_ =	shalt  }
0x4c: {  	_ =	shalt  }
0x4d: {  	_ =	shalt  }
0x4e: {  	_ =	shalt  }
0x4f: {  	_ =	shalt  }
0x50: {  	_ =	shalt  }
0x51: {  	_ =	shalt  }
0x52: {  	_ =	shalt  }
0x53: {  	_ =	shalt  }
0x54: {  	_ =	shalt  }
0x55: {  	_ =	shalt  }
0x56: {  	_ =	shalt  }
0x57: {  	_ =	shalt  }
0x58: {  	_ =	shalt  }
0x59: {  	_ =	shalt  }
0x5a: {  	_ =	shalt  }
0x5b: {  	_ =	shalt  }
0x5c: {  	_ =	shalt  }
0x5d: {  	_ =	shalt  }
0x5e: {  	_ =	shalt  }
0x5f: {  	_ =	shalt  }
0x60: {  	_ =	shalt  }
0x61: {  	_ =	shalt  }
0x62: {  	_ =	shalt  }
0x63: {  	_ =	shalt  }
0x64: {  	_ =	shalt  }
0x65: {  	_ =	shalt  }
0x66: {  	_ =	shalt  }
0x67: {  	_ =	shalt  }
0x68: {  	_ =	shalt  }
0x69: {  	_ =	shalt  }
0x6a: {  	_ =	shalt  }
0x6b: {  	_ =	shalt  }
0x6c: {  	_ =	shalt  }
0x6d: {  	_ =	shalt  }
0x6e: {  	_ =	shalt  }
0x6f: {  	_ =	shalt  }
0x70: {  	_ =	shalt  }
0x71: {  	_ =	shalt  }
0x72: {  	_ =	shalt  }
0x73: {  	_ =	shalt  }
0x74: {  	_ =	shalt  }
0x75: {  	_ =	shalt  }
0x76: {  	_ =	shalt  }
0x77: {  	_ =	shalt  }
0x78: {  	_ =	shalt  }
0x79: {  	_ =	shalt  }
0x7a: {  	_ =	shalt  }
0x7b: {  	_ =	shalt  }
0x7c: {  	_ =	shalt  }
0x7d: {  	_ =	shalt  }
0x7e: {  	_ =	shalt  }
0x7f: {  	_ =	shalt  }
0x80: {  	_ =	shalt  }
0x81: {  	_ =	shalt  }
0x82: {  	_ =	shalt  }
0x83: {  	_ =	shalt  }
0x84: {  	_ =	shalt  }
0x85: {  	_ =	shalt  }
0x86: {  	_ =	shalt  }
0x87: {  	_ =	shalt  }
.Lfunc_end0:
.L_simem_size_0:
called_computation.2_lowered:
.L_overlay_start_0:
0x88: {  	s2 =	sld [smem:$0x3FD9]  }
0x89: {  	s3 =	sld [smem:$0x3FFE];
	_ =	sdelay $0x1  }
0x8a: {  	s1 =	srdreg.scid  }
0x8b: {  	s0 =	sand.u32 $0x1, s1  }
0x8c: {  	s17 =	sshll.u32 s0, $0xA;
	s2 =	sadd.s32 s3, s2  }
0x8d: {  	s2 =	sadd.s32 s2, s17  }
0x8e: {  	[smem:$0x3FA3] =	sst s2  }
0x8f: {  	_ = 	snop  }
0x90: {  	s2 =	sld [smem:$0x3FC9];
	(tm) =	ssettm $0x1  }
0x91: {  	s18 =	sld [smem:$0x3FFB];
	_ =	sdelay $0x3  }
0x92: {  	_ =	strace s18  }
0x93: {  	s3 =	sld [smem:$0x3FFC];
	_ =	sdelay $0x3  }
0x94: {  	_ =	strace s3  }
0x95: {  	s3 =	sld [smem:$0x3FFD];
	_ =	sdelay $0x3  }
0x96: {  	_ =	strace s3  }
0x97: {  	_ =	strace $0x8FFFFFFF  }
0x98: {  	s19 =	sld [smem:$0x3FDB];
	_ =	sdelay $0x1  }
0x99: {  	s4 =	simm.s32 $_scs_section_size  }
0x9a: {  	s5 =	simm.s32 $_size__tile_overlayer_lowered;
	s6 =	simm.s32 $_tile_overlayer_lowered  }
0x9b: {  	s22 =	simm.s32 $0x1BFF;
	s21 =	sshll.u32 s6, $0x1;
	s3 =	sadd.s32 s4, s19  }
0x9c: {  	s7 =	simm.s32 $0x0;
	s20 =	sshll.u32 s5, $0x1;
	s5 =	sadd.s32 s21, s3  }
0x9d: {  	[timem:s7], [sflag:s22] =	dma.local [hbm:s5], s20  }
0x9e: {  	_ =	swait.ge [sflag:s22], s20  }
0x9f: {  	s4 =	ssub.s32 $0x0, s20;
	[sflag:s22] =	ssyncset.done $0x0  }
0xa0: {  	[sflag:s22] =	ssyncadd.s32 s4;
	_ =	sdelay $0x1  }
0xa1: {  	s23 =	simm.s32 $0x1B8B  }
0xa2: {  	_ =	swait.ge [sflag:s23], $0x1  }
0xa3: {  	[sflag:s23] =	ssyncset.done $0x0  }
0xa4: {  	s25 =	simm.s32 $0x1B8E;
	s24 =	sld [smem:$0x3FFE];
	[sflag:s23] =	ssyncadd.s32 $0xFFFFFFFF  }
0xa5: {  	s26 =	simm.s32 $execute0_lowered;
	[smem:$0x3FD2] =	sst s25  }
0xa6: {  	s5 =	sshll.u32 s26, $0x1;
	_ =	strace $0x8000004C;
	[dreg:$0x1] =	wrdreg $0xFFFFFFFF  }
0xa7: {  	s28 =	simm.s32 $_size_execute0_lowered;
	s3 =	sadd.s32 s3, s5;
	[dreg:$0x0] =	wrdreg $0x0  }
0xa8: {  	s5 =	sshll.u32 s28, $0x1;
	[dreg:$0x2] =	wrdreg s3  }
0xa9: {  	[dreg:$0x3] =	wrdreg s5  }
0xaa: {  	[dreg:$0x4] =	wrdreg $0xC0  }
0xab: {  	_ =	task [dreg:s7], $0x5FFFF  }
0xac: {  	[dreg:$0x1] =	wrdreg $0xFFFFFFFF  }
0xad: {  	[dreg:$0x0] =	wrdreg $0x60  }
0xae: {  	[dreg:$0x2] =	wrdreg s2  }
0xaf: {  	[dreg:$0x3] =	wrdreg s24  }
0xb0: {  	[dreg:$0x4] =	wrdreg $0x45000  }
0xb1: {  	[dreg:$0x5] =	wrdreg $0x9  }
0xb2: {  	_ =	task.clear_ibuf [dreg:s7], $0x6FFFF;
	_ =	strace $0x9000004C  }
0xb3: {  	s29 =	simm.s32 $0x9;
	_ =	strace $0x8000004E  }
0xb4: {  	_ =	swait.ge [sflag:s29], $0x1  }
0xb5: {  	[sflag:s29] =	ssyncadd.s32 $0xFFFFFFFF  }
0xb6: {  	_ =	strace $0x9000004E  }
0xb7: {  	_ =	sfence  }
0xb8: {  	s30 =	sld [smem:$0x0];
	_ =	sdelay $0x2  }
0xb9: {  	s31 =	sshll.u32 s1, $0xD;
	s1 =	sshrl.u32 s1, $0x2  }
0xba: {  	s3 =	sand.u32 $0x4000, s31;
	s1 =	sadd.s32 s1, s30  }
0xbb: {  	s0 =	sor.u32 s3, s0;
	s1 =	sshll.u32 s1, $0x11  }
0xbc: {  	s0 =	sor.u32 s1, s0  }
0xbd: {  	s0 =	sadd.s32 $0x8F2B, s0  }
0xbe: {  	[sflag:s0] =	ssyncadd.remote.s32 $0x1  }
0xbf: {  	_ =	sfence.sel $0xFFFF  }
0xc0: {  	[dreg:$0x0] =	wrdreg $0xFFFFFFFF;
	(pc) =	sbr.abs _section_cstart, $3  }
0xc1: {  	[dreg:$0x1] =	wrdreg $0xFFFFFFFF  }
0xc2: {  	_ =	task.clear_ibuf [dreg:s7], $0x2FFFF;
	_ =	strace $0x9FFFFFFF  }
0xc3: {  	(tm) =	ssettm $0x7FFFFFFF  }
tec
execute0_lowered:
.L_overlay_start_1:
0x0: {  	(tag) =	ssettag $0x1  }
0x1: {  	s1 =	rddreg [dreg:$0x0]  }
0x2: {  	s5 =	rddreg [dreg:$0x1]  }
0x3: {  	s0 =	srdreg.scid;
	s3 =	rddreg [dreg:$0x2]  }
0x4: {  	s2 =	rddreg [dreg:$0x3];
	s4 =	simm.s32 $0x0;
	s6 =	sand.u32 $0x1, s0  }
0x5: {  	s12 =	simm.s32 $0x80;
	s0 =	stileid.u32;
	s7 =	smul.u32 $0x27800, s6  }
0x6: {  	s13 =	simm.s32 $0x1;
	s14 =	simm.s32 $0x100;
	s8 =	smul.u32 $0x2780, s0  }
0x7: {  	s17 =	simm.s32 $0x0;
	[smem:$0x7FF] =	sst s4;
	s9 =	smul.u32 $0x13C000, s6  }
0x8: {  	s28 =	smul.u32 $0x13C00, s0;
	_ =	strace $0x8000004D;
	s6 =	ssub.s32 $0x2, s6  }
0x9: {  	s10 =	smul.u32 $0x4F000, s0;
	s15 =	sshll.u32 s0, $0x6;
	s30 =	sshrl.u32 s6, $0x1  }
0xa: {  	s15 =	sor.u32 $0x1C02, s15;
	s7 =	sadd.s32 s8, s7;
	s9 =	sadd.s32 s28, s9  }
0xb: {  	s31 =	sshrl.u32 s10, $0x2;
	s16 =	sadd.s32 s28, s3;
	s10 =	simm.s32 $0x4100  }
0xc: {  	s7 =	sshrl.u32 s7, $0x3;
	s29 =	sshrl.u32 s9, $0x3;
	s9 =	ssub.s32 s6, s30  }
0xd: {  	s16 =	sshrl.u32 s16, $0x3;
	s11 =	sadd.s32 s7, s5;
	s7 =	sadd.s32 s29, s5  }
0xe: {  	s5 =	sadd.s32 s31, s3;
	s6 =	sadd.s32 $0x40A00, s7;
	s7 =	smax.u32 s9, $0x1  }
0xf: {  	v0 =	vimm.f32 $0.0e+00;
	s8 =	sadd.s32 $0x36C00, s11;
	s9 =	sadd.s32 $0x5600, s11;
	s11 =	simm.s32 $0x2  }
.LBB2_1:
0x10: {  	[tilespmem:$0x4100] =	vst v0  }
0x11: {  	[tilespmem:$0x4110] =	vst v0  }
0x12: {  	[tilespmem:$0x4120] =	vst v0  }
0x13: {  	[tilespmem:$0x4130] =	vst v0  }
0x14: {  	[tilespmem:$0x4140] =	vst v0  }
0x15: {  	[tilespmem:$0x4150] =	vst v0  }
0x16: {  	[tilespmem:$0x4160] =	vst v0  }
0x17: {  	[tilespmem:$0x4170] =	vst v0  }
0x18: {  	[tilespmem:$0x4180] =	vst v0  }
0x19: {  	[tilespmem:$0x4190] =	vst v0  }
0x1a: {  	[tilespmem:$0x41A0] =	vst v0  }
0x1b: {  	[tilespmem:$0x41B0] =	vst v0  }
0x1c: {  	[tilespmem:$0x41C0] =	vst v0  }
0x1d: {  	[tilespmem:$0x41D0] =	vst v0  }
0x1e: {  	[tilespmem:$0x41E0] =	vst v0  }
0x1f: {  	[tilespmem:$0x41F0] =	vst v0  }
0x20: {  	[tilespmem:$0x4200] =	vst v0  }
0x21: {  	[tilespmem:$0x4210] =	vst v0  }
0x22: {  	[tilespmem:$0x4220] =	vst v0  }
0x23: {  	[tilespmem:$0x4230] =	vst v0  }
0x24: {  	[tilespmem:$0x4240] =	vst v0  }
0x25: {  	[tilespmem:$0x4250] =	vst v0  }
0x26: {  	[tilespmem:$0x4260] =	vst v0  }
0x27: {  	[tilespmem:$0x4270] =	vst v0  }
0x28: {  	[tilespmem:$0x4280] =	vst v0  }
0x29: {  	[tilespmem:$0x4290] =	vst v0  }
0x2a: {  	[tilespmem:$0x42A0] =	vst v0  }
0x2b: {  	[tilespmem:$0x42B0] =	vst v0  }
0x2c: {  	[tilespmem:$0x42C0] =	vst v0  }
0x2d: {  	[tilespmem:$0x42D0] =	vst v0  }
0x2e: {  	[tilespmem:$0x42E0] =	vst v0  }
0x2f: {  	[tilespmem:$0x42F0] =	vst v0  }
0x30: {  	[tilespmem:$0x4300] =	vst v0  }
0x31: {  	[tilespmem:$0x4310] =	vst v0  }
0x32: {  	[tilespmem:$0x4320] =	vst v0  }
0x33: {  	[tilespmem:$0x4330] =	vst v0  }
0x34: {  	[tilespmem:$0x4340] =	vst v0  }
0x35: {  	[tilespmem:$0x4350] =	vst v0  }
0x36: {  	[tilespmem:$0x4360] =	vst v0  }
0x37: {  	[tilespmem:$0x4370] =	vst v0  }
0x38: {  	[tilespmem:$0x4380] =	vst v0  }
0x39: {  	[tilespmem:$0x4390] =	vst v0  }
0x3a: {  	[tilespmem:$0x43A0] =	vst v0  }
0x3b: {  	[tilespmem:$0x43B0] =	vst v0  }
0x3c: {  	[tilespmem:$0x43C0] =	vst v0  }
0x3d: {  	[tilespmem:$0x43D0] =	vst v0  }
0x3e: {  	[tilespmem:$0x43E0] =	vst v0  }
0x3f: {  	[tilespmem:$0x43F0] =	vst v0  }
0x40: {  	[tilespmem:$0x4400] =	vst v0  }
0x41: {  	[tilespmem:$0x4410] =	vst v0  }
0x42: {  	[tilespmem:$0x4420] =	vst v0  }
0x43: {  	[tilespmem:$0x4430] =	vst v0  }
0x44: {  	[tilespmem:$0x4440] =	vst v0  }
0x45: {  	[tilespmem:$0x4450] =	vst v0  }
0x46: {  	[tilespmem:$0x4460] =	vst v0  }
0x47: {  	[tilespmem:$0x4470] =	vst v0  }
0x48: {  	[tilespmem:$0x4480] =	vst v0  }
0x49: {  	[tilespmem:$0x4490] =	vst v0  }
0x4a: {  	[tilespmem:$0x44A0] =	vst v0  }
0x4b: {  	[tilespmem:$0x44B0] =	vst v0  }
0x4c: {  	[tilespmem:$0x44C0] =	vst v0  }
0x4d: {  	[tilespmem:$0x44D0] =	vst v0  }
0x4e: {  	[tilespmem:$0x44E0] =	vst v0  }
0x4f: {  	[tilespmem:$0x44F0] =	vst v0;
	s18 =	sadd.s32 $0x0, s5  }
0x50: {  	[spmem:s18] =	stream.linear.scatter [tilespmem:s10], [sflag:$0x2], $0x400, $0x38;
	[tilespmem:$0x18100] =	vst v63  }
0x51: {  	s18 =	simm.s32 $0x1000;
	_ =	swait.ge [sflag:s11], $0x400  }
.LBB2_2:
0x52: {  	s19 =	sshra.s32 s18, $0x2;
	[sflag:s11] =	ssyncset.done $0x0;
	p0 =	sne.s32 s18, $0x4E000  }
.Ltmp0:
0x53: {  	s19 =	sadd.s32 s19, s5;
	[sflag:s11] =	ssyncadd.s32 $0xFFFFFC00;
	(pc) =	sbr.rel @p0 .LBB2_2-.Ltmp0, $3  }
0x54: {  	[spmem:s19] =	stream.linear.scatter [tilespmem:s10], [sflag:$0x2], $0x400, $0x38;
	[tilespmem:$0x18100] =	vst v63  }
0x55: {  	s18 =	sadd.s32 $0x1000, s18;
	_ =	sdelay $0x1  }
0x56: {  	_ =	swait.ge [sflag:s11], $0x400  }
0x57: {  	[sflag:s11] =	ssyncset.done $0x0  }
0x58: {  	[sflag:s11] =	ssyncadd.s32 $0xFFFFFC00  }
0x59: {  	s18 =	sadd.s32 $0x0, s9;
	[bflag:$0x0] =	sbarrier.arrive $0xFFFF  }
0x5a: {  	[tilespmem:s4], [sflag:$0x1] =	stream.linear.gather [hbm4b:s18+s4], $0x80, $0x38;
	[tilespmem:$0x18100] =	vst v63  }
0x5b: {  	s31 =	sadd.s32 $0x0, s8  }
0x5c: {  	[tilespmem:s12], [sflag:$0x1] =	stream.linear.gather [hbm4b:s31+s4], $0x80, $0x38;
	[tilespmem:$0x18100] =	vst v63  }
0x5d: {  	_ =	swait.ge [sflag:s13], $0x80  }
0x5e: {  	[sflag:s13] =	ssyncset.done $0x0  }
0x5f: {  	[sflag:s13] =	ssyncadd.s32 $0xFFFFFF80  }
0x60: {  	_ =	swait.ge [sflag:s13], $0x80  }
0x61: {  	[sflag:s13] =	ssyncset.done $0x0  }
0x62: {  	[sflag:s13] =	ssyncadd.s32 $0xFFFFFF80  }
0x63: {  	[tilespmem:s14], [sflag:$0x1] =	stream.indirect.gather [hbm4b:s1+s12], $0x80, s4, s12, $0xb8;
	[tilespmem:$0x18100] =	vst v63  }
0x64: {  	_ =	swait.ge [sflag:s13], $0x4000  }
0x65: {  	[sflag:s13] =	ssyncset.done $0x0  }
0x66: {  	[sflag:s13] =	ssyncadd.s32 $0xFFFFC000  }
0x67: {  	[spmem:s3] =	stream.indirect.scatter.add.f32 [tilespmem:s14], [sflag:$0x2], $0x80, s12, s12, $0xb8;
	[tilespmem:$0x18100] =	vst v63  }
0x68: {  	_ =	swait.ge [sflag:s11], $0x4000  }
0x69: {  	s19 =	simm.s32 $0x20;
	s18 =	simm.s32 $0x10;
	[sflag:s11] =	ssyncset.done $0x0  }
.LBB2_4:
0x6a: {  	s20 =	sadd.s32 s18, s9  }
0x6b: {  	[sflag:s11] =	ssyncadd.s32 $0xFFFFC000;
	s21 =	smov.u32 s19;
	s22 =	sadd.s32 $0x10, s19  }
0x6c: {  	[tilespmem:s4], [sflag:$0x1] =	stream.linear.gather [hbm4b:s20+s4], $0x80, $0x38;
	[tilespmem:$0x18100] =	vst v63  }
0x6d: {  	p0 =	sne.s32 s19, $0x4E0;
	s19 =	sadd.s32 s18, s8;
	s18 =	smov.u32 s21  }
0x6e: {  	[tilespmem:s12], [sflag:$0x1] =	stream.linear.gather [hbm4b:s19+s4], $0x80, $0x38;
	[tilespmem:$0x18100] =	vst v63  }
0x6f: {  	_ =	swait.ge [sflag:s13], $0x80  }
0x70: {  	[sflag:s13] =	ssyncset.done $0x0  }
0x71: {  	[sflag:s13] =	ssyncadd.s32 $0xFFFFFF80  }
0x72: {  	_ =	swait.ge [sflag:s13], $0x80  }
0x73: {  	[sflag:s13] =	ssyncset.done $0x0  }
0x74: {  	[sflag:s13] =	ssyncadd.s32 $0xFFFFFF80  }
0x75: {  	[tilespmem:s14], [sflag:$0x1] =	stream.indirect.gather [hbm4b:s1+s12], $0x80, s4, s12, $0xb8;
	[tilespmem:$0x18100] =	vst v63  }
0x76: {  	_ =	swait.ge [sflag:s13], $0x4000  }
.Ltmp1:
0x77: {  	[sflag:s13] =	ssyncset.done $0x0;
	(pc) =	sbr.rel @p0 .LBB2_4-.Ltmp1, $4  }
0x78: {  	[sflag:s13] =	ssyncadd.s32 $0xFFFFC000  }
0x79: {  	[spmem:s3] =	stream.indirect.scatter.add.f32 [tilespmem:s14], [sflag:$0x2], $0x80, s12, s12, $0xb8;
	[tilespmem:$0x18100] =	vst v63  }
0x7a: {  	_ =	swait.ge [sflag:s11], $0x4000  }
0x7b: {  	s19 =	smov.u32 s22;
	[sflag:s11] =	ssyncset.done $0x0  }
0x7c: {  	s19 =	sadd.s32 s18, s9;
	[sflag:s11] =	ssyncadd.s32 $0xFFFFC000  }
0x7d: {  	[tilespmem:s4], [sflag:$0x1] =	stream.linear.gather [hbm4b:s19+s4], $0x80, $0x38;
	[tilespmem:$0x18100] =	vst v63  }
0x7e: {  	s31 =	sadd.s32 s18, s8  }
0x7f: {  	[tilespmem:s12], [sflag:$0x1] =	stream.linear.gather [hbm4b:s31+s4], $0x80, $0x38;
	[tilespmem:$0x18100] =	vst v63  }
0x80: {  	_ =	swait.ge [sflag:s13], $0x80  }
0x81: {  	[sflag:s13] =	ssyncset.done $0x0  }
0x82: {  	[sflag:s13] =	ssyncadd.s32 $0xFFFFFF80  }
0x83: {  	_ =	swait.ge [sflag:s13], $0x80  }
0x84: {  	[sflag:s13] =	ssyncset.done $0x0  }
0x85: {  	[sflag:s13] =	ssyncadd.s32 $0xFFFFFF80  }
0x86: {  	[tilespmem:s14], [sflag:$0x1] =	stream.indirect.gather [hbm4b:s1+s12], $0x80, s4, s12, $0xb8;
	[tilespmem:$0x18100] =	vst v63  }
0x87: {  	_ =	swait.ge [sflag:s13], $0x4000  }
0x88: {  	[sflag:s13] =	ssyncset.done $0x0  }
0x89: {  	[sflag:s13] =	ssyncadd.s32 $0xFFFFC000  }
0x8a: {  	[spmem:s3] =	stream.indirect.scatter.add.f32 [tilespmem:s14], [sflag:$0x2], $0x80, s12, s12, $0xb8;
	[tilespmem:$0x18100] =	vst v63  }
0x8b: {  	_ =	swait.ge [sflag:s11], $0x4000  }
0x8c: {  	s17 =	sadd.s32 $0x1, s17;
	[sflag:s11] =	ssyncset.done $0x0  }
0x8d: {  	p0 =	sne.s32 s17, s7;
	[sflag:s11] =	ssyncadd.s32 $0xFFFFC000  }
.Ltmp2:
0x8e: {  	[bflag:$0x0] =	sbarrier.arrive $0xFFFF;
	(pc) =	sbr.rel @p0 .LBB2_1-.Ltmp2, $4  }
0x8f: {  	[hbm:s6], [sflag:s15] =	dma.local [spmem:s16], $0x2780  }
0x90: {  	_ =	swait.ge [sflag:s11], $0x2780  }
0x91: {  	[sflag:s11] =	ssyncset.done $0x0  }
0x92: {  	[sflag:s11] =	ssyncadd.s32 $0xFFFFD880  }
0x93: {  	_ =	sfence.sel $0x180000  }
0x94: {  	[bflag:$0x0] =	sbarrier.arrive $0xFFFF  }
0x95: {  	p0 =	sne.s32 s0, $0x0;
	_ =	strace $0x9000004D  }
0x96: {  	s0 =	sadd.s32 @!p0 $0x100000, s2;
	[bflag:$0x2] =	sbarrier.arrive $0xFFFF  }
0x97: {  	[sflag:s0] =	ssyncadd.tile.s32 @!p0 $0x1;
	_ =	shalt  }
.Lfunc_end2:
_tile_overlayer_lowered:
.L_overlay_start_2:
0x98: {  	(tag) =	ssettag $0x2  }
0x99: {  	s0 =	rddreg [dreg:$0x0];
	s2 =	stileid.u32  }
0x9a: {  	s1 =	rddreg [dreg:$0x1];
	p0 =	sne.s32 s2, $0x0  }
0x9b: {  	s3 =	rddreg [dreg:$0x2];
	[bflag:$0x3] =	sbarrier.arrive $0xFFFF;
	s2 =	simm.s32 @!p0 $0x1C02  }
0x9c: {  	[timem:s3], [sflag:s2] =	dma.local @!p0 [hbm:s0], s1  }
0x9d: {  	s0 =	simm.s32 @!p0 $0x2  }
0x9e: {  	_ =	swait.ge @!p0 [sflag:s0], s1  }
0x9f: {  	s1 =	ssub.s32 @!p0 $0x0, s1;
	[sflag:s0] =	ssyncset.done @!p0 $0x0  }
0xa0: {  	[sflag:s0] =	ssyncadd.s32 @!p0 s1  }
0xa1: {  	[bflag:$0x3] =	sbarrier.arrive $0xFFFF  }
0xa2: {  	_ =	shalt  }

// kernel: kernel.15.cloned.1.call-start
scs
__scs_entry_jumppad:
0x0: {  	(pc) =	sbr.rel $0x88, $3  }
0x1: {  	(tag) =	ssettag $0x0;
	lr =	simm.s32 $0x1  }
0x2: {  	[smem:$0x3F7C] =	sst lr;
	_ =	strace $0xD0000000  }
0x3: {  	_ = 	snop  }
0x4: {  	_ = 	snop  }
0x5: {  	_ = 	snop  }
0x6: {  	_ = 	snop  }
0x7: {  	_ = 	snop  }
__scs_overlays_trampoline_lowered:
0x8: {  	[smem:$0x3F8B] =	sst s0  }
0x9: {  	[smem:$0x3F8C] =	sst s1  }
0xa: {  	[smem:$0x3F8D] =	sst s2  }
0xb: {  	[smem:$0x3F8E] =	sst s3  }
0xc: {  	[smem:$0x3F8F] =	sst s4  }
0xd: {  	[smem:$0x3F90] =	sst s5  }
0xe: {  	[smem:$0x3F91] =	sst s6  }
0xf: {  	[smem:$0x3F92] =	sst s7  }
0x10: {  	[smem:$0x3F93] =	sst s8  }
0x11: {  	[smem:$0x3F94] =	sst s9;
	s0 =	simm.s32 @!p0 $0x0  }
0x12: {  	s1 =	sld [smem:$0x3F7A];
	s0 =	simm.s32 @p0 $0x1  }
0x13: {  	[smem:$0x3F95] =	sst s0;
	s0 =	simm.s32 @!p1 $0x0  }
0x14: {  	s2 =	sld [smem:$0x3F79];
	s0 =	simm.s32 @p1 $0x1  }
0x15: {  	[smem:$0x3F96] =	sst s0;
	s0 =	simm.s32 @!p2 $0x0  }
0x16: {  	s3 =	sld [smem:$0x3FDB];
	s0 =	simm.s32 @p2 $0x1  }
0x17: {  	s4 =	simm.s32 $0x1BF5;
	[smem:$0x3F98] =	sst s0  }
0x18: {  	s0 =	sld [smem:$0x3F7B];
	_ =	swait.ge [sflag:s4], $0x0  }
0x19: {  	s7 =	sld [smem:$0x3F7C]  }
0x1a: {  	s8 =	sadd.s32 $0xFFFFE003, lr  }
0x1b: {  	s9 =	sadd.s32 $0xFFFFFEF7, lr;
	s5 =	simm.s32 $0xFFFFFFFF;
	p2 =	slt.u32 s8, $0xFFFFF086  }
0x1c: {  	p1 =	slt.u32 s9, $0xF7A;
	s5 =	simm.s32 @!p2 $0x0  }
0x1d: {  	s5 =	simm.s32 @p1 $0x1;
	p0 =	seq.s32 s7, s2  }
0x1e: {  	s7 =	smul.u32 @!p0 $0xF7A, s2;
	p2 =	seq.s32 @!p0 s5, $0x0  }
0x1f: {  	s9 =	smul.u32 $0xF7A, s1;
	s8 =	simm.s32 @!p0 $0x1BF5;
	p2 =	por !p2, p0  }
0x20: {  	[sflag:s8] =	ssyncset.s32 @!p0 $0xFFFFF086;
	s6 =	sadd.s32 @!p0 s3, s7;
	s7 =	simm.s32 @!p0 $0x108  }
0x21: {  	s3 =	sadd.s32 s3, s9;
	s6 =	sadd.s32 @!p0 $0x88, s6;
	s7 =	simm.s32 @p2 $0x1082  }
0x22: {  	[simem:s7], [sflag:s8] =	dma.local @!p0 [hbm:s6], $0xF7A  }
0x23: {  	s9 =	sor.u32 $0xD0000000, s2;
	s6 =	simm.s32 $0x108;
	_ =	swait.ge @!p0 [sflag:s8], $0x0  }
0x24: {  	s3 =	sadd.s32 $0x88, s3;
	s6 =	simm.s32 @!p1 $0x1082;
	[sflag:s4] =	ssyncset.s32 $0xFFFFF086  }
0x25: {  	[simem:s6], [sflag:s4] =	dma.local [hbm:s3], $0xF7A  }
0x26: {  	[smem:$0x3F7C] =	sst s1;
	(tag) =	ssettag s2;
	_ =	strace s9  }
0x27: {  	s1 =	sld [smem:$0x3F8C]  }
0x28: {  	s2 =	sld [smem:$0x3F8D]  }
0x29: {  	s4 =	sld [smem:$0x3F8F]  }
0x2a: {  	p0 =	seq.s32 s5, $0x0;
	s5 =	sld [smem:$0x3F90]  }
0x2b: {  	s6 =	sld [smem:$0x3F91]  }
0x2c: {  	s7 =	sld [smem:$0x3F92]  }
0x2d: {  	s3 =	simm.s32 $0x108;
	s8 =	sld [smem:$0x3F93]  }
0x2e: {  	s3 =	simm.s32 @!p0 $0x1082;
	s9 =	sld [smem:$0x3F94]  }
0x2f: {  	lr =	sadd.s32 s0, s3;
	s0 =	sld [smem:$0x3F8B]  }
0x30: {  	s3 =	sld [smem:$0x3F8E]  }
0x31: {  	[smem:$0x3F97] =	sst s10  }
0x32: {  	s10 =	sld [smem:$0x3F95];
	_ =	sdelay $0x3  }
0x33: {  	p0 =	seq.s32 s10, $0x1;
	s10 =	sld [smem:$0x3F97];
	_ =	sdelay $0x3  }
0x34: {  	[smem:$0x3F97] =	sst s10  }
0x35: {  	s10 =	sld [smem:$0x3F96];
	_ =	sdelay $0x3  }
0x36: {  	p1 =	seq.s32 s10, $0x1;
	s10 =	sld [smem:$0x3F97];
	_ =	sdelay $0x3  }
0x37: {  	[smem:$0x3F97] =	sst s10  }
0x38: {  	s10 =	sld [smem:$0x3F98]  }
0x39: {  	_ = 	snop;
	(pc) =	sbr.ind lr, $3  }
0x3a: {  	_ = 	snop  }
0x3b: {  	_ = 	snop  }
0x3c: {  	p2 =	seq.s32 s10, $0x1;
	s10 =	sld [smem:$0x3F97]  }
0x3d: {  	_ =	shalt  }
0x3e: {  	_ =	shalt  }
0x3f: {  	_ =	shalt  }
0x40: {  	_ =	shalt  }
0x41: {  	_ =	shalt  }
0x42: {  	_ =	shalt  }
0x43: {  	_ =	shalt  }
0x44: {  	_ =	shalt  }
0x45: {  	_ =	shalt  }
0x46: {  	_ =	shalt  }
0x47: {  	_ =	shalt  }
0x48: {  	_ =	shalt  }
0x49: {  	_ =	shalt  }
0x4a: {  	_ =	shalt  }
0x4b: {  	_ =	shalt  }
0x4c: {  	_ =	shalt  }
0x4d: {  	_ =	shalt  }
0x4e: {  	_ =	shalt  }
0x4f: {  	_ =	shalt  }
0x50: {  	_ =	shalt  }
0x51: {  	_ =	shalt  }
0x52: {  	_ =	shalt  }
0x53: {  	_ =	shalt  }
0x54: {  	_ =	shalt  }
0x55: {  	_ =	shalt  }
0x56: {  	_ =	shalt  }
0x57: {  	_ =	shalt  }
0x58: {  	_ =	shalt  }
0x59: {  	_ =	shalt  }
0x5a: {  	_ =	shalt  }
0x5b: {  	_ =	shalt  }
0x5c: {  	_ =	shalt  }
0x5d: {  	_ =	shalt  }
0x5e: {  	_ =	shalt  }
0x5f: {  	_ =	shalt  }
0x60: {  	_ =	shalt  }
0x61: {  	_ =	shalt  }
0x62: {  	_ =	shalt  }
0x63: {  	_ =	shalt  }
0x64: {  	_ =	shalt  }
0x65: {  	_ =	shalt  }
0x66: {  	_ =	shalt  }
0x67: {  	_ =	shalt  }
0x68: {  	_ =	shalt  }
0x69: {  	_ =	shalt  }
0x6a: {  	_ =	shalt  }
0x6b: {  	_ =	shalt  }
0x6c: {  	_ =	shalt  }
0x6d: {  	_ =	shalt  }
0x6e: {  	_ =	shalt  }
0x6f: {  	_ =	shalt  }
0x70: {  	_ =	shalt  }
0x71: {  	_ =	shalt  }
0x72: {  	_ =	shalt  }
0x73: {  	_ =	shalt  }
0x74: {  	_ =	shalt  }
0x75: {  	_ =	shalt  }
0x76: {  	_ =	shalt  }
0x77: {  	_ =	shalt  }
0x78: {  	_ =	shalt  }
0x79: {  	_ =	shalt  }
0x7a: {  	_ =	shalt  }
0x7b: {  	_ =	shalt  }
0x7c: {  	_ =	shalt  }
0x7d: {  	_ =	shalt  }
0x7e: {  	_ =	shalt  }
0x7f: {  	_ =	shalt  }
0x80: {  	_ =	shalt  }
0x81: {  	_ =	shalt  }
0x82: {  	_ =	shalt  }
0x83: {  	_ =	shalt  }
0x84: {  	_ =	shalt  }
0x85: {  	_ =	shalt  }
0x86: {  	_ =	shalt  }
0x87: {  	_ =	shalt  }
.Lfunc_end0:
.L_simem_size_0:
called_computation.3_lowered:
.L_overlay_start_0:
0x88: {  	s2 =	sld [smem:$0x3FD9]  }
0x89: {  	s3 =	sld [smem:$0x3FFE];
	_ =	sdelay $0x1  }
0x8a: {  	s1 =	srdreg.scid  }
0x8b: {  	s0 =	sand.u32 $0x1, s1  }
0x8c: {  	s16 =	sshll.u32 s0, $0xA;
	s2 =	sadd.s32 s3, s2  }
0x8d: {  	s2 =	sadd.s32 s2, s16  }
0x8e: {  	[smem:$0x3FA3] =	sst s2  }
0x8f: {  	_ = 	snop  }
0x90: {  	(tm) =	ssettm $0x1  }
0x91: {  	s17 =	sld [smem:$0x3FFB];
	_ =	sdelay $0x3  }
0x92: {  	_ =	strace s17  }
0x93: {  	s2 =	sld [smem:$0x3FFC];
	_ =	sdelay $0x3  }
0x94: {  	_ =	strace s2  }
0x95: {  	s2 =	sld [smem:$0x3FFD];
	_ =	sdelay $0x3  }
0x96: {  	_ =	strace s2  }
0x97: {  	_ =	strace $0x8FFFFFFF  }
0x98: {  	s18 =	sld [smem:$0x3FDB];
	_ =	sdelay $0x1  }
0x99: {  	s19 =	simm.s32 $_scs_section_size  }
0x9a: {  	s4 =	simm.s32 $_size__tile_overlayer_lowered;
	s5 =	simm.s32 $_tile_overlayer_lowered  }
0x9b: {  	s22 =	simm.s32 $0x1BFF;
	s21 =	sshll.u32 s5, $0x1;
	s2 =	sadd.s32 s19, s18  }
0x9c: {  	s6 =	simm.s32 $0x0;
	s20 =	sshll.u32 s4, $0x1;
	s4 =	sadd.s32 s21, s2  }
0x9d: {  	[timem:s6], [sflag:s22] =	dma.local [hbm:s4], s20  }
0x9e: {  	_ =	swait.ge [sflag:s22], s20  }
0x9f: {  	s3 =	ssub.s32 $0x0, s20;
	[sflag:s22] =	ssyncset.done $0x0  }
0xa0: {  	[sflag:s22] =	ssyncadd.s32 s3;
	_ =	sdelay $0x1  }
0xa1: {  	s23 =	simm.s32 $0x1B8B  }
0xa2: {  	_ =	swait.ge [sflag:s23], $0x1  }
0xa3: {  	[sflag:s23] =	ssyncset.done $0x0  }
0xa4: {  	s25 =	simm.s32 $0x1B8E;
	s24 =	sld [smem:$0x3FFE];
	[sflag:s23] =	ssyncadd.s32 $0xFFFFFFFF  }
0xa5: {  	s26 =	simm.s32 $execute0_lowered;
	[smem:$0x3FD2] =	sst s25  }
0xa6: {  	s4 =	sshll.u32 s26, $0x1;
	_ =	strace $0x8000004F;
	[dreg:$0x1] =	wrdreg $0xFFFFFFFF  }
0xa7: {  	s28 =	simm.s32 $_size_execute0_lowered;
	s2 =	sadd.s32 s2, s4;
	[dreg:$0x0] =	wrdreg $0x0  }
0xa8: {  	s4 =	sshll.u32 s28, $0x1;
	[dreg:$0x2] =	wrdreg s2  }
0xa9: {  	[dreg:$0x3] =	wrdreg s4  }
0xaa: {  	[dreg:$0x4] =	wrdreg $0xC0  }
0xab: {  	_ =	task [dreg:s6], $0x5FFFF  }
0xac: {  	[dreg:$0x1] =	wrdreg $0xFFFFFFFF  }
0xad: {  	[dreg:$0x0] =	wrdreg $0x60  }
0xae: {  	[dreg:$0x2] =	wrdreg s24  }
0xaf: {  	[dreg:$0x3] =	wrdreg $0x12000  }
0xb0: {  	[dreg:$0x4] =	wrdreg $0x9  }
0xb1: {  	_ =	task.clear_ibuf [dreg:s6], $0x5FFFF;
	_ =	strace $0x9000004F  }
0xb2: {  	s29 =	simm.s32 $0x9;
	_ =	strace $0x80000051  }
0xb3: {  	_ =	swait.ge [sflag:s29], $0x1  }
0xb4: {  	[sflag:s29] =	ssyncadd.s32 $0xFFFFFFFF  }
0xb5: {  	_ =	strace $0x90000051  }
0xb6: {  	_ =	sfence  }
0xb7: {  	s30 =	sld [smem:$0x0];
	_ =	sdelay $0x2  }
0xb8: {  	s31 =	sshll.u32 s1, $0xD;
	s1 =	sshrl.u32 s1, $0x2  }
0xb9: {  	s3 =	sand.u32 $0x4000, s31;
	s1 =	sadd.s32 s1, s30  }
0xba: {  	s0 =	sor.u32 s3, s0;
	s1 =	sshll.u32 s1, $0x11  }
0xbb: {  	s0 =	sor.u32 s1, s0  }
0xbc: {  	s0 =	sadd.s32 $0x8F2B, s0  }
0xbd: {  	[sflag:s0] =	ssyncadd.remote.s32 $0x1  }
0xbe: {  	_ =	sfence.sel $0xFFFF  }
0xbf: {  	[dreg:$0x0] =	wrdreg $0xFFFFFFFF;
	(pc) =	sbr.abs _section_cstart, $3  }
0xc0: {  	[dreg:$0x1] =	wrdreg $0xFFFFFFFF  }
0xc1: {  	_ =	task.clear_ibuf [dreg:s6], $0x2FFFF;
	_ =	strace $0x9FFFFFFF  }
0xc2: {  	(tm) =	ssettm $0x7FFFFFFF  }
0xc3: {  	_ =	shalt  }
tec
execute0_lowered:
.L_overlay_start_1:
0x0: {  	(tag) =	ssettag $0x1  }
0x1: {  	s5 =	rddreg [dreg:$0x0]  }
0x2: {  	s0 =	srdreg.scid;
	s2 =	rddreg [dreg:$0x1]  }
0x3: {  	s1 =	rddreg [dreg:$0x2];
	s6 =	sand.u32 $0x1, s0  }
0x4: {  	s0 =	stileid.u32;
	s4 =	smul.u32 $0x27800, s6  }
0x5: {  	s3 =	simm.s32 $0x0;
	s12 =	simm.s32 $0x80;
	s7 =	smul.u32 $0x2780, s0  }
0x6: {  	s13 =	simm.s32 $0x1;
	s14 =	simm.s32 $0x100;
	s8 =	smul.u32 $0x4F000, s6  }
0x7: {  	s17 =	simm.s32 $0x0;
	[smem:$0x7FF] =	sst s3;
	s9 =	smul.u32 $0x4F00, s0  }
0x8: {  	_ =	strace $0x80000050;
	s6 =	ssub.s32 $0x2, s6;
	s15 =	sshll.u32 s0, $0x6  }
0x9: {  	s10 =	smul.u32 $0x13C00, s0;
	s30 =	sshrl.u32 s6, $0x1;
	s15 =	sor.u32 $0x1C02, s15  }
0xa: {  	s7 =	sadd.s32 s7, s4;
	s4 =	sadd.s32 $0xF400, s5;
	s8 =	sadd.s32 s9, s8  }
0xb: {  	s31 =	sshrl.u32 s10, $0x2;
	s16 =	sadd.s32 s9, s2;
	s10 =	simm.s32 $0x1100  }
0xc: {  	s7 =	sshrl.u32 s7, $0x3;
	s29 =	sshrl.u32 s8, $0x3;
	s8 =	ssub.s32 s6, s30  }
0xd: {  	s16 =	sshrl.u32 s16, $0x3;
	s11 =	sadd.s32 s7, s5;
	s7 =	sadd.s32 s29, s5  }
0xe: {  	s5 =	sadd.s32 s31, s2;
	s6 =	sadd.s32 $0x19200, s7;
	s7 =	smax.u32 s8, $0x1  }
0xf: {  	v0 =	vimm.f32 $0.0e+00;
	s8 =	sadd.s32 $0x36C00, s11;
	s9 =	sadd.s32 $0x5600, s11;
	s11 =	simm.s32 $0x2  }
.LBB2_1:
0x10: {  	[tilespmem:$0x1100] =	vst v0  }
0x11: {  	[tilespmem:$0x1110] =	vst v0  }
0x12: {  	[tilespmem:$0x1120] =	vst v0  }
0x13: {  	[tilespmem:$0x1130] =	vst v0  }
0x14: {  	[tilespmem:$0x1140] =	vst v0  }
0x15: {  	[tilespmem:$0x1150] =	vst v0  }
0x16: {  	[tilespmem:$0x1160] =	vst v0  }
0x17: {  	[tilespmem:$0x1170] =	vst v0  }
0x18: {  	[tilespmem:$0x1180] =	vst v0  }
0x19: {  	[tilespmem:$0x1190] =	vst v0  }
0x1a: {  	[tilespmem:$0x11A0] =	vst v0  }
0x1b: {  	[tilespmem:$0x11B0] =	vst v0  }
0x1c: {  	[tilespmem:$0x11C0] =	vst v0  }
0x1d: {  	[tilespmem:$0x11D0] =	vst v0  }
0x1e: {  	[tilespmem:$0x11E0] =	vst v0  }
0x1f: {  	[tilespmem:$0x11F0] =	vst v0;
	s18 =	sadd.s32 $0x0, s5  }
0x20: {  	[spmem:s18] =	stream.linear.scatter [tilespmem:s10], [sflag:$0x2], $0x100, $0x38;
	[tilespmem:$0x6100] =	vst v63  }
0x21: {  	s18 =	simm.s32 $0x400;
	_ =	swait.ge [sflag:s11], $0x100  }
.LBB2_2:
0x22: {  	s19 =	sshra.s32 s18, $0x2;
	[sflag:s11] =	ssyncset.done $0x0;
	p0 =	sne.s32 s18, $0x13800  }
.Ltmp0:
0x23: {  	s19 =	sadd.s32 s19, s5;
	[sflag:s11] =	ssyncadd.s32 $0xFFFFFF00;
	(pc) =	sbr.rel @p0 .LBB2_2-.Ltmp0, $3  }
0x24: {  	[spmem:s19] =	stream.linear.scatter [tilespmem:s10], [sflag:$0x2], $0x100, $0x38;
	[tilespmem:$0x6100] =	vst v63  }
0x25: {  	s18 =	sadd.s32 $0x400, s18;
	_ =	sdelay $0x1  }
0x26: {  	_ =	swait.ge [sflag:s11], $0x100  }
0x27: {  	[sflag:s11] =	ssyncset.done $0x0  }
0x28: {  	[sflag:s11] =	ssyncadd.s32 $0xFFFFFF00  }
0x29: {  	s18 =	sadd.s32 $0x0, s9;
	[bflag:$0x0] =	sbarrier.arrive $0xFFFF  }
0x2a: {  	[tilespmem:s3], [sflag:$0x1] =	stream.linear.gather [hbm4b:s18+s3], $0x80, $0x38;
	[tilespmem:$0x6100] =	vst v63  }
0x2b: {  	s31 =	sadd.s32 $0x0, s8  }
0x2c: {  	[tilespmem:s12], [sflag:$0x1] =	stream.linear.gather [hbm4b:s31+s3], $0x80, $0x38;
	[tilespmem:$0x6100] =	vst v63  }
0x2d: {  	_ =	swait.ge [sflag:s13], $0x80  }
0x2e: {  	[sflag:s13] =	ssyncset.done $0x0  }
0x2f: {  	[sflag:s13] =	ssyncadd.s32 $0xFFFFFF80  }
0x30: {  	_ =	swait.ge [sflag:s13], $0x80  }
0x31: {  	[sflag:s13] =	ssyncset.done $0x0  }
0x32: {  	[sflag:s13] =	ssyncadd.s32 $0xFFFFFF80  }
0x33: {  	[tilespmem:s14], [sflag:$0x1] =	stream.indirect.gather [hbm4b:s4+s12], $0x20, s3, s12, $0xb8;
	[tilespmem:$0x6100] =	vst v63  }
0x34: {  	_ =	swait.ge [sflag:s13], $0x1000  }
0x35: {  	[sflag:s13] =	ssyncset.done $0x0  }
0x36: {  	[sflag:s13] =	ssyncadd.s32 $0xFFFFF000  }
0x37: {  	[spmem:s2] =	stream.indirect.scatter.add.f32 [tilespmem:s14], [sflag:$0x2], $0x20, s12, s12, $0xb8;
	[tilespmem:$0x6100] =	vst v63  }
0x38: {  	_ =	swait.ge [sflag:s11], $0x1000  }
0x39: {  	s19 =	simm.s32 $0x20;
	s18 =	simm.s32 $0x10;
	[sflag:s11] =	ssyncset.done $0x0  }
.LBB2_4:
0x3a: {  	s20 =	sadd.s32 s18, s9  }
0x3b: {  	[sflag:s11] =	ssyncadd.s32 $0xFFFFF000;
	s21 =	smov.u32 s19;
	s22 =	sadd.s32 $0x10, s19  }
0x3c: {  	[tilespmem:s3], [sflag:$0x1] =	stream.linear.gather [hbm4b:s20+s3], $0x80, $0x38;
	[tilespmem:$0x6100] =	vst v63  }
0x3d: {  	p0 =	sne.s32 s19, $0x4E0;
	s19 =	sadd.s32 s18, s8;
	s18 =	smov.u32 s21  }
0x3e: {  	[tilespmem:s12], [sflag:$0x1] =	stream.linear.gather [hbm4b:s19+s3], $0x80, $0x38;
	[tilespmem:$0x6100] =	vst v63  }
0x3f: {  	_ =	swait.ge [sflag:s13], $0x80  }
0x40: {  	[sflag:s13] =	ssyncset.done $0x0  }
0x41: {  	[sflag:s13] =	ssyncadd.s32 $0xFFFFFF80  }
0x42: {  	_ =	swait.ge [sflag:s13], $0x80  }
0x43: {  	[sflag:s13] =	ssyncset.done $0x0  }
0x44: {  	[sflag:s13] =	ssyncadd.s32 $0xFFFFFF80  }
0x45: {  	[tilespmem:s14], [sflag:$0x1] =	stream.indirect.gather [hbm4b:s4+s12], $0x20, s3, s12, $0xb8;
	[tilespmem:$0x6100] =	vst v63  }
0x46: {  	_ =	swait.ge [sflag:s13], $0x1000  }
.Ltmp1:
0x47: {  	[sflag:s13] =	ssyncset.done $0x0;
	(pc) =	sbr.rel @p0 .LBB2_4-.Ltmp1, $4  }
0x48: {  	[sflag:s13] =	ssyncadd.s32 $0xFFFFF000  }
0x49: {  	[spmem:s2] =	stream.indirect.scatter.add.f32 [tilespmem:s14], [sflag:$0x2], $0x20, s12, s12, $0xb8;
	[tilespmem:$0x6100] =	vst v63  }
0x4a: {  	_ =	swait.ge [sflag:s11], $0x1000  }
0x4b: {  	s19 =	smov.u32 s22;
	[sflag:s11] =	ssyncset.done $0x0  }
0x4c: {  	s19 =	sadd.s32 s18, s9;
	[sflag:s11] =	ssyncadd.s32 $0xFFFFF000  }
0x4d: {  	[tilespmem:s3], [sflag:$0x1] =	stream.linear.gather [hbm4b:s19+s3], $0x80, $0x38;
	[tilespmem:$0x6100] =	vst v63  }
0x4e: {  	s31 =	sadd.s32 s18, s8  }
0x4f: {  	[tilespmem:s12], [sflag:$0x1] =	stream.linear.gather [hbm4b:s31+s3], $0x80, $0x38;
	[tilespmem:$0x6100] =	vst v63  }
0x50: {  	_ =	swait.ge [sflag:s13], $0x80  }
0x51: {  	[sflag:s13] =	ssyncset.done $0x0  }
0x52: {  	[sflag:s13] =	ssyncadd.s32 $0xFFFFFF80  }
0x53: {  	_ =	swait.ge [sflag:s13], $0x80  }
0x54: {  	[sflag:s13] =	ssyncset.done $0x0  }
0x55: {  	[sflag:s13] =	ssyncadd.s32 $0xFFFFFF80  }
0x56: {  	[tilespmem:s14], [sflag:$0x1] =	stream.indirect.gather [hbm4b:s4+s12], $0x20, s3, s12, $0xb8;
	[tilespmem:$0x6100] =	vst v63  }
0x57: {  	_ =	swait.ge [sflag:s13], $0x1000  }
0x58: {  	[sflag:s13] =	ssyncset.done $0x0  }
0x59: {  	[sflag:s13] =	ssyncadd.s32 $0xFFFFF000  }
0x5a: {  	[spmem:s2] =	stream.indirect.scatter.add.f32 [tilespmem:s14], [sflag:$0x2], $0x20, s12, s12, $0xb8;
	[tilespmem:$0x6100] =	vst v63  }
0x5b: {  	_ =	swait.ge [sflag:s11], $0x1000  }
0x5c: {  	s17 =	sadd.s32 $0x1, s17;
	[sflag:s11] =	ssyncset.done $0x0  }
0x5d: {  	p0 =	sne.s32 s17, s7;
	[sflag:s11] =	ssyncadd.s32 $0xFFFFF000  }
.Ltmp2:
0x5e: {  	[bflag:$0x0] =	sbarrier.arrive $0xFFFF;
	(pc) =	sbr.rel @p0 .LBB2_1-.Ltmp2, $4  }
0x5f: {  	[hbm:s6], [sflag:s15] =	dma.local [spmem:s16], $0x9E0  }
0x60: {  	_ =	swait.ge [sflag:s11], $0x9E0  }
0x61: {  	[sflag:s11] =	ssyncset.done $0x0  }
0x62: {  	[sflag:s11] =	ssyncadd.s32 $0xFFFFF620  }
0x63: {  	_ =	sfence.sel $0x180000  }
0x64: {  	[bflag:$0x0] =	sbarrier.arrive $0xFFFF  }
0x65: {  	p0 =	sne.s32 s0, $0x0;
	_ =	strace $0x90000050  }
0x66: {  	s0 =	sadd.s32 @!p0 $0x100000, s1;
	[bflag:$0x2] =	sbarrier.arrive $0xFFFF  }
0x67: {  	[sflag:s0] =	ssyncadd.tile.s32 @!p0 $0x1;
	_ =	shalt  }
.Lfunc_end2:
_tile_overlayer_lowered:
.L_overlay_start_2:
0x68: {  	(tag) =	ssettag $0x2  }
0x69: {  	s0 =	rddreg [dreg:$0x0];
	s2 =	stileid.u32  }
0x6a: {  	s1 =	rddreg [dreg:$0x1];
	p0 =	sne.s32 s2, $0x0  }
0x6b: {  	s3 =	rddreg [dreg:$0x2];
	[bflag:$0x3] =	sbarrier.arrive $0xFFFF;
	s2 =	simm.s32 @!p0 $0x1C02  }
0x6c: {  	[timem:s3], [sflag:s2] =	dma.local @!p0 [hbm:s0], s1  }
0x6d: {  	s0 =	simm.s32 @!p0 $0x2  }
0x6e: {  	_ =	swait.ge @!p0 [sflag:s0], s1  }
0x6f: {  	s1 =	ssub.s32 @!p0 $0x0, s1;
	[sflag:s0] =	ssyncset.done @!p0 $0x0  }
0x70: {  	[sflag:s0] =	ssyncadd.s32 @!p0 s1  }
0x71: {  	[bflag:$0x3] =	sbarrier.arrive $0xFFFF  }
0x72: {  	_ =	shalt  }

// kernel: kernel.18.cloned.1.call-start
scs
__scs_entry_jumppad:
0x0: {  	(pc) =	sbr.rel $0x88, $3  }
0x1: {  	(tag) =	ssettag $0x0;
	lr =	simm.s32 $0x1  }
0x2: {  	[smem:$0x3F7C] =	sst lr;
	_ =	strace $0xD0000000  }
0x3: {  	_ = 	snop  }
0x4: {  	_ = 	snop  }
0x5: {  	_ = 	snop  }
0x6: {  	_ = 	snop  }
0x7: {  	_ = 	snop  }
__scs_overlays_trampoline_lowered:
0x8: {  	[smem:$0x3F8B] =	sst s0  }
0x9: {  	[smem:$0x3F8C] =	sst s1  }
0xa: {  	[smem:$0x3F8D] =	sst s2  }
0xb: {  	[smem:$0x3F8E] =	sst s3  }
0xc: {  	[smem:$0x3F8F] =	sst s4  }
0xd: {  	[smem:$0x3F90] =	sst s5  }
0xe: {  	[smem:$0x3F91] =	sst s6  }
0xf: {  	[smem:$0x3F92] =	sst s7  }
0x10: {  	[smem:$0x3F93] =	sst s8  }
0x11: {  	[smem:$0x3F94] =	sst s9;
	s0 =	simm.s32 @!p0 $0x0  }
0x12: {  	s1 =	sld [smem:$0x3F7A];
	s0 =	simm.s32 @p0 $0x1  }
0x13: {  	[smem:$0x3F95] =	sst s0;
	s0 =	simm.s32 @!p1 $0x0  }
0x14: {  	s2 =	sld [smem:$0x3F79];
	s0 =	simm.s32 @p1 $0x1  }
0x15: {  	[smem:$0x3F96] =	sst s0;
	s0 =	simm.s32 @!p2 $0x0  }
0x16: {  	s3 =	sld [smem:$0x3FDB];
	s0 =	simm.s32 @p2 $0x1  }
0x17: {  	s4 =	simm.s32 $0x1BF5;
	[smem:$0x3F98] =	sst s0  }
0x18: {  	s0 =	sld [smem:$0x3F7B];
	_ =	swait.ge [sflag:s4], $0x0  }
0x19: {  	s7 =	sld [smem:$0x3F7C]  }
0x1a: {  	s8 =	sadd.s32 $0xFFFFE003, lr  }
0x1b: {  	s9 =	sadd.s32 $0xFFFFFEF7, lr;
	s5 =	simm.s32 $0xFFFFFFFF;
	p2 =	slt.u32 s8, $0xFFFFF086  }
0x1c: {  	p1 =	slt.u32 s9, $0xF7A;
	s5 =	simm.s32 @!p2 $0x0  }
0x1d: {  	s5 =	simm.s32 @p1 $0x1;
	p0 =	seq.s32 s7, s2  }
0x1e: {  	s7 =	smul.u32 @!p0 $0xF7A, s2;
	p2 =	seq.s32 @!p0 s5, $0x0  }
0x1f: {  	s9 =	smul.u32 $0xF7A, s1;
	s8 =	simm.s32 @!p0 $0x1BF5;
	p2 =	por !p2, p0  }
0x20: {  	[sflag:s8] =	ssyncset.s32 @!p0 $0xFFFFF086;
	s6 =	sadd.s32 @!p0 s3, s7;
	s7 =	simm.s32 @!p0 $0x108  }
0x21: {  	s3 =	sadd.s32 s3, s9;
	s6 =	sadd.s32 @!p0 $0x88, s6;
	s7 =	simm.s32 @p2 $0x1082  }
0x22: {  	[simem:s7], [sflag:s8] =	dma.local @!p0 [hbm:s6], $0xF7A  }
0x23: {  	s9 =	sor.u32 $0xD0000000, s2;
	s6 =	simm.s32 $0x108;
	_ =	swait.ge @!p0 [sflag:s8], $0x0  }
0x24: {  	s3 =	sadd.s32 $0x88, s3;
	s6 =	simm.s32 @!p1 $0x1082;
	[sflag:s4] =	ssyncset.s32 $0xFFFFF086  }
0x25: {  	[simem:s6], [sflag:s4] =	dma.local [hbm:s3], $0xF7A  }
0x26: {  	[smem:$0x3F7C] =	sst s1;
	(tag) =	ssettag s2;
	_ =	strace s9  }
0x27: {  	s1 =	sld [smem:$0x3F8C]  }
0x28: {  	s2 =	sld [smem:$0x3F8D]  }
0x29: {  	s4 =	sld [smem:$0x3F8F]  }
0x2a: {  	p0 =	seq.s32 s5, $0x0;
	s5 =	sld [smem:$0x3F90]  }
0x2b: {  	s6 =	sld [smem:$0x3F91]  }
0x2c: {  	s7 =	sld [smem:$0x3F92]  }
0x2d: {  	s3 =	simm.s32 $0x108;
	s8 =	sld [smem:$0x3F93]  }
0x2e: {  	s3 =	simm.s32 @!p0 $0x1082;
	s9 =	sld [smem:$0x3F94]  }
0x2f: {  	lr =	sadd.s32 s0, s3;
	s0 =	sld [smem:$0x3F8B]  }
0x30: {  	s3 =	sld [smem:$0x3F8E]  }
0x31: {  	[smem:$0x3F97] =	sst s10  }
0x32: {  	s10 =	sld [smem:$0x3F95];
	_ =	sdelay $0x3  }
0x33: {  	p0 =	seq.s32 s10, $0x1;
	s10 =	sld [smem:$0x3F97];
	_ =	sdelay $0x3  }
0x34: {  	[smem:$0x3F97] =	sst s10  }
0x35: {  	s10 =	sld [smem:$0x3F96];
	_ =	sdelay $0x3  }
0x36: {  	p1 =	seq.s32 s10, $0x1;
	s10 =	sld [smem:$0x3F97];
	_ =	sdelay $0x3  }
0x37: {  	[smem:$0x3F97] =	sst s10  }
0x38: {  	s10 =	sld [smem:$0x3F98]  }
0x39: {  	_ = 	snop;
	(pc) =	sbr.ind lr, $3  }
0x3a: {  	_ = 	snop  }
0x3b: {  	_ = 	snop  }
0x3c: {  	p2 =	seq.s32 s10, $0x1;
	s10 =	sld [smem:$0x3F97]  }
0x3d: {  	_ =	shalt  }
0x3e: {  	_ =	shalt  }
0x3f: {  	_ =	shalt  }
0x40: {  	_ =	shalt  }
0x41: {  	_ =	shalt  }
0x42: {  	_ =	shalt  }
0x43: {  	_ =	shalt  }
0x44: {  	_ =	shalt  }
0x45: {  	_ =	shalt  }
0x46: {  	_ =	shalt  }
0x47: {  	_ =	shalt  }
0x48: {  	_ =	shalt  }
0x49: {  	_ =	shalt  }
0x4a: {  	_ =	shalt  }
0x4b: {  	_ =	shalt  }
0x4c: {  	_ =	shalt  }
0x4d: {  	_ =	shalt  }
0x4e: {  	_ =	shalt  }
0x4f: {  	_ =	shalt  }
0x50: {  	_ =	shalt  }
0x51: {  	_ =	shalt  }
0x52: {  	_ =	shalt  }
0x53: {  	_ =	shalt  }
0x54: {  	_ =	shalt  }
0x55: {  	_ =	shalt  }
0x56: {  	_ =	shalt  }
0x57: {  	_ =	shalt  }
0x58: {  	_ =	shalt  }
0x59: {  	_ =	shalt  }
0x5a: {  	_ =	shalt  }
0x5b: {  	_ =	shalt  }
0x5c: {  	_ =	shalt  }
0x5d: {  	_ =	shalt  }
0x5e: {  	_ =	shalt  }
0x5f: {  	_ =	shalt  }
0x60: {  	_ =	shalt  }
0x61: {  	_ =	shalt  }
0x62: {  	_ =	shalt  }
0x63: {  	_ =	shalt  }
0x64: {  	_ =	shalt  }
0x65: {  	_ =	shalt  }
0x66: {  	_ =	shalt  }
0x67: {  	_ =	shalt  }
0x68: {  	_ =	shalt  }
0x69: {  	_ =	shalt  }
0x6a: {  	_ =	shalt  }
0x6b: {  	_ =	shalt  }
0x6c: {  	_ =	shalt  }
0x6d: {  	_ =	shalt  }
0x6e: {  	_ =	shalt  }
0x6f: {  	_ =	shalt  }
0x70: {  	_ =	shalt  }
0x71: {  	_ =	shalt  }
0x72: {  	_ =	shalt  }
0x73: {  	_ =	shalt  }
0x74: {  	_ =	shalt  }
0x75: {  	_ =	shalt  }
0x76: {  	_ =	shalt  }
0x77: {  	_ =	shalt  }
0x78: {  	_ =	shalt  }
0x79: {  	_ =	shalt  }
0x7a: {  	_ =	shalt  }
0x7b: {  	_ =	shalt  }
0x7c: {  	_ =	shalt  }
0x7d: {  	_ =	shalt  }
0x7e: {  	_ =	shalt  }
0x7f: {  	_ =	shalt  }
0x80: {  	_ =	shalt  }
0x81: {  	_ =	shalt  }
0x82: {  	_ =	shalt  }
0x83: {  	_ =	shalt  }
0x84: {  	_ =	shalt  }
0x85: {  	_ =	shalt  }
0x86: {  	_ =	shalt  }
0x87: {  	_ =	shalt  }
.Lfunc_end0:
.L_simem_size_0:
called_computation.4_lowered:
.L_overlay_start_0:
0x88: {  	s2 =	sld [smem:$0x3FD9]  }
0x89: {  	s3 =	sld [smem:$0x3FFE];
	_ =	sdelay $0x1  }
0x8a: {  	s1 =	srdreg.scid  }
0x8b: {  	s0 =	sand.u32 $0x1, s1  }
0x8c: {  	s16 =	sshll.u32 s0, $0xA;
	s2 =	sadd.s32 s3, s2  }
0x8d: {  	s2 =	sadd.s32 s2, s16  }
0x8e: {  	[smem:$0x3FA3] =	sst s2  }
0x8f: {  	_ = 	snop  }
0x90: {  	(tm) =	ssettm $0x1  }
0x91: {  	s17 =	sld [smem:$0x3FFB];
	_ =	sdelay $0x3  }
0x92: {  	_ =	strace s17  }
0x93: {  	s2 =	sld [smem:$0x3FFC];
	_ =	sdelay $0x3  }
0x94: {  	_ =	strace s2  }
0x95: {  	s2 =	sld [smem:$0x3FFD];
	_ =	sdelay $0x3  }
0x96: {  	_ =	strace s2  }
0x97: {  	_ =	strace $0x8FFFFFFF  }
0x98: {  	s18 =	sld [smem:$0x3FDB];
	_ =	sdelay $0x1  }
0x99: {  	s19 =	simm.s32 $_scs_section_size  }
0x9a: {  	s4 =	simm.s32 $_size__tile_overlayer_lowered;
	s5 =	simm.s32 $_tile_overlayer_lowered  }
0x9b: {  	s22 =	simm.s32 $0x1BFF;
	s21 =	sshll.u32 s5, $0x1;
	s2 =	sadd.s32 s19, s18  }
0x9c: {  	s6 =	simm.s32 $0x0;
	s20 =	sshll.u32 s4, $0x1;
	s4 =	sadd.s32 s21, s2  }
0x9d: {  	[timem:s6], [sflag:s22] =	dma.local [hbm:s4], s20  }
0x9e: {  	_ =	swait.ge [sflag:s22], s20  }
0x9f: {  	s3 =	ssub.s32 $0x0, s20;
	[sflag:s22] =	ssyncset.done $0x0  }
0xa0: {  	[sflag:s22] =	ssyncadd.s32 s3;
	_ =	sdelay $0x1  }
0xa1: {  	s23 =	simm.s32 $0x1B8B  }
0xa2: {  	_ =	swait.ge [sflag:s23], $0x1  }
0xa3: {  	[sflag:s23] =	ssyncset.done $0x0  }
0xa4: {  	s25 =	simm.s32 $0x1B8E;
	s24 =	sld [smem:$0x3FFE];
	[sflag:s23] =	ssyncadd.s32 $0xFFFFFFFF  }
0xa5: {  	s26 =	simm.s32 $execute0_lowered;
	[smem:$0x3FD2] =	sst s25  }
0xa6: {  	s4 =	sshll.u32 s26, $0x1;
	_ =	strace $0x80000052;
	[dreg:$0x1] =	wrdreg $0xFFFFFFFF  }
0xa7: {  	s28 =	simm.s32 $_size_execute0_lowered;
	s2 =	sadd.s32 s2, s4;
	[dreg:$0x0] =	wrdreg $0x0  }
0xa8: {  	s4 =	sshll.u32 s28, $0x1;
	[dreg:$0x2] =	wrdreg s2  }
0xa9: {  	[dreg:$0x3] =	wrdreg s4  }
0xaa: {  	[dreg:$0x4] =	wrdreg $0xC0  }
0xab: {  	_ =	task [dreg:s6], $0x5FFFF  }
0xac: {  	[dreg:$0x1] =	wrdreg $0xFFFFFFFF  }
0xad: {  	[dreg:$0x0] =	wrdreg $0x60  }
0xae: {  	[dreg:$0x2] =	wrdreg s24  }
0xaf: {  	[dreg:$0x3] =	wrdreg $0x12000  }
0xb0: {  	[dreg:$0x4] =	wrdreg $0x9  }
0xb1: {  	_ =	task.clear_ibuf [dreg:s6], $0x5FFFF;
	_ =	strace $0x90000052  }
0xb2: {  	s29 =	simm.s32 $0x9;
	_ =	strace $0x80000054  }
0xb3: {  	_ =	swait.ge [sflag:s29], $0x1  }
0xb4: {  	[sflag:s29] =	ssyncadd.s32 $0xFFFFFFFF  }
0xb5: {  	_ =	strace $0x90000054  }
0xb6: {  	_ =	sfence  }
0xb7: {  	s30 =	sld [smem:$0x0];
	_ =	sdelay $0x2  }
0xb8: {  	s31 =	sshll.u32 s1, $0xD;
	s1 =	sshrl.u32 s1, $0x2  }
0xb9: {  	s3 =	sand.u32 $0x4000, s31;
	s1 =	sadd.s32 s1, s30  }
0xba: {  	s0 =	sor.u32 s3, s0;
	s1 =	sshll.u32 s1, $0x11  }
0xbb: {  	s0 =	sor.u32 s1, s0  }
0xbc: {  	s0 =	sadd.s32 $0x8F2B, s0  }
0xbd: {  	[sflag:s0] =	ssyncadd.remote.s32 $0x1  }
0xbe: {  	_ =	sfence.sel $0xFFFF  }
0xbf: {  	[dreg:$0x0] =	wrdreg $0xFFFFFFFF;
	(pc) =	sbr.abs _section_cstart, $3  }
0xc0: {  	[dreg:$0x1] =	wrdreg $0xFFFFFFFF  }
0xc1: {  	_ =	task.clear_ibuf [dreg:s6], $0x2FFFF;
	_ =	strace $0x9FFFFFFF  }
0xc2: {  	(tm) =	ssettm $0x7FFFFFFF  }
0xc3: {  	_ =	shalt  }
tec
execute0_lowered:
.L_overlay_start_1:
0x0: {  	(tag) =	ssettag $0x1  }
0x1: {  	s5 =	rddreg [dreg:$0x0]  }
0x2: {  	s0 =	srdreg.scid;
	s2 =	rddreg [dreg:$0x1]  }
0x3: {  	s1 =	rddreg [dreg:$0x2];
	s6 =	sand.u32 $0x1, s0  }
0x4: {  	s0 =	stileid.u32;
	s4 =	smul.u32 $0x27800, s6  }
0x5: {  	s3 =	simm.s32 $0x0;
	s12 =	simm.s32 $0x80;
	s7 =	smul.u32 $0x2780, s0  }
0x6: {  	s13 =	simm.s32 $0x1;
	s14 =	simm.s32 $0x100;
	s8 =	smul.u32 $0x4F000, s6  }
0x7: {  	s17 =	simm.s32 $0x0;
	[smem:$0x7FF] =	sst s3;
	s9 =	smul.u32 $0x4F00, s0  }
0x8: {  	_ =	strace $0x80000053;
	s6 =	ssub.s32 $0x2, s6;
	s15 =	sshll.u32 s0, $0x6  }
0x9: {  	s10 =	smul.u32 $0x13C00, s0;
	s30 =	sshrl.u32 s6, $0x1;
	s15 =	sor.u32 $0x1C02, s15  }
0xa: {  	s7 =	sadd.s32 s7, s4;
	s4 =	sadd.s32 $0xF400, s5;
	s8 =	sadd.s32 s9, s8  }
0xb: {  	s31 =	sshrl.u32 s10, $0x2;
	s16 =	sadd.s32 s9, s2;
	s10 =	simm.s32 $0x1100  }
0xc: {  	s7 =	sshrl.u32 s7, $0x3;
	s29 =	sshrl.u32 s8, $0x3;
	s8 =	ssub.s32 s6, s30  }
0xd: {  	s16 =	sshrl.u32 s16, $0x3;
	s11 =	sadd.s32 s7, s5;
	s7 =	sadd.s32 s29, s5  }
0xe: {  	s5 =	sadd.s32 s31, s2;
	s6 =	sadd.s32 $0x19200, s7;
	s7 =	smax.u32 s8, $0x1  }
0xf: {  	v0 =	vimm.f32 $0.0e+00;
	s8 =	sadd.s32 $0x36C00, s11;
	s9 =	sadd.s32 $0x5600, s11;
	s11 =	simm.s32 $0x2  }
.LBB2_1:
0x10: {  	[tilespmem:$0x1100] =	vst v0  }
0x11: {  	[tilespmem:$0x1110] =	vst v0  }
0x12: {  	[tilespmem:$0x1120] =	vst v0  }
0x13: {  	[tilespmem:$0x1130] =	vst v0  }
0x14: {  	[tilespmem:$0x1140] =	vst v0  }
0x15: {  	[tilespmem:$0x1150] =	vst v0  }
0x16: {  	[tilespmem:$0x1160] =	vst v0  }
0x17: {  	[tilespmem:$0x1170] =	vst v0  }
0x18: {  	[tilespmem:$0x1180] =	vst v0  }
0x19: {  	[tilespmem:$0x1190] =	vst v0  }
0x1a: {  	[tilespmem:$0x11A0] =	vst v0  }
0x1b: {  	[tilespmem:$0x11B0] =	vst v0  }
0x1c: {  	[tilespmem:$0x11C0] =	vst v0  }
0x1d: {  	[tilespmem:$0x11D0] =	vst v0  }
0x1e: {  	[tilespmem:$0x11E0] =	vst v0  }
0x1f: {  	[tilespmem:$0x11F0] =	vst v0;
	s18 =	sadd.s32 $0x0, s5  }
0x20: {  	[spmem:s18] =	stream.linear.scatter [tilespmem:s10], [sflag:$0x2], $0x100, $0x38;
	[tilespmem:$0x6100] =	vst v63  }
0x21: {  	s18 =	simm.s32 $0x400;
	_ =	swait.ge [sflag:s11], $0x100  }
.LBB2_2:
0x22: {  	s19 =	sshra.s32 s18, $0x2;
	[sflag:s11] =	ssyncset.done $0x0;
	p0 =	sne.s32 s18, $0x13800  }
.Ltmp0:
0x23: {  	s19 =	sadd.s32 s19, s5;
	[sflag:s11] =	ssyncadd.s32 $0xFFFFFF00;
	(pc) =	sbr.rel @p0 .LBB2_2-.Ltmp0, $3  }
0x24: {  	[spmem:s19] =	stream.linear.scatter [tilespmem:s10], [sflag:$0x2], $0x100, $0x38;
	[tilespmem:$0x6100] =	vst v63  }
0x25: {  	s18 =	sadd.s32 $0x400, s18;
	_ =	sdelay $0x1  }
0x26: {  	_ =	swait.ge [sflag:s11], $0x100  }
0x27: {  	[sflag:s11] =	ssyncset.done $0x0  }
0x28: {  	[sflag:s11] =	ssyncadd.s32 $0xFFFFFF00  }
0x29: {  	s18 =	sadd.s32 $0x0, s9;
	[bflag:$0x0] =	sbarrier.arrive $0xFFFF  }
0x2a: {  	[tilespmem:s3], [sflag:$0x1] =	stream.linear.gather [hbm4b:s18+s3], $0x80, $0x38;
	[tilespmem:$0x6100] =	vst v63  }
0x2b: {  	s31 =	sadd.s32 $0x0, s8  }
0x2c: {  	[tilespmem:s12], [sflag:$0x1] =	stream.linear.gather [hbm4b:s31+s3], $0x80, $0x38;
	[tilespmem:$0x6100] =	vst v63  }
0x2d: {  	_ =	swait.ge [sflag:s13], $0x80  }
0x2e: {  	[sflag:s13] =	ssyncset.done $0x0  }
0x2f: {  	[sflag:s13] =	ssyncadd.s32 $0xFFFFFF80  }
0x30: {  	_ =	swait.ge [sflag:s13], $0x80  }
0x31: {  	[sflag:s13] =	ssyncset.done $0x0  }
0x32: {  	[sflag:s13] =	ssyncadd.s32 $0xFFFFFF80  }
0x33: {  	[tilespmem:s14], [sflag:$0x1] =	stream.indirect.gather [hbm4b:s4+s12], $0x20, s3, s12, $0xb8;
	[tilespmem:$0x6100] =	vst v63  }
0x34: {  	_ =	swait.ge [sflag:s13], $0x1000  }
0x35: {  	[sflag:s13] =	ssyncset.done $0x0  }
0x36: {  	[sflag:s13] =	ssyncadd.s32 $0xFFFFF000  }
0x37: {  	[spmem:s2] =	stream.indirect.scatter.add.f32 [tilespmem:s14], [sflag:$0x2], $0x20, s12, s12, $0xb8;
	[tilespmem:$0x6100] =	vst v63  }
0x38: {  	_ =	swait.ge [sflag:s11], $0x1000  }
0x39: {  	s19 =	simm.s32 $0x20;
	s18 =	simm.s32 $0x10;
	[sflag:s11] =	ssyncset.done $0x0  }
.LBB2_4:
0x3a: {  	s20 =	sadd.s32 s18, s9  }
0x3b: {  	[sflag:s11] =	ssyncadd.s32 $0xFFFFF000;
	s21 =	smov.u32 s19;
	s22 =	sadd.s32 $0x10, s19  }
0x3c: {  	[tilespmem:s3], [sflag:$0x1] =	stream.linear.gather [hbm4b:s20+s3], $0x80, $0x38;
	[tilespmem:$0x6100] =	vst v63  }
0x3d: {  	p0 =	sne.s32 s19, $0x4E0;
	s19 =	sadd.s32 s18, s8;
	s18 =	smov.u32 s21  }
0x3e: {  	[tilespmem:s12], [sflag:$0x1] =	stream.linear.gather [hbm4b:s19+s3], $0x80, $0x38;
	[tilespmem:$0x6100] =	vst v63  }
0x3f: {  	_ =	swait.ge [sflag:s13], $0x80  }
0x40: {  	[sflag:s13] =	ssyncset.done $0x0  }
0x41: {  	[sflag:s13] =	ssyncadd.s32 $0xFFFFFF80  }
0x42: {  	_ =	swait.ge [sflag:s13], $0x80  }
0x43: {  	[sflag:s13] =	ssyncset.done $0x0  }
0x44: {  	[sflag:s13] =	ssyncadd.s32 $0xFFFFFF80  }
0x45: {  	[tilespmem:s14], [sflag:$0x1] =	stream.indirect.gather [hbm4b:s4+s12], $0x20, s3, s12, $0xb8;
	[tilespmem:$0x6100] =	vst v63  }
0x46: {  	_ =	swait.ge [sflag:s13], $0x1000  }
.Ltmp1:
0x47: {  	[sflag:s13] =	ssyncset.done $0x0;
	(pc) =	sbr.rel @p0 .LBB2_4-.Ltmp1, $4  }
0x48: {  	[sflag:s13] =	ssyncadd.s32 $0xFFFFF000  }
0x49: {  	[spmem:s2] =	stream.indirect.scatter.add.f32 [tilespmem:s14], [sflag:$0x2], $0x20, s12, s12, $0xb8;
	[tilespmem:$0x6100] =	vst v63  }
0x4a: {  	_ =	swait.ge [sflag:s11], $0x1000  }
0x4b: {  	s19 =	smov.u32 s22;
	[sflag:s11] =	ssyncset.done $0x0  }
0x4c: {  	s19 =	sadd.s32 s18, s9;
	[sflag:s11] =	ssyncadd.s32 $0xFFFFF000  }
0x4d: {  	[tilespmem:s3], [sflag:$0x1] =	stream.linear.gather [hbm4b:s19+s3], $0x80, $0x38;
	[tilespmem:$0x6100] =	vst v63  }
0x4e: {  	s31 =	sadd.s32 s18, s8  }
0x4f: {  	[tilespmem:s12], [sflag:$0x1] =	stream.linear.gather [hbm4b:s31+s3], $0x80, $0x38;
	[tilespmem:$0x6100] =	vst v63  }
0x50: {  	_ =	swait.ge [sflag:s13], $0x80  }
0x51: {  	[sflag:s13] =	ssyncset.done $0x0  }
0x52: {  	[sflag:s13] =	ssyncadd.s32 $0xFFFFFF80  }
0x53: {  	_ =	swait.ge [sflag:s13], $0x80  }
0x54: {  	[sflag:s13] =	ssyncset.done $0x0  }
0x55: {  	[sflag:s13] =	ssyncadd.s32 $0xFFFFFF80  }
0x56: {  	[tilespmem:s14], [sflag:$0x1] =	stream.indirect.gather [hbm4b:s4+s12], $0x20, s3, s12, $0xb8;
	[tilespmem:$0x6100] =	vst v63  }
0x57: {  	_ =	swait.ge [sflag:s13], $0x1000  }
0x58: {  	[sflag:s13] =	ssyncset.done $0x0  }
0x59: {  	[sflag:s13] =	ssyncadd.s32 $0xFFFFF000  }
0x5a: {  	[spmem:s2] =	stream.indirect.scatter.add.f32 [tilespmem:s14], [sflag:$0x2], $0x20, s12, s12, $0xb8;
	[tilespmem:$0x6100] =	vst v63  }
0x5b: {  	_ =	swait.ge [sflag:s11], $0x1000  }
0x5c: {  	s17 =	sadd.s32 $0x1, s17;
	[sflag:s11] =	ssyncset.done $0x0  }
0x5d: {  	p0 =	sne.s32 s17, s7;
	[sflag:s11] =	ssyncadd.s32 $0xFFFFF000  }
.Ltmp2:
0x5e: {  	[bflag:$0x0] =	sbarrier.arrive $0xFFFF;
	(pc) =	sbr.rel @p0 .LBB2_1-.Ltmp2, $4  }
0x5f: {  	[hbm:s6], [sflag:s15] =	dma.local [spmem:s16], $0x9E0  }
0x60: {  	_ =	swait.ge [sflag:s11], $0x9E0  }
0x61: {  	[sflag:s11] =	ssyncset.done $0x0  }
0x62: {  	[sflag:s11] =	ssyncadd.s32 $0xFFFFF620  }
0x63: {  	_ =	sfence.sel $0x180000  }
0x64: {  	[bflag:$0x0] =	sbarrier.arrive $0xFFFF  }
0x65: {  	p0 =	sne.s32 s0, $0x0;
	_ =	strace $0x90000053  }
0x66: {  	s0 =	sadd.s32 @!p0 $0x100000, s1;
	[bflag:$0x2] =	sbarrier.arrive $0xFFFF  }
0x67: {  	[sflag:s0] =	ssyncadd.tile.s32 @!p0 $0x1;
	_ =	shalt  }
.Lfunc_end2:
_tile_overlayer_lowered:
.L_overlay_start_2:
0x68: {  	(tag) =	ssettag $0x2  }
0x69: {  	s0 =	rddreg [dreg:$0x0];
	s2 =	stileid.u32  }
0x6a: {  	s1 =	rddreg [dreg:$0x1];
	p0 =	sne.s32 s2, $0x0  }
0x6b: {  	s3 =	rddreg [dreg:$0x2];
	[bflag:$0x3] =	sbarrier.arrive $0xFFFF;
	s2 =	simm.s32 @!p0 $0x1C02  }
0x6c: {  	[timem:s3], [sflag:s2] =	dma.local @!p0 [hbm:s0], s1  }
0x6d: {  	s0 =	simm.s32 @!p0 $0x2  }
0x6e: {  	_ =	swait.ge @!p0 [sflag:s0], s1  }
0x6f: {  	s1 =	ssub.s32 @!p0 $0x0, s1;
	[sflag:s0] =	ssyncset.done @!p0 $0x0  }
0x70: {  	[sflag:s0] =	ssyncadd.s32 @!p0 s1  }
0x71: {  	[bflag:$0x3] =	sbarrier.arrive $0xFFFF  }
0x72: {  	_ =	shalt  }

// kernel: kernel.21.cloned.1.call-start
scs
__scs_entry_jumppad:
0x0: {  	(pc) =	sbr.rel $0x88, $3  }
0x1: {  	(tag) =	ssettag $0x0;
	lr =	simm.s32 $0x1  }
0x2: {  	[smem:$0x3F7C] =	sst lr;
	_ =	strace $0xD0000000  }
0x3: {  	_ = 	snop  }
0x4: {  	_ = 	snop  }
0x5: {  	_ = 	snop  }
0x6: {  	_ = 	snop  }
0x7: {  	_ = 	snop  }
__scs_overlays_trampoline_lowered:
0x8: {  	[smem:$0x3F8B] =	sst s0  }
0x9: {  	[smem:$0x3F8C] =	sst s1  }
0xa: {  	[smem:$0x3F8D] =	sst s2  }
0xb: {  	[smem:$0x3F8E] =	sst s3  }
0xc: {  	[smem:$0x3F8F] =	sst s4  }
0xd: {  	[smem:$0x3F90] =	sst s5  }
0xe: {  	[smem:$0x3F91] =	sst s6  }
0xf: {  	[smem:$0x3F92] =	sst s7  }
0x10: {  	[smem:$0x3F93] =	sst s8  }
0x11: {  	[smem:$0x3F94] =	sst s9;
	s0 =	simm.s32 @!p0 $0x0  }
0x12: {  	s1 =	sld [smem:$0x3F7A];
	s0 =	simm.s32 @p0 $0x1  }
0x13: {  	[smem:$0x3F95] =	sst s0;
	s0 =	simm.s32 @!p1 $0x0  }
0x14: {  	s2 =	sld [smem:$0x3F79];
	s0 =	simm.s32 @p1 $0x1  }
0x15: {  	[smem:$0x3F96] =	sst s0;
	s0 =	simm.s32 @!p2 $0x0  }
0x16: {  	s3 =	sld [smem:$0x3FDB];
	s0 =	simm.s32 @p2 $0x1  }
0x17: {  	s4 =	simm.s32 $0x1BF5;
	[smem:$0x3F98] =	sst s0  }
0x18: {  	s0 =	sld [smem:$0x3F7B];
	_ =	swait.ge [sflag:s4], $0x0  }
0x19: {  	s7 =	sld [smem:$0x3F7C]  }
0x1a: {  	s8 =	sadd.s32 $0xFFFFE003, lr  }
0x1b: {  	s9 =	sadd.s32 $0xFFFFFEF7, lr;
	s5 =	simm.s32 $0xFFFFFFFF;
	p2 =	slt.u32 s8, $0xFFFFF086  }
0x1c: {  	p1 =	slt.u32 s9, $0xF7A;
	s5 =	simm.s32 @!p2 $0x0  }
0x1d: {  	s5 =	simm.s32 @p1 $0x1;
	p0 =	seq.s32 s7, s2  }
0x1e: {  	s7 =	smul.u32 @!p0 $0xF7A, s2;
	p2 =	seq.s32 @!p0 s5, $0x0  }
0x1f: {  	s9 =	smul.u32 $0xF7A, s1;
	s8 =	simm.s32 @!p0 $0x1BF5;
	p2 =	por !p2, p0  }
0x20: {  	[sflag:s8] =	ssyncset.s32 @!p0 $0xFFFFF086;
	s6 =	sadd.s32 @!p0 s3, s7;
	s7 =	simm.s32 @!p0 $0x108  }
0x21: {  	s3 =	sadd.s32 s3, s9;
	s6 =	sadd.s32 @!p0 $0x88, s6;
	s7 =	simm.s32 @p2 $0x1082  }
0x22: {  	[simem:s7], [sflag:s8] =	dma.local @!p0 [hbm:s6], $0xF7A  }
0x23: {  	s9 =	sor.u32 $0xD0000000, s2;
	s6 =	simm.s32 $0x108;
	_ =	swait.ge @!p0 [sflag:s8], $0x0  }
0x24: {  	s3 =	sadd.s32 $0x88, s3;
	s6 =	simm.s32 @!p1 $0x1082;
	[sflag:s4] =	ssyncset.s32 $0xFFFFF086  }
0x25: {  	[simem:s6], [sflag:s4] =	dma.local [hbm:s3], $0xF7A  }
0x26: {  	[smem:$0x3F7C] =	sst s1;
	(tag) =	ssettag s2;
	_ =	strace s9  }
0x27: {  	s1 =	sld [smem:$0x3F8C]  }
0x28: {  	s2 =	sld [smem:$0x3F8D]  }
0x29: {  	s4 =	sld [smem:$0x3F8F]  }
0x2a: {  	p0 =	seq.s32 s5, $0x0;
	s5 =	sld [smem:$0x3F90]  }
0x2b: {  	s6 =	sld [smem:$0x3F91]  }
0x2c: {  	s7 =	sld [smem:$0x3F92]  }
0x2d: {  	s3 =	simm.s32 $0x108;
	s8 =	sld [smem:$0x3F93]  }
0x2e: {  	s3 =	simm.s32 @!p0 $0x1082;
	s9 =	sld [smem:$0x3F94]  }
0x2f: {  	lr =	sadd.s32 s0, s3;
	s0 =	sld [smem:$0x3F8B]  }
0x30: {  	s3 =	sld [smem:$0x3F8E]  }
0x31: {  	[smem:$0x3F97] =	sst s10  }
0x32: {  	s10 =	sld [smem:$0x3F95];
	_ =	sdelay $0x3  }
0x33: {  	p0 =	seq.s32 s10, $0x1;
	s10 =	sld [smem:$0x3F97];
	_ =	sdelay $0x3  }
0x34: {  	[smem:$0x3F97] =	sst s10  }
0x35: {  	s10 =	sld [smem:$0x3F96];
	_ =	sdelay $0x3  }
0x36: {  	p1 =	seq.s32 s10, $0x1;
	s10 =	sld [smem:$0x3F97];
	_ =	sdelay $0x3  }
0x37: {  	[smem:$0x3F97] =	sst s10  }
0x38: {  	s10 =	sld [smem:$0x3F98]  }
0x39: {  	_ = 	snop;
	(pc) =	sbr.ind lr, $3  }
0x3a: {  	_ = 	snop  }
0x3b: {  	_ = 	snop  }
0x3c: {  	p2 =	seq.s32 s10, $0x1;
	s10 =	sld [smem:$0x3F97]  }
0x3d: {  	_ =	shalt  }
0x3e: {  	_ =	shalt  }
0x3f: {  	_ =	shalt  }
0x40: {  	_ =	shalt  }
0x41: {  	_ =	shalt  }
0x42: {  	_ =	shalt  }
0x43: {  	_ =	shalt  }
0x44: {  	_ =	shalt  }
0x45: {  	_ =	shalt  }
0x46: {  	_ =	shalt  }
0x47: {  	_ =	shalt  }
0x48: {  	_ =	shalt  }
0x49: {  	_ =	shalt  }
0x4a: {  	_ =	shalt  }
0x4b: {  	_ =	shalt  }
0x4c: {  	_ =	shalt  }
0x4d: {  	_ =	shalt  }
0x4e: {  	_ =	shalt  }
0x4f: {  	_ =	shalt  }
0x50: {  	_ =	shalt  }
0x51: {  	_ =	shalt  }
0x52: {  	_ =	shalt  }
0x53: {  	_ =	shalt  }
0x54: {  	_ =	shalt  }
0x55: {  	_ =	shalt  }
0x56: {  	_ =	shalt  }
0x57: {  	_ =	shalt  }
0x58: {  	_ =	shalt  }
0x59: {  	_ =	shalt  }
0x5a: {  	_ =	shalt  }
0x5b: {  	_ =	shalt  }
0x5c: {  	_ =	shalt  }
0x5d: {  	_ =	shalt  }
0x5e: {  	_ =	shalt  }
0x5f: {  	_ =	shalt  }
0x60: {  	_ =	shalt  }
0x61: {  	_ =	shalt  }
0x62: {  	_ =	shalt  }
0x63: {  	_ =	shalt  }
0x64: {  	_ =	shalt  }
0x65: {  	_ =	shalt  }
0x66: {  	_ =	shalt  }
0x67: {  	_ =	shalt  }
0x68: {  	_ =	shalt  }
0x69: {  	_ =	shalt  }
0x6a: {  	_ =	shalt  }
0x6b: {  	_ =	shalt  }
0x6c: {  	_ =	shalt  }
0x6d: {  	_ =	shalt  }
0x6e: {  	_ =	shalt  }
0x6f: {  	_ =	shalt  }
0x70: {  	_ =	shalt  }
0x71: {  	_ =	shalt  }
0x72: {  	_ =	shalt  }
0x73: {  	_ =	shalt  }
0x74: {  	_ =	shalt  }
0x75: {  	_ =	shalt  }
0x76: {  	_ =	shalt  }
0x77: {  	_ =	shalt  }
0x78: {  	_ =	shalt  }
0x79: {  	_ =	shalt  }
0x7a: {  	_ =	shalt  }
0x7b: {  	_ =	shalt  }
0x7c: {  	_ =	shalt  }
0x7d: {  	_ =	shalt  }
0x7e: {  	_ =	shalt  }
0x7f: {  	_ =	shalt  }
0x80: {  	_ =	shalt  }
0x81: {  	_ =	shalt  }
0x82: {  	_ =	shalt  }
0x83: {  	_ =	shalt  }
0x84: {  	_ =	shalt  }
0x85: {  	_ =	shalt  }
0x86: {  	_ =	shalt  }
0x87: {  	_ =	shalt  }
.Lfunc_end0:
.L_simem_size_0:
called_computation.5_lowered:
.L_overlay_start_0:
0x88: {  	s2 =	sld [smem:$0x3FD9]  }
0x89: {  	s3 =	sld [smem:$0x3FFE];
	_ =	sdelay $0x1  }
0x8a: {  	s1 =	srdreg.scid  }
0x8b: {  	s0 =	sand.u32 $0x1, s1  }
0x8c: {  	s16 =	sshll.u32 s0, $0xA;
	s2 =	sadd.s32 s3, s2  }
0x8d: {  	s2 =	sadd.s32 s2, s16  }
0x8e: {  	[smem:$0x3FA3] =	sst s2  }
0x8f: {  	_ = 	snop  }
0x90: {  	(tm) =	ssettm $0x1  }
0x91: {  	s17 =	sld [smem:$0x3FFB];
	_ =	sdelay $0x3  }
0x92: {  	_ =	strace s17  }
0x93: {  	s2 =	sld [smem:$0x3FFC];
	_ =	sdelay $0x3  }
0x94: {  	_ =	strace s2  }
0x95: {  	s2 =	sld [smem:$0x3FFD];
	_ =	sdelay $0x3  }
0x96: {  	_ =	strace s2  }
0x97: {  	_ =	strace $0x8FFFFFFF  }
0x98: {  	s18 =	sld [smem:$0x3FDB];
	_ =	sdelay $0x1  }
0x99: {  	s19 =	simm.s32 $_scs_section_size  }
0x9a: {  	s4 =	simm.s32 $_size__tile_overlayer_lowered;
	s5 =	simm.s32 $_tile_overlayer_lowered  }
0x9b: {  	s22 =	simm.s32 $0x1BFF;
	s21 =	sshll.u32 s5, $0x1;
	s2 =	sadd.s32 s19, s18  }
0x9c: {  	s6 =	simm.s32 $0x0;
	s20 =	sshll.u32 s4, $0x1;
	s4 =	sadd.s32 s21, s2  }
0x9d: {  	[timem:s6], [sflag:s22] =	dma.local [hbm:s4], s20  }
0x9e: {  	_ =	swait.ge [sflag:s22], s20  }
0x9f: {  	s3 =	ssub.s32 $0x0, s20;
	[sflag:s22] =	ssyncset.done $0x0  }
0xa0: {  	[sflag:s22] =	ssyncadd.s32 s3;
	_ =	sdelay $0x1  }
0xa1: {  	s23 =	simm.s32 $0x1B8B  }
0xa2: {  	_ =	swait.ge [sflag:s23], $0x1  }
0xa3: {  	[sflag:s23] =	ssyncset.done $0x0  }
0xa4: {  	s25 =	simm.s32 $0x1B8E;
	s24 =	sld [smem:$0x3FFE];
	[sflag:s23] =	ssyncadd.s32 $0xFFFFFFFF  }
0xa5: {  	s26 =	simm.s32 $execute0_lowered;
	[smem:$0x3FD2] =	sst s25  }
0xa6: {  	s4 =	sshll.u32 s26, $0x1;
	_ =	strace $0x80000055;
	[dreg:$0x1] =	wrdreg $0xFFFFFFFF  }
0xa7: {  	s28 =	simm.s32 $_size_execute0_lowered;
	s2 =	sadd.s32 s2, s4;
	[dreg:$0x0] =	wrdreg $0x0  }
0xa8: {  	s4 =	sshll.u32 s28, $0x1;
	[dreg:$0x2] =	wrdreg s2  }
0xa9: {  	[dreg:$0x3] =	wrdreg s4  }
0xaa: {  	[dreg:$0x4] =	wrdreg $0xC0  }
0xab: {  	_ =	task [dreg:s6], $0x5FFFF  }
0xac: {  	[dreg:$0x1] =	wrdreg $0xFFFFFFFF  }
0xad: {  	[dreg:$0x0] =	wrdreg $0x60  }
0xae: {  	[dreg:$0x2] =	wrdreg s24  }
0xaf: {  	[dreg:$0x3] =	wrdreg $0x12000  }
0xb0: {  	[dreg:$0x4] =	wrdreg $0x9  }
0xb1: {  	_ =	task.clear_ibuf [dreg:s6], $0x5FFFF;
	_ =	strace $0x90000055  }
0xb2: {  	s29 =	simm.s32 $0x9;
	_ =	strace $0x80000057  }
0xb3: {  	_ =	swait.ge [sflag:s29], $0x1  }
0xb4: {  	[sflag:s29] =	ssyncadd.s32 $0xFFFFFFFF  }
0xb5: {  	_ =	strace $0x90000057  }
0xb6: {  	_ =	sfence  }
0xb7: {  	s30 =	sld [smem:$0x0];
	_ =	sdelay $0x2  }
0xb8: {  	s31 =	sshll.u32 s1, $0xD;
	s1 =	sshrl.u32 s1, $0x2  }
0xb9: {  	s3 =	sand.u32 $0x4000, s31;
	s1 =	sadd.s32 s1, s30  }
0xba: {  	s0 =	sor.u32 s3, s0;
	s1 =	sshll.u32 s1, $0x11  }
0xbb: {  	s0 =	sor.u32 s1, s0  }
0xbc: {  	s0 =	sadd.s32 $0x8F2B, s0  }
0xbd: {  	[sflag:s0] =	ssyncadd.remote.s32 $0x1  }
0xbe: {  	_ =	sfence.sel $0xFFFF  }
0xbf: {  	[dreg:$0x0] =	wrdreg $0xFFFFFFFF;
	(pc) =	sbr.abs _section_cstart, $3  }
0xc0: {  	[dreg:$0x1] =	wrdreg $0xFFFFFFFF  }
0xc1: {  	_ =	task.clear_ibuf [dreg:s6], $0x2FFFF;
	_ =	strace $0x9FFFFFFF  }
0xc2: {  	(tm) =	ssettm $0x7FFFFFFF  }
0xc3: {  	_ =	shalt  }
tec
execute0_lowered:
.L_overlay_start_1:
0x0: {  	(tag) =	ssettag $0x1  }
0x1: {  	s5 =	rddreg [dreg:$0x0]  }
0x2: {  	s0 =	srdreg.scid;
	s2 =	rddreg [dreg:$0x1]  }
0x3: {  	s1 =	rddreg [dreg:$0x2];
	s6 =	sand.u32 $0x1, s0  }
0x4: {  	s0 =	stileid.u32;
	s4 =	smul.u32 $0x27800, s6  }
0x5: {  	s3 =	simm.s32 $0x0;
	s12 =	simm.s32 $0x80;
	s7 =	smul.u32 $0x2780, s0  }
0x6: {  	s13 =	simm.s32 $0x1;
	s14 =	simm.s32 $0x100;
	s8 =	smul.u32 $0x4F000, s6  }
0x7: {  	s17 =	simm.s32 $0x0;
	[smem:$0x7FF] =	sst s3;
	s9 =	smul.u32 $0x4F00, s0  }
0x8: {  	_ =	strace $0x80000056;
	s6 =	ssub.s32 $0x2, s6;
	s15 =	sshll.u32 s0, $0x6  }
0x9: {  	s10 =	smul.u32 $0x13C00, s0;
	s30 =	sshrl.u32 s6, $0x1;
	s15 =	sor.u32 $0x1C02, s15  }
0xa: {  	s7 =	sadd.s32 s7, s4;
	s4 =	sadd.s32 $0xF400, s5;
	s8 =	sadd.s32 s9, s8  }
0xb: {  	s31 =	sshrl.u32 s10, $0x2;
	s16 =	sadd.s32 s9, s2;
	s10 =	simm.s32 $0x1100  }
0xc: {  	s7 =	sshrl.u32 s7, $0x3;
	s29 =	sshrl.u32 s8, $0x3;
	s8 =	ssub.s32 s6, s30  }
0xd: {  	s16 =	sshrl.u32 s16, $0x3;
	s11 =	sadd.s32 s7, s5;
	s7 =	sadd.s32 s29, s5  }
0xe: {  	s5 =	sadd.s32 s31, s2;
	s6 =	sadd.s32 $0x19200, s7;
	s7 =	smax.u32 s8, $0x1  }
0xf: {  	v0 =	vimm.f32 $0.0e+00;
	s8 =	sadd.s32 $0x36C00, s11;
	s9 =	sadd.s32 $0x5600, s11;
	s11 =	simm.s32 $0x2  }
.LBB2_1:
0x10: {  	[tilespmem:$0x1100] =	vst v0  }
0x11: {  	[tilespmem:$0x1110] =	vst v0  }
0x12: {  	[tilespmem:$0x1120] =	vst v0  }
0x13: {  	[tilespmem:$0x1130] =	vst v0  }
0x14: {  	[tilespmem:$0x1140] =	vst v0  }
0x15: {  	[tilespmem:$0x1150] =	vst v0  }
0x16: {  	[tilespmem:$0x1160] =	vst v0  }
0x17: {  	[tilespmem:$0x1170] =	vst v0  }
0x18: {  	[tilespmem:$0x1180] =	vst v0  }
0x19: {  	[tilespmem:$0x1190] =	vst v0  }
0x1a: {  	[tilespmem:$0x11A0] =	vst v0  }
0x1b: {  	[tilespmem:$0x11B0] =	vst v0  }
0x1c: {  	[tilespmem:$0x11C0] =	vst v0  }
0x1d: {  	[tilespmem:$0x11D0] =	vst v0  }
0x1e: {  	[tilespmem:$0x11E0] =	vst v0  }
0x1f: {  	[tilespmem:$0x11F0] =	vst v0;
	s18 =	sadd.s32 $0x0, s5  }
0x20: {  	[spmem:s18] =	stream.linear.scatter [tilespmem:s10], [sflag:$0x2], $0x100, $0x38;
	[tilespmem:$0x6100] =	vst v63  }
0x21: {  	s18 =	simm.s32 $0x400;
	_ =	swait.ge [sflag:s11], $0x100  }
.LBB2_2:
0x22: {  	s19 =	sshra.s32 s18, $0x2;
	[sflag:s11] =	ssyncset.done $0x0;
	p0 =	sne.s32 s18, $0x13800  }
.Ltmp0:
0x23: {  	s19 =	sadd.s32 s19, s5;
	[sflag:s11] =	ssyncadd.s32 $0xFFFFFF00;
	(pc) =	sbr.rel @p0 .LBB2_2-.Ltmp0, $3  }
0x24: {  	[spmem:s19] =	stream.linear.scatter [tilespmem:s10], [sflag:$0x2], $0x100, $0x38;
	[tilespmem:$0x6100] =	vst v63  }
0x25: {  	s18 =	sadd.s32 $0x400, s18;
	_ =	sdelay $0x1  }
0x26: {  	_ =	swait.ge [sflag:s11], $0x100  }
0x27: {  	[sflag:s11] =	ssyncset.done $0x0  }
0x28: {  	[sflag:s11] =	ssyncadd.s32 $0xFFFFFF00  }
0x29: {  	s18 =	sadd.s32 $0x0, s9;
	[bflag:$0x0] =	sbarrier.arrive $0xFFFF  }
0x2a: {  	[tilespmem:s3], [sflag:$0x1] =	stream.linear.gather [hbm4b:s18+s3], $0x80, $0x38;
	[tilespmem:$0x6100] =	vst v63  }
0x2b: {  	s31 =	sadd.s32 $0x0, s8  }
0x2c: {  	[tilespmem:s12], [sflag:$0x1] =	stream.linear.gather [hbm4b:s31+s3], $0x80, $0x38;
	[tilespmem:$0x6100] =	vst v63  }
0x2d: {  	_ =	swait.ge [sflag:s13], $0x80  }
0x2e: {  	[sflag:s13] =	ssyncset.done $0x0  }
0x2f: {  	[sflag:s13] =	ssyncadd.s32 $0xFFFFFF80  }
0x30: {  	_ =	swait.ge [sflag:s13], $0x80  }
0x31: {  	[sflag:s13] =	ssyncset.done $0x0  }
0x32: {  	[sflag:s13] =	ssyncadd.s32 $0xFFFFFF80  }
0x33: {  	[tilespmem:s14], [sflag:$0x1] =	stream.indirect.gather [hbm4b:s4+s12], $0x20, s3, s12, $0xb8;
	[tilespmem:$0x6100] =	vst v63  }
0x34: {  	_ =	swait.ge [sflag:s13], $0x1000  }
0x35: {  	[sflag:s13] =	ssyncset.done $0x0  }
0x36: {  	[sflag:s13] =	ssyncadd.s32 $0xFFFFF000  }
0x37: {  	[spmem:s2] =	stream.indirect.scatter.add.f32 [tilespmem:s14], [sflag:$0x2], $0x20, s12, s12, $0xb8;
	[tilespmem:$0x6100] =	vst v63  }
0x38: {  	_ =	swait.ge [sflag:s11], $0x1000  }
0x39: {  	s19 =	simm.s32 $0x20;
	s18 =	simm.s32 $0x10;
	[sflag:s11] =	ssyncset.done $0x0  }
.LBB2_4:
0x3a: {  	s20 =	sadd.s32 s18, s9  }
0x3b: {  	[sflag:s11] =	ssyncadd.s32 $0xFFFFF000;
	s21 =	smov.u32 s19;
	s22 =	sadd.s32 $0x10, s19  }
0x3c: {  	[tilespmem:s3], [sflag:$0x1] =	stream.linear.gather [hbm4b:s20+s3], $0x80, $0x38;
	[tilespmem:$0x6100] =	vst v63  }
0x3d: {  	p0 =	sne.s32 s19, $0x4E0;
	s19 =	sadd.s32 s18, s8;
	s18 =	smov.u32 s21  }
0x3e: {  	[tilespmem:s12], [sflag:$0x1] =	stream.linear.gather [hbm4b:s19+s3], $0x80, $0x38;
	[tilespmem:$0x6100] =	vst v63  }
0x3f: {  	_ =	swait.ge [sflag:s13], $0x80  }
0x40: {  	[sflag:s13] =	ssyncset.done $0x0  }
0x41: {  	[sflag:s13] =	ssyncadd.s32 $0xFFFFFF80  }
0x42: {  	_ =	swait.ge [sflag:s13], $0x80  }
0x43: {  	[sflag:s13] =	ssyncset.done $0x0  }
0x44: {  	[sflag:s13] =	ssyncadd.s32 $0xFFFFFF80  }
0x45: {  	[tilespmem:s14], [sflag:$0x1] =	stream.indirect.gather [hbm4b:s4+s12], $0x20, s3, s12, $0xb8;
	[tilespmem:$0x6100] =	vst v63  }
0x46: {  	_ =	swait.ge [sflag:s13], $0x1000  }
.Ltmp1:
0x47: {  	[sflag:s13] =	ssyncset.done $0x0;
	(pc) =	sbr.rel @p0 .LBB2_4-.Ltmp1, $4  }
0x48: {  	[sflag:s13] =	ssyncadd.s32 $0xFFFFF000  }
0x49: {  	[spmem:s2] =	stream.indirect.scatter.add.f32 [tilespmem:s14], [sflag:$0x2], $0x20, s12, s12, $0xb8;
	[tilespmem:$0x6100] =	vst v63  }
0x4a: {  	_ =	swait.ge [sflag:s11], $0x1000  }
0x4b: {  	s19 =	smov.u32 s22;
	[sflag:s11] =	ssyncset.done $0x0  }
0x4c: {  	s19 =	sadd.s32 s18, s9;
	[sflag:s11] =	ssyncadd.s32 $0xFFFFF000  }
0x4d: {  	[tilespmem:s3], [sflag:$0x1] =	stream.linear.gather [hbm4b:s19+s3], $0x80, $0x38;
	[tilespmem:$0x6100] =	vst v63  }
0x4e: {  	s31 =	sadd.s32 s18, s8  }
0x4f: {  	[tilespmem:s12], [sflag:$0x1] =	stream.linear.gather [hbm4b:s31+s3], $0x80, $0x38;
	[tilespmem:$0x6100] =	vst v63  }
0x50: {  	_ =	swait.ge [sflag:s13], $0x80  }
0x51: {  	[sflag:s13] =	ssyncset.done $0x0  }
0x52: {  	[sflag:s13] =	ssyncadd.s32 $0xFFFFFF80  }
0x53: {  	_ =	swait.ge [sflag:s13], $0x80  }
0x54: {  	[sflag:s13] =	ssyncset.done $0x0  }
0x55: {  	[sflag:s13] =	ssyncadd.s32 $0xFFFFFF80  }
0x56: {  	[tilespmem:s14], [sflag:$0x1] =	stream.indirect.gather [hbm4b:s4+s12], $0x20, s3, s12, $0xb8;
	[tilespmem:$0x6100] =	vst v63  }
0x57: {  	_ =	swait.ge [sflag:s13], $0x1000  }
0x58: {  	[sflag:s13] =	ssyncset.done $0x0  }
0x59: {  	[sflag:s13] =	ssyncadd.s32 $0xFFFFF000  }
0x5a: {  	[spmem:s2] =	stream.indirect.scatter.add.f32 [tilespmem:s14], [sflag:$0x2], $0x20, s12, s12, $0xb8;
	[tilespmem:$0x6100] =	vst v63  }
0x5b: {  	_ =	swait.ge [sflag:s11], $0x1000  }
0x5c: {  	s17 =	sadd.s32 $0x1, s17;
	[sflag:s11] =	ssyncset.done $0x0  }
0x5d: {  	p0 =	sne.s32 s17, s7;
	[sflag:s11] =	ssyncadd.s32 $0xFFFFF000  }
.Ltmp2:
0x5e: {  	[bflag:$0x0] =	sbarrier.arrive $0xFFFF;
	(pc) =	sbr.rel @p0 .LBB2_1-.Ltmp2, $4  }
0x5f: {  	[hbm:s6], [sflag:s15] =	dma.local [spmem:s16], $0x9E0  }
0x60: {  	_ =	swait.ge [sflag:s11], $0x9E0  }
0x61: {  	[sflag:s11] =	ssyncset.done $0x0  }
0x62: {  	[sflag:s11] =	ssyncadd.s32 $0xFFFFF620  }
0x63: {  	_ =	sfence.sel $0x180000  }
0x64: {  	[bflag:$0x0] =	sbarrier.arrive $0xFFFF  }
0x65: {  	p0 =	sne.s32 s0, $0x0;
	_ =	strace $0x90000056  }
0x66: {  	s0 =	sadd.s32 @!p0 $0x100000, s1;
	[bflag:$0x2] =	sbarrier.arrive $0xFFFF  }
0x67: {  	[sflag:s0] =	ssyncadd.tile.s32 @!p0 $0x1;
	_ =	shalt  }
.Lfunc_end2:
_tile_overlayer_lowered:
.L_overlay_start_2:
0x68: {  	(tag) =	ssettag $0x2  }
0x69: {  	s0 =	rddreg [dreg:$0x0];
	s2 =	stileid.u32  }
0x6a: {  	s1 =	rddreg [dreg:$0x1];
	p0 =	sne.s32 s2, $0x0  }
0x6b: {  	s3 =	rddreg [dreg:$0x2];
	[bflag:$0x3] =	sbarrier.arrive $0xFFFF;
	s2 =	simm.s32 @!p0 $0x1C02  }
0x6c: {  	[timem:s3], [sflag:s2] =	dma.local @!p0 [hbm:s0], s1  }
0x6d: {  	s0 =	simm.s32 @!p0 $0x2  }
0x6e: {  	_ =	swait.ge @!p0 [sflag:s0], s1  }
0x6f: {  	s1 =	ssub.s32 @!p0 $0x0, s1;
	[sflag:s0] =	ssyncset.done @!p0 $0x0  }
0x70: {  	[sflag:s0] =	ssyncadd.s32 @!p0 s1  }
0x71: {  	[bflag:$0x3] =	sbarrier.arrive $0xFFFF  }
0x72: {  	_ =	shalt  }

// kernel: kernel.24.cloned.1.call-start
scs
__scs_entry_jumppad:
0x0: {  	(pc) =	sbr.rel $0x88, $3  }
0x1: {  	(tag) =	ssettag $0x0;
	lr =	simm.s32 $0x1  }
0x2: {  	[smem:$0x3F7C] =	sst lr;
	_ =	strace $0xD0000000  }
0x3: {  	_ = 	snop  }
0x4: {  	_ = 	snop  }
0x5: {  	_ = 	snop  }
0x6: {  	_ = 	snop  }
0x7: {  	_ = 	snop  }
__scs_overlays_trampoline_lowered:
0x8: {  	[smem:$0x3F8B] =	sst s0  }
0x9: {  	[smem:$0x3F8C] =	sst s1  }
0xa: {  	[smem:$0x3F8D] =	sst s2  }
0xb: {  	[smem:$0x3F8E] =	sst s3  }
0xc: {  	[smem:$0x3F8F] =	sst s4  }
0xd: {  	[smem:$0x3F90] =	sst s5  }
0xe: {  	[smem:$0x3F91] =	sst s6  }
0xf: {  	[smem:$0x3F92] =	sst s7  }
0x10: {  	[smem:$0x3F93] =	sst s8  }
0x11: {  	[smem:$0x3F94] =	sst s9;
	s0 =	simm.s32 @!p0 $0x0  }
0x12: {  	s1 =	sld [smem:$0x3F7A];
	s0 =	simm.s32 @p0 $0x1  }
0x13: {  	[smem:$0x3F95] =	sst s0;
	s0 =	simm.s32 @!p1 $0x0  }
0x14: {  	s2 =	sld [smem:$0x3F79];
	s0 =	simm.s32 @p1 $0x1  }
0x15: {  	[smem:$0x3F96] =	sst s0;
	s0 =	simm.s32 @!p2 $0x0  }
0x16: {  	s3 =	sld [smem:$0x3FDB];
	s0 =	simm.s32 @p2 $0x1  }
0x17: {  	s4 =	simm.s32 $0x1BF5;
	[smem:$0x3F98] =	sst s0  }
0x18: {  	s0 =	sld [smem:$0x3F7B];
	_ =	swait.ge [sflag:s4], $0x0  }
0x19: {  	s7 =	sld [smem:$0x3F7C]  }
0x1a: {  	s8 =	sadd.s32 $0xFFFFE003, lr  }
0x1b: {  	s9 =	sadd.s32 $0xFFFFFEF7, lr;
	s5 =	simm.s32 $0xFFFFFFFF;
	p2 =	slt.u32 s8, $0xFFFFF086  }
0x1c: {  	p1 =	slt.u32 s9, $0xF7A;
	s5 =	simm.s32 @!p2 $0x0  }
0x1d: {  	s5 =	simm.s32 @p1 $0x1;
	p0 =	seq.s32 s7, s2  }
0x1e: {  	s7 =	smul.u32 @!p0 $0xF7A, s2;
	p2 =	seq.s32 @!p0 s5, $0x0  }
0x1f: {  	s9 =	smul.u32 $0xF7A, s1;
	s8 =	simm.s32 @!p0 $0x1BF5;
	p2 =	por !p2, p0  }
0x20: {  	[sflag:s8] =	ssyncset.s32 @!p0 $0xFFFFF086;
	s6 =	sadd.s32 @!p0 s3, s7;
	s7 =	simm.s32 @!p0 $0x108  }
0x21: {  	s3 =	sadd.s32 s3, s9;
	s6 =	sadd.s32 @!p0 $0x88, s6;
	s7 =	simm.s32 @p2 $0x1082  }
0x22: {  	[simem:s7], [sflag:s8] =	dma.local @!p0 [hbm:s6], $0xF7A  }
0x23: {  	s9 =	sor.u32 $0xD0000000, s2;
	s6 =	simm.s32 $0x108;
	_ =	swait.ge @!p0 [sflag:s8], $0x0  }
0x24: {  	s3 =	sadd.s32 $0x88, s3;
	s6 =	simm.s32 @!p1 $0x1082;
	[sflag:s4] =	ssyncset.s32 $0xFFFFF086  }
0x25: {  	[simem:s6], [sflag:s4] =	dma.local [hbm:s3], $0xF7A  }
0x26: {  	[smem:$0x3F7C] =	sst s1;
	(tag) =	ssettag s2;
	_ =	strace s9  }
0x27: {  	s1 =	sld [smem:$0x3F8C]  }
0x28: {  	s2 =	sld [smem:$0x3F8D]  }
0x29: {  	s4 =	sld [smem:$0x3F8F]  }
0x2a: {  	p0 =	seq.s32 s5, $0x0;
	s5 =	sld [smem:$0x3F90]  }
0x2b: {  	s6 =	sld [smem:$0x3F91]  }
0x2c: {  	s7 =	sld [smem:$0x3F92]  }
0x2d: {  	s3 =	simm.s32 $0x108;
	s8 =	sld [smem:$0x3F93]  }
0x2e: {  	s3 =	simm.s32 @!p0 $0x1082;
	s9 =	sld [smem:$0x3F94]  }
0x2f: {  	lr =	sadd.s32 s0, s3;
	s0 =	sld [smem:$0x3F8B]  }
0x30: {  	s3 =	sld [smem:$0x3F8E]  }
0x31: {  	[smem:$0x3F97] =	sst s10  }
0x32: {  	s10 =	sld [smem:$0x3F95];
	_ =	sdelay $0x3  }
0x33: {  	p0 =	seq.s32 s10, $0x1;
	s10 =	sld [smem:$0x3F97];
	_ =	sdelay $0x3  }
0x34: {  	[smem:$0x3F97] =	sst s10  }
0x35: {  	s10 =	sld [smem:$0x3F96];
	_ =	sdelay $0x3  }
0x36: {  	p1 =	seq.s32 s10, $0x1;
	s10 =	sld [smem:$0x3F97];
	_ =	sdelay $0x3  }
0x37: {  	[smem:$0x3F97] =	sst s10  }
0x38: {  	s10 =	sld [smem:$0x3F98]  }
0x39: {  	_ = 	snop;
	(pc) =	sbr.ind lr, $3  }
0x3a: {  	_ = 	snop  }
0x3b: {  	_ = 	snop  }
0x3c: {  	p2 =	seq.s32 s10, $0x1;
	s10 =	sld [smem:$0x3F97]  }
0x3d: {  	_ =	shalt  }
0x3e: {  	_ =	shalt  }
0x3f: {  	_ =	shalt  }
0x40: {  	_ =	shalt  }
0x41: {  	_ =	shalt  }
0x42: {  	_ =	shalt  }
0x43: {  	_ =	shalt  }
0x44: {  	_ =	shalt  }
0x45: {  	_ =	shalt  }
0x46: {  	_ =	shalt  }
0x47: {  	_ =	shalt  }
0x48: {  	_ =	shalt  }
0x49: {  	_ =	shalt  }
0x4a: {  	_ =	shalt  }
0x4b: {  	_ =	shalt  }
0x4c: {  	_ =	shalt  }
0x4d: {  	_ =	shalt  }
0x4e: {  	_ =	shalt  }
0x4f: {  	_ =	shalt  }
0x50: {  	_ =	shalt  }
0x51: {  	_ =	shalt  }
0x52: {  	_ =	shalt  }
0x53: {  	_ =	shalt  }
0x54: {  	_ =	shalt  }
0x55: {  	_ =	shalt  }
0x56: {  	_ =	shalt  }
0x57: {  	_ =	shalt  }
0x58: {  	_ =	shalt  }
0x59: {  	_ =	shalt  }
0x5a: {  	_ =	shalt  }
0x5b: {  	_ =	shalt  }
0x5c: {  	_ =	shalt  }
0x5d: {  	_ =	shalt  }
0x5e: {  	_ =	shalt  }
0x5f: {  	_ =	shalt  }
0x60: {  	_ =	shalt  }
0x61: {  	_ =	shalt  }
0x62: {  	_ =	shalt  }
0x63: {  	_ =	shalt  }
0x64: {  	_ =	shalt  }
0x65: {  	_ =	shalt  }
0x66: {  	_ =	shalt  }
0x67: {  	_ =	shalt  }
0x68: {  	_ =	shalt  }
0x69: {  	_ =	shalt  }
0x6a: {  	_ =	shalt  }
0x6b: {  	_ =	shalt  }
0x6c: {  	_ =	shalt  }
0x6d: {  	_ =	shalt  }
0x6e: {  	_ =	shalt  }
0x6f: {  	_ =	shalt  }
0x70: {  	_ =	shalt  }
0x71: {  	_ =	shalt  }
0x72: {  	_ =	shalt  }
0x73: {  	_ =	shalt  }
0x74: {  	_ =	shalt  }
0x75: {  	_ =	shalt  }
0x76: {  	_ =	shalt  }
0x77: {  	_ =	shalt  }
0x78: {  	_ =	shalt  }
0x79: {  	_ =	shalt  }
0x7a: {  	_ =	shalt  }
0x7b: {  	_ =	shalt  }
0x7c: {  	_ =	shalt  }
0x7d: {  	_ =	shalt  }
0x7e: {  	_ =	shalt  }
0x7f: {  	_ =	shalt  }
0x80: {  	_ =	shalt  }
0x81: {  	_ =	shalt  }
0x82: {  	_ =	shalt  }
0x83: {  	_ =	shalt  }
0x84: {  	_ =	shalt  }
0x85: {  	_ =	shalt  }
0x86: {  	_ =	shalt  }
0x87: {  	_ =	shalt  }
.Lfunc_end0:
.L_simem_size_0:
called_computation.6_lowered:
.L_overlay_start_0:
0x88: {  	s2 =	sld [smem:$0x3FD9]  }
0x89: {  	s3 =	sld [smem:$0x3FFE];
	_ =	sdelay $0x1  }
0x8a: {  	s1 =	srdreg.scid  }
0x8b: {  	s0 =	sand.u32 $0x1, s1  }
0x8c: {  	s16 =	sshll.u32 s0, $0xA;
	s2 =	sadd.s32 s3, s2  }
0x8d: {  	s2 =	sadd.s32 s2, s16  }
0x8e: {  	[smem:$0x3FA3] =	sst s2  }
0x8f: {  	_ = 	snop  }
0x90: {  	(tm) =	ssettm $0x1  }
0x91: {  	s17 =	sld [smem:$0x3FFB];
	_ =	sdelay $0x3  }
0x92: {  	_ =	strace s17  }
0x93: {  	s2 =	sld [smem:$0x3FFC];
	_ =	sdelay $0x3  }
0x94: {  	_ =	strace s2  }
0x95: {  	s2 =	sld [smem:$0x3FFD];
	_ =	sdelay $0x3  }
0x96: {  	_ =	strace s2  }
0x97: {  	_ =	strace $0x8FFFFFFF  }
0x98: {  	s18 =	sld [smem:$0x3FDB];
	_ =	sdelay $0x1  }
0x99: {  	s19 =	simm.s32 $_scs_section_size  }
0x9a: {  	s4 =	simm.s32 $_size__tile_overlayer_lowered;
	s5 =	simm.s32 $_tile_overlayer_lowered  }
0x9b: {  	s22 =	simm.s32 $0x1BFF;
	s21 =	sshll.u32 s5, $0x1;
	s2 =	sadd.s32 s19, s18  }
0x9c: {  	s6 =	simm.s32 $0x0;
	s20 =	sshll.u32 s4, $0x1;
	s4 =	sadd.s32 s21, s2  }
0x9d: {  	[timem:s6], [sflag:s22] =	dma.local [hbm:s4], s20  }
0x9e: {  	_ =	swait.ge [sflag:s22], s20  }
0x9f: {  	s3 =	ssub.s32 $0x0, s20;
	[sflag:s22] =	ssyncset.done $0x0  }
0xa0: {  	[sflag:s22] =	ssyncadd.s32 s3;
	_ =	sdelay $0x1  }
0xa1: {  	s23 =	simm.s32 $0x1B8B  }
0xa2: {  	_ =	swait.ge [sflag:s23], $0x1  }
0xa3: {  	[sflag:s23] =	ssyncset.done $0x0  }
0xa4: {  	s25 =	simm.s32 $0x1B8E;
	s24 =	sld [smem:$0x3FFE];
	[sflag:s23] =	ssyncadd.s32 $0xFFFFFFFF  }
0xa5: {  	s26 =	simm.s32 $execute0_lowered;
	[smem:$0x3FD2] =	sst s25  }
0xa6: {  	s4 =	sshll.u32 s26, $0x1;
	_ =	strace $0x80000058;
	[dreg:$0x1] =	wrdreg $0xFFFFFFFF  }
0xa7: {  	s28 =	simm.s32 $_size_execute0_lowered;
	s2 =	sadd.s32 s2, s4;
	[dreg:$0x0] =	wrdreg $0x0  }
0xa8: {  	s4 =	sshll.u32 s28, $0x1;
	[dreg:$0x2] =	wrdreg s2  }
0xa9: {  	[dreg:$0x3] =	wrdreg s4  }
0xaa: {  	[dreg:$0x4] =	wrdreg $0xC0  }
0xab: {  	_ =	task [dreg:s6], $0x5FFFF  }
0xac: {  	[dreg:$0x1] =	wrdreg $0xFFFFFFFF  }
0xad: {  	[dreg:$0x0] =	wrdreg $0x60  }
0xae: {  	[dreg:$0x2] =	wrdreg s24  }
0xaf: {  	[dreg:$0x3] =	wrdreg $0x12000  }
0xb0: {  	[dreg:$0x4] =	wrdreg $0x9  }
0xb1: {  	_ =	task.clear_ibuf [dreg:s6], $0x5FFFF;
	_ =	strace $0x90000058  }
0xb2: {  	s29 =	simm.s32 $0x9;
	_ =	strace $0x8000005A  }
0xb3: {  	_ =	swait.ge [sflag:s29], $0x1  }
0xb4: {  	[sflag:s29] =	ssyncadd.s32 $0xFFFFFFFF  }
0xb5: {  	_ =	strace $0x9000005A  }
0xb6: {  	_ =	sfence  }
0xb7: {  	s30 =	sld [smem:$0x0];
	_ =	sdelay $0x2  }
0xb8: {  	s31 =	sshll.u32 s1, $0xD;
	s1 =	sshrl.u32 s1, $0x2  }
0xb9: {  	s3 =	sand.u32 $0x4000, s31;
	s1 =	sadd.s32 s1, s30  }
0xba: {  	s0 =	sor.u32 s3, s0;
	s1 =	sshll.u32 s1, $0x11  }
0xbb: {  	s0 =	sor.u32 s1, s0  }
0xbc: {  	s0 =	sadd.s32 $0x8F2B, s0  }
0xbd: {  	[sflag:s0] =	ssyncadd.remote.s32 $0x1  }
0xbe: {  	_ =	sfence.sel $0xFFFF  }
0xbf: {  	[dreg:$0x0] =	wrdreg $0xFFFFFFFF;
	(pc) =	sbr.abs _section_cstart, $3  }
0xc0: {  	[dreg:$0x1] =	wrdreg $0xFFFFFFFF  }
0xc1: {  	_ =	task.clear_ibuf [dreg:s6], $0x2FFFF;
	_ =	strace $0x9FFFFFFF  }
0xc2: {  	(tm) =	ssettm $0x7FFFFFFF  }
0xc3: {  	_ =	shalt  }
tec
execute0_lowered:
.L_overlay_start_1:
0x0: {  	(tag) =	ssettag $0x1  }
0x1: {  	s5 =	rddreg [dreg:$0x0]  }
0x2: {  	s0 =	srdreg.scid;
	s2 =	rddreg [dreg:$0x1]  }
0x3: {  	s1 =	rddreg [dreg:$0x2];
	s6 =	sand.u32 $0x1, s0  }
0x4: {  	s0 =	stileid.u32;
	s4 =	smul.u32 $0x27800, s6  }
0x5: {  	s3 =	simm.s32 $0x0;
	s12 =	simm.s32 $0x80;
	s7 =	smul.u32 $0x2780, s0  }
0x6: {  	s13 =	simm.s32 $0x1;
	s14 =	simm.s32 $0x100;
	s8 =	smul.u32 $0x4F000, s6  }
0x7: {  	s17 =	simm.s32 $0x0;
	[smem:$0x7FF] =	sst s3;
	s9 =	smul.u32 $0x4F00, s0  }
0x8: {  	_ =	strace $0x80000059;
	s6 =	ssub.s32 $0x2, s6;
	s15 =	sshll.u32 s0, $0x6  }
0x9: {  	s10 =	smul.u32 $0x13C00, s0;
	s30 =	sshrl.u32 s6, $0x1;
	s15 =	sor.u32 $0x1C02, s15  }
0xa: {  	s7 =	sadd.s32 s7, s4;
	s4 =	sadd.s32 $0xF400, s5;
	s8 =	sadd.s32 s9, s8  }
0xb: {  	s31 =	sshrl.u32 s10, $0x2;
	s16 =	sadd.s32 s9, s2;
	s10 =	simm.s32 $0x1100  }
0xc: {  	s7 =	sshrl.u32 s7, $0x3;
	s29 =	sshrl.u32 s8, $0x3;
	s8 =	ssub.s32 s6, s30  }
0xd: {  	s16 =	sshrl.u32 s16, $0x3;
	s11 =	sadd.s32 s7, s5;
	s7 =	sadd.s32 s29, s5  }
0xe: {  	s5 =	sadd.s32 s31, s2;
	s6 =	sadd.s32 $0x19200, s7;
	s7 =	smax.u32 s8, $0x1  }
0xf: {  	v0 =	vimm.f32 $0.0e+00;
	s8 =	sadd.s32 $0x36C00, s11;
	s9 =	sadd.s32 $0x5600, s11;
	s11 =	simm.s32 $0x2  }
.LBB2_1:
0x10: {  	[tilespmem:$0x1100] =	vst v0  }
0x11: {  	[tilespmem:$0x1110] =	vst v0  }
0x12: {  	[tilespmem:$0x1120] =	vst v0  }
0x13: {  	[tilespmem:$0x1130] =	vst v0  }
0x14: {  	[tilespmem:$0x1140] =	vst v0  }
0x15: {  	[tilespmem:$0x1150] =	vst v0  }
0x16: {  	[tilespmem:$0x1160] =	vst v0  }
0x17: {  	[tilespmem:$0x1170] =	vst v0  }
0x18: {  	[tilespmem:$0x1180] =	vst v0  }
0x19: {  	[tilespmem:$0x1190] =	vst v0  }
0x1a: {  	[tilespmem:$0x11A0] =	vst v0  }
0x1b: {  	[tilespmem:$0x11B0] =	vst v0  }
0x1c: {  	[tilespmem:$0x11C0] =	vst v0  }
0x1d: {  	[tilespmem:$0x11D0] =	vst v0  }
0x1e: {  	[tilespmem:$0x11E0] =	vst v0  }
0x1f: {  	[tilespmem:$0x11F0] =	vst v0;
	s18 =	sadd.s32 $0x0, s5  }
0x20: {  	[spmem:s18] =	stream.linear.scatter [tilespmem:s10], [sflag:$0x2], $0x100, $0x38;
	[tilespmem:$0x6100] =	vst v63  }
0x21: {  	s18 =	simm.s32 $0x400;
	_ =	swait.ge [sflag:s11], $0x100  }
.LBB2_2:
0x22: {  	s19 =	sshra.s32 s18, $0x2;
	[sflag:s11] =	ssyncset.done $0x0;
	p0 =	sne.s32 s18, $0x13800  }
.Ltmp0:
0x23: {  	s19 =	sadd.s32 s19, s5;
	[sflag:s11] =	ssyncadd.s32 $0xFFFFFF00;
	(pc) =	sbr.rel @p0 .LBB2_2-.Ltmp0, $3  }
0x24: {  	[spmem:s19] =	stream.linear.scatter [tilespmem:s10], [sflag:$0x2], $0x100, $0x38;
	[tilespmem:$0x6100] =	vst v63  }
0x25: {  	s18 =	sadd.s32 $0x400, s18;
	_ =	sdelay $0x1  }
0x26: {  	_ =	swait.ge [sflag:s11], $0x100  }
0x27: {  	[sflag:s11] =	ssyncset.done $0x0  }
0x28: {  	[sflag:s11] =	ssyncadd.s32 $0xFFFFFF00  }
0x29: {  	s18 =	sadd.s32 $0x0, s9;
	[bflag:$0x0] =	sbarrier.arrive $0xFFFF  }
0x2a: {  	[tilespmem:s3], [sflag:$0x1] =	stream.linear.gather [hbm4b:s18+s3], $0x80, $0x38;
	[tilespmem:$0x6100] =	vst v63  }
0x2b: {  	s31 =	sadd.s32 $0x0, s8  }
0x2c: {  	[tilespmem:s12], [sflag:$0x1] =	stream.linear.gather [hbm4b:s31+s3], $0x80, $0x38;
	[tilespmem:$0x6100] =	vst v63  }
0x2d: {  	_ =	swait.ge [sflag:s13], $0x80  }
0x2e: {  	[sflag:s13] =	ssyncset.done $0x0  }
0x2f: {  	[sflag:s13] =	ssyncadd.s32 $0xFFFFFF80  }
0x30: {  	_ =	swait.ge [sflag:s13], $0x80  }
0x31: {  	[sflag:s13] =	ssyncset.done $0x0  }
0x32: {  	[sflag:s13] =	ssyncadd.s32 $0xFFFFFF80  }
0x33: {  	[tilespmem:s14], [sflag:$0x1] =	stream.indirect.gather [hbm4b:s4+s12], $0x20, s3, s12, $0xb8;
	[tilespmem:$0x6100] =	vst v63  }
0x34: {  	_ =	swait.ge [sflag:s13], $0x1000  }
0x35: {  	[sflag:s13] =	ssyncset.done $0x0  }
0x36: {  	[sflag:s13] =	ssyncadd.s32 $0xFFFFF000  }
0x37: {  	[spmem:s2] =	stream.indirect.scatter.add.f32 [tilespmem:s14], [sflag:$0x2], $0x20, s12, s12, $0xb8;
	[tilespmem:$0x6100] =	vst v63  }
0x38: {  	_ =	swait.ge [sflag:s11], $0x1000  }
0x39: {  	s19 =	simm.s32 $0x20;
	s18 =	simm.s32 $0x10;
	[sflag:s11] =	ssyncset.done $0x0  }
.LBB2_4:
0x3a: {  	s20 =	sadd.s32 s18, s9  }
0x3b: {  	[sflag:s11] =	ssyncadd.s32 $0xFFFFF000;
	s21 =	smov.u32 s19;
	s22 =	sadd.s32 $0x10, s19  }
0x3c: {  	[tilespmem:s3], [sflag:$0x1] =	stream.linear.gather [hbm4b:s20+s3], $0x80, $0x38;
	[tilespmem:$0x6100] =	vst v63  }
0x3d: {  	p0 =	sne.s32 s19, $0x4E0;
	s19 =	sadd.s32 s18, s8;
	s18 =	smov.u32 s21  }
0x3e: {  	[tilespmem:s12], [sflag:$0x1] =	stream.linear.gather [hbm4b:s19+s3], $0x80, $0x38;
	[tilespmem:$0x6100] =	vst v63  }
0x3f: {  	_ =	swait.ge [sflag:s13], $0x80  }
0x40: {  	[sflag:s13] =	ssyncset.done $0x0  }
0x41: {  	[sflag:s13] =	ssyncadd.s32 $0xFFFFFF80  }
0x42: {  	_ =	swait.ge [sflag:s13], $0x80  }
0x43: {  	[sflag:s13] =	ssyncset.done $0x0  }
0x44: {  	[sflag:s13] =	ssyncadd.s32 $0xFFFFFF80  }
0x45: {  	[tilespmem:s14], [sflag:$0x1] =	stream.indirect.gather [hbm4b:s4+s12], $0x20, s3, s12, $0xb8;
	[tilespmem:$0x6100] =	vst v63  }
0x46: {  	_ =	swait.ge [sflag:s13], $0x1000  }
.Ltmp1:
0x47: {  	[sflag:s13] =	ssyncset.done $0x0;
	(pc) =	sbr.rel @p0 .LBB2_4-.Ltmp1, $4  }
0x48: {  	[sflag:s13] =	ssyncadd.s32 $0xFFFFF000  }
0x49: {  	[spmem:s2] =	stream.indirect.scatter.add.f32 [tilespmem:s14], [sflag:$0x2], $0x20, s12, s12, $0xb8;
	[tilespmem:$0x6100] =	vst v63  }
0x4a: {  	_ =	swait.ge [sflag:s11], $0x1000  }
0x4b: {  	s19 =	smov.u32 s22;
	[sflag:s11] =	ssyncset.done $0x0  }
0x4c: {  	s19 =	sadd.s32 s18, s9;
	[sflag:s11] =	ssyncadd.s32 $0xFFFFF000  }
0x4d: {  	[tilespmem:s3], [sflag:$0x1] =	stream.linear.gather [hbm4b:s19+s3], $0x80, $0x38;
	[tilespmem:$0x6100] =	vst v63  }
0x4e: {  	s31 =	sadd.s32 s18, s8  }
0x4f: {  	[tilespmem:s12], [sflag:$0x1] =	stream.linear.gather [hbm4b:s31+s3], $0x80, $0x38;
	[tilespmem:$0x6100] =	vst v63  }
0x50: {  	_ =	swait.ge [sflag:s13], $0x80  }
0x51: {  	[sflag:s13] =	ssyncset.done $0x0  }
0x52: {  	[sflag:s13] =	ssyncadd.s32 $0xFFFFFF80  }
0x53: {  	_ =	swait.ge [sflag:s13], $0x80  }
0x54: {  	[sflag:s13] =	ssyncset.done $0x0  }
0x55: {  	[sflag:s13] =	ssyncadd.s32 $0xFFFFFF80  }
0x56: {  	[tilespmem:s14], [sflag:$0x1] =	stream.indirect.gather [hbm4b:s4+s12], $0x20, s3, s12, $0xb8;
	[tilespmem:$0x6100] =	vst v63  }
0x57: {  	_ =	swait.ge [sflag:s13], $0x1000  }
0x58: {  	[sflag:s13] =	ssyncset.done $0x0  }
0x59: {  	[sflag:s13] =	ssyncadd.s32 $0xFFFFF000  }
0x5a: {  	[spmem:s2] =	stream.indirect.scatter.add.f32 [tilespmem:s14], [sflag:$0x2], $0x20, s12, s12, $0xb8;
	[tilespmem:$0x6100] =	vst v63  }
0x5b: {  	_ =	swait.ge [sflag:s11], $0x1000  }
0x5c: {  	s17 =	sadd.s32 $0x1, s17;
	[sflag:s11] =	ssyncset.done $0x0  }
0x5d: {  	p0 =	sne.s32 s17, s7;
	[sflag:s11] =	ssyncadd.s32 $0xFFFFF000  }
.Ltmp2:
0x5e: {  	[bflag:$0x0] =	sbarrier.arrive $0xFFFF;
	(pc) =	sbr.rel @p0 .LBB2_1-.Ltmp2, $4  }
0x5f: {  	[hbm:s6], [sflag:s15] =	dma.local [spmem:s16], $0x9E0  }
0x60: {  	_ =	swait.ge [sflag:s11], $0x9E0  }
0x61: {  	[sflag:s11] =	ssyncset.done $0x0  }
0x62: {  	[sflag:s11] =	ssyncadd.s32 $0xFFFFF620  }
0x63: {  	_ =	sfence.sel $0x180000  }
0x64: {  	[bflag:$0x0] =	sbarrier.arrive $0xFFFF  }
0x65: {  	p0 =	sne.s32 s0, $0x0;
	_ =	strace $0x90000059  }
0x66: {  	s0 =	sadd.s32 @!p0 $0x100000, s1;
	[bflag:$0x2] =	sbarrier.arrive $0xFFFF  }
0x67: {  	[sflag:s0] =	ssyncadd.tile.s32 @!p0 $0x1;
	_ =	shalt  }
.Lfunc_end2:
_tile_overlayer_lowered:
.L_overlay_start_2:
0x68: {  	(tag) =	ssettag $0x2  }
0x69: {  	s0 =	rddreg [dreg:$0x0];
	s2 =	stileid.u32  }
0x6a: {  	s1 =	rddreg [dreg:$0x1];
	p0 =	sne.s32 s2, $0x0  }
0x6b: {  	s3 =	rddreg [dreg:$0x2];
	[bflag:$0x3] =	sbarrier.arrive $0xFFFF;
	s2 =	simm.s32 @!p0 $0x1C02  }
0x6c: {  	[timem:s3], [sflag:s2] =	dma.local @!p0 [hbm:s0], s1  }
0x6d: {  	s0 =	simm.s32 @!p0 $0x2  }
0x6e: {  	_ =	swait.ge @!p0 [sflag:s0], s1  }
0x6f: {  	s1 =	ssub.s32 @!p0 $0x0, s1;
	[sflag:s0] =	ssyncset.done @!p0 $0x0  }
0x70: {  	[sflag:s0] =	ssyncadd.s32 @!p0 s1  }
0x71: {  	[bflag:$0x3] =	sbarrier.arrive $0xFFFF  }
0x72: {  	_ =	shalt  }

</sc_bundles>
